<compile_context>
chip_gen: v7x
topology: tpu7x:2x2x1
jax: 0.10.2.dev20260603
libtpu: 0.0.44.dev20260713+nightly
codegen_flags: <defaults>
</compile_context>

<pallas_src>
import functools

import jax
import jax.numpy as jnp
from jax import lax
from jax.experimental import pallas as pl
from jax.experimental.pallas import tpu as pltpu
from jax.experimental.pallas import tpu_sc as plsc

N = 10000
E = 320000
D = 128
G = 128

NC = 2
NS = 16
NW = NC * NS
CH = 80
NCHUNK = 125
EPW = NCHUNK * CH
EPAD = NW * EPW
NBUF = 4
NP = 10240
RPS = NP // NS


def _sc_agg_body(x_hbm, src_hbm, dst_hbm, out_hbm, *sc):
    c = lax.axis_index("c")
    s = lax.axis_index("s")
    wid = s * NC + c
    HF = CH // 2
    sbuf = sc[0:NBUF]
    dbufa = sc[NBUF:2 * NBUF]
    dbufb = sc[2 * NBUF:3 * NBUF]
    rows = sc[3 * NBUF:4 * NBUF]
    acc = sc[4 * NBUF]
    gsem = sc[4 * NBUF + 1:5 * NBUF + 1]
    ssem = sc[5 * NBUF + 1:6 * NBUF + 1]
    dsem = sc[6 * NBUF + 1:7 * NBUF + 1]
    asem = sc[7 * NBUF + 1:8 * NBUF + 1]

    def load_s(ch, b):
        pltpu.async_copy(src_hbm.at[pl.ds(wid * EPW + ch * CH, CH)], sbuf[b], ssem[b])

    def load_d(ch, b):
        base = wid * EPW + ch * CH
        pltpu.async_copy(dst_hbm.at[pl.ds(base, HF)], dbufa[b], dsem[b])
        pltpu.async_copy(dst_hbm.at[pl.ds(base + HF, HF)], dbufb[b], dsem[b])

    def wait_s(ch, b):
        pltpu.make_async_copy(
            src_hbm.at[pl.ds(wid * EPW + ch * CH, CH)], sbuf[b], ssem[b]).wait()

    def wait_d(ch, b):
        base = wid * EPW + ch * CH
        pltpu.make_async_copy(dst_hbm.at[pl.ds(base, HF)], dbufa[b], dsem[b]).wait()
        pltpu.make_async_copy(dst_hbm.at[pl.ds(base + HF, HF)], dbufb[b], dsem[b]).wait()

    def gather(b):
        pltpu.async_copy(x_hbm.at[sbuf[b]], rows[b], gsem[b])

    def scatter(b):
        pltpu.async_copy(rows[b].at[pl.ds(0, HF)], acc.at[dbufa[b]], asem[b], add=True)
        pltpu.async_copy(rows[b].at[pl.ds(HF, HF)], acc.at[dbufb[b]], asem[b], add=True)
        pltpu.make_async_copy(rows[b].at[pl.ds(0, HF)], acc.at[dbufa[b]], asem[b]).wait()
        pltpu.make_async_copy(rows[b].at[pl.ds(HF, HF)], acc.at[dbufb[b]], asem[b]).wait()

    for b in range(NBUF):
        load_s(b, b)
        load_d(b, b)

    zero = jnp.zeros((16,), jnp.float32)

    def zrow(r, _):
        for col in range(D // 16):
            rows[0][r, pl.ds(col * 16, 16)] = zero
        return 0

    lax.fori_loop(0, CH, zrow, 0)
    for k in range(RPS // CH):
        pltpu.sync_copy(rows[0], acc.at[pl.ds(s * RPS + k * CH, CH)])

    for b in range(NBUF):
        wait_s(b, b)
        gather(b)
    plsc.subcore_barrier()

    def group(g, _):
        for b in range(NBUF):
            ch = g + b

            @pl.when(ch < NCHUNK)
            def _():
                pltpu.make_async_copy(x_hbm.at[sbuf[b]], rows[b], gsem[b]).wait()

                @pl.when(ch + NBUF < NCHUNK)
                def _():
                    load_s(ch + NBUF, b)

                wait_d(ch, b)
                scatter(b)

                @pl.when(ch + NBUF < NCHUNK)
                def _():
                    load_d(ch + NBUF, b)
                    wait_s(ch + NBUF, b)
                    gather(b)
        return 0

    lax.fori_loop(0, (NCHUNK + NBUF - 1) // NBUF, lambda g, u: group(NBUF * g, u), 0)
    plsc.subcore_barrier()

    pltpu.sync_copy(acc.at[pl.ds(s * RPS, RPS)], out_hbm.at[c, pl.ds(s * RPS, RPS)])


@functools.cache
def _sc_agg_kernel():
    return pl.kernel(
        _sc_agg_body,
        out_type=jax.ShapeDtypeStruct((NC, NP, D), jnp.float32),
        mesh=plsc.VectorSubcoreMesh(core_axis_name="c", subcore_axis_name="s"),
        scratch_types=(
            [pltpu.VMEM((CH,), jnp.int32)] * NBUF
            + [pltpu.VMEM((CH // 2,), jnp.int32)] * (2 * NBUF)
            + [pltpu.VMEM((CH, D), jnp.float32)] * NBUF
            + [pltpu.VMEM_SHARED((NP, D), jnp.float32)]
            + [pltpu.SemaphoreType.DMA] * (4 * NBUF)
        ),
    )


def _sc_agg(h, src, dst):
    return _sc_agg_kernel()(h, src, dst)


def _dot(a, b):
    return lax.dot(a, b, preferred_element_type=jnp.float32)


BLK = 5000
NBLK = N // BLK


def _layer1_body(x_ref, p0_ref, p1_ref, wa, ba, wb, bb, o_ref):
    z = x_ref[...] + p0_ref[0] + p1_ref[0]
    a = jnp.maximum(_dot(z, wa[...]) + ba[...], 0.0)
    o_ref[...] = jnp.maximum(_dot(a, wb[...]) + bb[...], 0.0)


def _layer1(x, partial, Wa, ba, Wb, bb):
    w_spec = pl.BlockSpec((D, D), lambda i: (0, 0))
    b_spec = pl.BlockSpec((1, D), lambda i: (0, 0))
    return pl.pallas_call(
        _layer1_body,
        grid=(NBLK,),
        in_specs=[
            pl.BlockSpec((BLK, D), lambda i: (i, 0)),
            pl.BlockSpec((1, BLK, D), lambda i: (0, i, 0)),
            pl.BlockSpec((1, BLK, D), lambda i: (1, i, 0)),
            w_spec, b_spec, w_spec, b_spec,
        ],
        out_specs=pl.BlockSpec((BLK, D), lambda i: (i, 0)),
        out_shape=jax.ShapeDtypeStruct((N, D), jnp.float32),
    )(x, partial, partial, Wa, ba.reshape(1, D), Wb, bb.reshape(1, D))


def _layer2_body(h_ref, p0_ref, p1_ref, b_ref, w2a, b2a, w2b, b2b,
                 wm1, bm1, wm2, bm2, wc, bc, o_ref, acc):
    i = pl.program_id(0)
    z = h_ref[...] + p0_ref[0] + p1_ref[0]
    a = jnp.maximum(_dot(z, w2a[...]) + b2a[...], 0.0)
    h2 = jnp.maximum(_dot(a, w2b[...]) + b2b[...], 0.0)
    seg = b_ref[0, 0, :]
    gids = lax.broadcasted_iota(jnp.int32, (G, BLK), 0)
    mask = (seg[None, :] == gids).astype(jnp.float32)
    contrib = _dot(mask, h2)

    @pl.when(i == 0)
    def _():
        acc[...] = contrib

    @pl.when(i > 0)
    def _():
        acc[...] += contrib

    @pl.when(i == NBLK - 1)
    def _():
        m1 = jnp.maximum(_dot(acc[...], wm1[...]) + bm1[...], 0.0)
        m2 = jnp.maximum(_dot(m1, wm2[...]) + bm2[...], 0.0)
        o_ref[...] = _dot(m2, wc[...]) + bc[...]


def _layer2(h, partial, batch3, W2a, b2a, W2b, b2b, Wm1, bm1, Wm2, bm2, Wc, bc):
    w_spec = pl.BlockSpec((D, D), lambda i: (0, 0))
    b_spec = pl.BlockSpec((1, D), lambda i: (0, 0))
    return pl.pallas_call(
        _layer2_body,
        grid=(NBLK,),
        in_specs=[
            pl.BlockSpec((BLK, D), lambda i: (i, 0)),
            pl.BlockSpec((1, BLK, D), lambda i: (0, i, 0)),
            pl.BlockSpec((1, BLK, D), lambda i: (1, i, 0)),
            pl.BlockSpec((1, 1, BLK), lambda i: (i, 0, 0)),
            w_spec, b_spec, w_spec, b_spec,
            w_spec, b_spec, w_spec, b_spec, w_spec, b_spec,
        ],
        out_specs=pl.BlockSpec((G, D), lambda i: (0, 0)),
        out_shape=jax.ShapeDtypeStruct((G, D), jnp.float32),
        scratch_shapes=[pltpu.VMEM((G, D), jnp.float32)],
    )(h, partial, partial, batch3,
      W2a, b2a.reshape(1, D), W2b, b2b.reshape(1, D),
      Wm1, bm1.reshape(1, D), Wm2, bm2.reshape(1, D), Wc, bc.reshape(1, D))


def kernel(x, edge_index, batch, W1a, b1a, W1b, b1b, W2a, b2a, W2b, b2b,
           Wm1, bm1, Wm2, bm2, Wc, bc):
    src = edge_index[0]
    dst = edge_index[1]
    batch3 = batch.reshape(NBLK, 1, BLK)

    if EPAD > E:
        pad = EPAD - E
        src = jnp.concatenate([src, jnp.zeros((pad,), jnp.int32)])
        dst = jnp.concatenate([dst, jnp.full((pad,), NP - 1, jnp.int32)])

    p1 = _sc_agg(x, src, dst)
    h1 = _layer1(x, p1, W1a, b1a, W1b, b1b)
    p2 = _sc_agg(h1, src, dst)
    return _layer2(h1, p2, batch3, W2a, b2a, W2b, b2b,
                   Wm1, bm1, Wm2, bm2, Wc, bc)

# --- scband reference (transcript-rebuilt; emitter-appended) ---
"""Pipeline reference for scband-gin-40802189312202 (READ-ONLY COPY).

The authoritative reference and input builder live on the scoring server;
editing this copy changes nothing except your own understanding.
"""

import jax, jax.numpy as jnp
import numpy as np

N = 10000
E = 320000
D = 128
H = 128
OUT = 128
G = 128


def setup_inputs(seed: int = 0) -> dict:
    key = jax.random.key(seed)
    ks = jax.random.split(key, 20)
    x = jax.random.normal(ks[0], (N, D), dtype=jnp.float32)
    edge_index = jax.random.randint(ks[1], (2, E), 0, N, dtype=jnp.int32)
    batch = jnp.sort(jax.random.randint(ks[2], (N,), 0, G, dtype=jnp.int32))
    s = 0.05
    params = {
        'W1a': jax.random.normal(ks[3], (D, H), dtype=jnp.float32) * s,
        'b1a': jnp.zeros((H,), dtype=jnp.float32),
        'W1b': jax.random.normal(ks[4], (H, H), dtype=jnp.float32) * s,
        'b1b': jnp.zeros((H,), dtype=jnp.float32),
        'W2a': jax.random.normal(ks[5], (H, H), dtype=jnp.float32) * s,
        'b2a': jnp.zeros((H,), dtype=jnp.float32),
        'W2b': jax.random.normal(ks[6], (H, H), dtype=jnp.float32) * s,
        'b2b': jnp.zeros((H,), dtype=jnp.float32),
        'Wm1': jax.random.normal(ks[7], (H, H), dtype=jnp.float32) * s,
        'bm1': jnp.zeros((H,), dtype=jnp.float32),
        'Wm2': jax.random.normal(ks[8], (H, H), dtype=jnp.float32) * s,
        'bm2': jnp.zeros((H,), dtype=jnp.float32),
        'Wc': jax.random.normal(ks[9], (H, OUT), dtype=jnp.float32) * s,
        'bc': jnp.zeros((OUT,), dtype=jnp.float32),
    }
    return {'x': x, 'edge_index': edge_index, 'batch': batch, **params}


def reference(x, edge_index, batch, W1a, b1a, W1b, b1b, W2a, b2a, W2b, b2b, Wm1, bm1, Wm2, bm2, Wc, bc):
    src = edge_index[0]
    dst = edge_index[1]

    def gin_conv(h, Wa, ba, Wb, bb):
        # GINConv with eps=0: mlp((1+eps)*h + sum_{j in N(i)} h_j)
        agg = jnp.zeros_like(h).at[dst].add(h[src])
        z = h + agg
        z = jnp.maximum(z @ Wa + ba, 0.0)
        return z @ Wb + bb

    h = jnp.maximum(gin_conv(x, W1a, b1a, W1b, b1b), 0.0)
    h = jnp.maximum(gin_conv(h, W2a, b2a, W2b, b2b), 0.0)
    # global_add_pool
    pooled = jax.ops.segment_sum(h, batch, num_segments=G)
    # mlp head (dropout = identity in eval)
    m = jnp.maximum(pooled @ Wm1 + bm1, 0.0)
    m = jnp.maximum(m @ Wm2 + bm2, 0.0)
    return m @ Wc + bc

if __name__ == "__main__":
    import jax
    _d = setup_inputs()
    print(jax.jit(kernel)(*tuple(_d.values())))

</pallas_src>

<mosaic_0001>
#map = affine_map<(d0, d1) -> (0, 0)>
#map1 = affine_map<(d0, d1) -> (0)>
#map2 = affine_map<(d0, d1) -> (0, 0, 0)>
module attributes {stable_mosaic.version = 14 : i64} {
  func.func @_sc_agg_body(%arg0: i32, %arg1: i32, %arg2: memref<10000x128xf32, #tpu.memory_space<hbm>>, %arg3: memref<320000xi32, #tpu.memory_space<hbm>>, %arg4: memref<320000xi32, #tpu.memory_space<hbm>>, %arg5: memref<2x10240x128xf32, #tpu.memory_space<hbm>>, %arg6: memref<80xi32, #tpu.memory_space<vmem>>, %arg7: memref<80xi32, #tpu.memory_space<vmem>>, %arg8: memref<80xi32, #tpu.memory_space<vmem>>, %arg9: memref<80xi32, #tpu.memory_space<vmem>>, %arg10: memref<40xi32, #tpu.memory_space<vmem>>, %arg11: memref<40xi32, #tpu.memory_space<vmem>>, %arg12: memref<40xi32, #tpu.memory_space<vmem>>, %arg13: memref<40xi32, #tpu.memory_space<vmem>>, %arg14: memref<40xi32, #tpu.memory_space<vmem>>, %arg15: memref<40xi32, #tpu.memory_space<vmem>>, %arg16: memref<40xi32, #tpu.memory_space<vmem>>, %arg17: memref<40xi32, #tpu.memory_space<vmem>>, %arg18: memref<80x128xf32, #tpu.memory_space<vmem>>, %arg19: memref<80x128xf32, #tpu.memory_space<vmem>>, %arg20: memref<80x128xf32, #tpu.memory_space<vmem>>, %arg21: memref<80x128xf32, #tpu.memory_space<vmem>>, %arg22: memref<10240x128xf32, #tpu.memory_space<vmem_shared>>, %arg23: memref<!tpu.dma_semaphore, #tpu.memory_space<semaphore_mem>>, %arg24: memref<!tpu.dma_semaphore, #tpu.memory_space<semaphore_mem>>, %arg25: memref<!tpu.dma_semaphore, #tpu.memory_space<semaphore_mem>>, %arg26: memref<!tpu.dma_semaphore, #tpu.memory_space<semaphore_mem>>, %arg27: memref<!tpu.dma_semaphore, #tpu.memory_space<semaphore_mem>>, %arg28: memref<!tpu.dma_semaphore, #tpu.memory_space<semaphore_mem>>, %arg29: memref<!tpu.dma_semaphore, #tpu.memory_space<semaphore_mem>>, %arg30: memref<!tpu.dma_semaphore, #tpu.memory_space<semaphore_mem>>, %arg31: memref<!tpu.dma_semaphore, #tpu.memory_space<semaphore_mem>>, %arg32: memref<!tpu.dma_semaphore, #tpu.memory_space<semaphore_mem>>, %arg33: memref<!tpu.dma_semaphore, #tpu.memory_space<semaphore_mem>>, %arg34: memref<!tpu.dma_semaphore, #tpu.memory_space<semaphore_mem>>, %arg35: memref<!tpu.dma_semaphore, #tpu.memory_space<semaphore_mem>>, %arg36: memref<!tpu.dma_semaphore, #tpu.memory_space<semaphore_mem>>, %arg37: memref<!tpu.dma_semaphore, #tpu.memory_space<semaphore_mem>>, %arg38: memref<!tpu.dma_semaphore, #tpu.memory_space<semaphore_mem>>) attributes {dimension_semantics = [#tpu.dimension_semantics<core_parallel>, #tpu.dimension_semantics<subcore_parallel>], iteration_bounds = array<i64: 2, 16>, scalar_prefetch = 0 : i64, scratch_operands = 33 : i64, tpu.core_type = #tpu.core_type<sc_vector_subcore>, window_params = [{transform_indices = #map}, {transform_indices = #map1}, {transform_indices = #map1}, {transform_indices = #map2}]} {
    %mul3A = arith.constant 2 : i32
    %mul3A_0 = arith.muli %arg1, %mul3A : i32
    %add3A = arith.addi %mul3A_0, %arg0 : i32
    %mul3A_1 = arith.constant 10000 : i32
    %mul3A_2 = arith.muli %add3A, %mul3A_1 : i32
    %add3A_3 = arith.constant 0 : i32
    %add3A_4 = arith.addi %mul3A_2, %add3A_3 : i32
    %dma_start3A = tpu.memref_slice %arg3[%add3A_4] : memref<320000xi32, #tpu.memory_space<hbm>> -> memref<80xi32, #tpu.memory_space<hbm>>
    %dma_start3A_5 = tpu.memref_slice %arg3[%add3A_4] : memref<320000xi32, #tpu.memory_space<hbm>> -> memref<80xi32, #tpu.memory_space<hbm>>
    tpu.enqueue_dma source(%dma_start3A_5 : memref<80xi32, #tpu.memory_space<hbm>>) target(%arg6 : memref<80xi32, #tpu.memory_space<vmem>>) target_semaphore(%arg27 : memref<!tpu.dma_semaphore, #tpu.memory_space<semaphore_mem>>)
    %mul3A_6 = arith.constant 10000 : i32
    %mul3A_7 = arith.muli %add3A, %mul3A_6 : i32
    %add3A_8 = arith.constant 0 : i32
    %add3A_9 = arith.addi %mul3A_7, %add3A_8 : i32
    %dma_start3A_10 = tpu.memref_slice %arg4[%add3A_9] : memref<320000xi32, #tpu.memory_space<hbm>> -> memref<40xi32, #tpu.memory_space<hbm>>
    %dma_start3A_11 = tpu.memref_slice %arg4[%add3A_9] : memref<320000xi32, #tpu.memory_space<hbm>> -> memref<40xi32, #tpu.memory_space<hbm>>
    tpu.enqueue_dma source(%dma_start3A_11 : memref<40xi32, #tpu.memory_space<hbm>>) target(%arg10 : memref<40xi32, #tpu.memory_space<vmem>>) target_semaphore(%arg31 : memref<!tpu.dma_semaphore, #tpu.memory_space<semaphore_mem>>)
    %add3A_12 = arith.constant 40 : i32
    %add3A_13 = arith.addi %add3A_9, %add3A_12 : i32
    %dma_start3A_14 = tpu.memref_slice %arg4[%add3A_13] : memref<320000xi32, #tpu.memory_space<hbm>> -> memref<40xi32, #tpu.memory_space<hbm>>
    %dma_start3A_15 = tpu.memref_slice %arg4[%add3A_13] : memref<320000xi32, #tpu.memory_space<hbm>> -> memref<40xi32, #tpu.memory_space<hbm>>
    tpu.enqueue_dma source(%dma_start3A_15 : memref<40xi32, #tpu.memory_space<hbm>>) target(%arg14 : memref<40xi32, #tpu.memory_space<vmem>>) target_semaphore(%arg31 : memref<!tpu.dma_semaphore, #tpu.memory_space<semaphore_mem>>)
    %mul3A_16 = arith.constant 10000 : i32
    %mul3A_17 = arith.muli %add3A, %mul3A_16 : i32
    %add3A_18 = arith.constant 80 : i32
    %add3A_19 = arith.addi %mul3A_17, %add3A_18 : i32
    %dma_start3A_20 = tpu.memref_slice %arg3[%add3A_19] : memref<320000xi32, #tpu.memory_space<hbm>> -> memref<80xi32, #tpu.memory_space<hbm>>
    %dma_start3A_21 = tpu.memref_slice %arg3[%add3A_19] : memref<320000xi32, #tpu.memory_space<hbm>> -> memref<80xi32, #tpu.memory_space<hbm>>
    tpu.enqueue_dma source(%dma_start3A_21 : memref<80xi32, #tpu.memory_space<hbm>>) target(%arg7 : memref<80xi32, #tpu.memory_space<vmem>>) target_semaphore(%arg28 : memref<!tpu.dma_semaphore, #tpu.memory_space<semaphore_mem>>)
    %mul3A_22 = arith.constant 10000 : i32
    %mul3A_23 = arith.muli %add3A, %mul3A_22 : i32
    %add3A_24 = arith.constant 80 : i32
    %add3A_25 = arith.addi %mul3A_23, %add3A_24 : i32
    %dma_start3A_26 = tpu.memref_slice %arg4[%add3A_25] : memref<320000xi32, #tpu.memory_space<hbm>> -> memref<40xi32, #tpu.memory_space<hbm>>
    %dma_start3A_27 = tpu.memref_slice %arg4[%add3A_25] : memref<320000xi32, #tpu.memory_space<hbm>> -> memref<40xi32, #tpu.memory_space<hbm>>
    tpu.enqueue_dma source(%dma_start3A_27 : memref<40xi32, #tpu.memory_space<hbm>>) target(%arg11 : memref<40xi32, #tpu.memory_space<vmem>>) target_semaphore(%arg32 : memref<!tpu.dma_semaphore, #tpu.memory_space<semaphore_mem>>)
    %add3A_28 = arith.constant 40 : i32
    %add3A_29 = arith.addi %add3A_25, %add3A_28 : i32
    %dma_start3A_30 = tpu.memref_slice %arg4[%add3A_29] : memref<320000xi32, #tpu.memory_space<hbm>> -> memref<40xi32, #tpu.memory_space<hbm>>
    %dma_start3A_31 = tpu.memref_slice %arg4[%add3A_29] : memref<320000xi32, #tpu.memory_space<hbm>> -> memref<40xi32, #tpu.memory_space<hbm>>
    tpu.enqueue_dma source(%dma_start3A_31 : memref<40xi32, #tpu.memory_space<hbm>>) target(%arg15 : memref<40xi32, #tpu.memory_space<vmem>>) target_semaphore(%arg32 : memref<!tpu.dma_semaphore, #tpu.memory_space<semaphore_mem>>)
    %mul3A_32 = arith.constant 10000 : i32
    %mul3A_33 = arith.muli %add3A, %mul3A_32 : i32
    %add3A_34 = arith.constant 160 : i32
    %add3A_35 = arith.addi %mul3A_33, %add3A_34 : i32
    %dma_start3A_36 = tpu.memref_slice %arg3[%add3A_35] : memref<320000xi32, #tpu.memory_space<hbm>> -> memref<80xi32, #tpu.memory_space<hbm>>
    %dma_start3A_37 = tpu.memref_slice %arg3[%add3A_35] : memref<320000xi32, #tpu.memory_space<hbm>> -> memref<80xi32, #tpu.memory_space<hbm>>
    tpu.enqueue_dma source(%dma_start3A_37 : memref<80xi32, #tpu.memory_space<hbm>>) target(%arg8 : memref<80xi32, #tpu.memory_space<vmem>>) target_semaphore(%arg29 : memref<!tpu.dma_semaphore, #tpu.memory_space<semaphore_mem>>)
    %mul3A_38 = arith.constant 10000 : i32
    %mul3A_39 = arith.muli %add3A, %mul3A_38 : i32
    %add3A_40 = arith.constant 160 : i32
    %add3A_41 = arith.addi %mul3A_39, %add3A_40 : i32
    %dma_start3A_42 = tpu.memref_slice %arg4[%add3A_41] : memref<320000xi32, #tpu.memory_space<hbm>> -> memref<40xi32, #tpu.memory_space<hbm>>
    %dma_start3A_43 = tpu.memref_slice %arg4[%add3A_41] : memref<320000xi32, #tpu.memory_space<hbm>> -> memref<40xi32, #tpu.memory_space<hbm>>
    tpu.enqueue_dma source(%dma_start3A_43 : memref<40xi32, #tpu.memory_space<hbm>>) target(%arg12 : memref<40xi32, #tpu.memory_space<vmem>>) target_semaphore(%arg33 : memref<!tpu.dma_semaphore, #tpu.memory_space<semaphore_mem>>)
    %add3A_44 = arith.constant 40 : i32
    %add3A_45 = arith.addi %add3A_41, %add3A_44 : i32
    %dma_start3A_46 = tpu.memref_slice %arg4[%add3A_45] : memref<320000xi32, #tpu.memory_space<hbm>> -> memref<40xi32, #tpu.memory_space<hbm>>
    %dma_start3A_47 = tpu.memref_slice %arg4[%add3A_45] : memref<320000xi32, #tpu.memory_space<hbm>> -> memref<40xi32, #tpu.memory_space<hbm>>
    tpu.enqueue_dma source(%dma_start3A_47 : memref<40xi32, #tpu.memory_space<hbm>>) target(%arg16 : memref<40xi32, #tpu.memory_space<vmem>>) target_semaphore(%arg33 : memref<!tpu.dma_semaphore, #tpu.memory_space<semaphore_mem>>)
    %mul3A_48 = arith.constant 10000 : i32
    %mul3A_49 = arith.muli %add3A, %mul3A_48 : i32
    %add3A_50 = arith.constant 240 : i32
    %add3A_51 = arith.addi %mul3A_49, %add3A_50 : i32
    %dma_start3A_52 = tpu.memref_slice %arg3[%add3A_51] : memref<320000xi32, #tpu.memory_space<hbm>> -> memref<80xi32, #tpu.memory_space<hbm>>
    %dma_start3A_53 = tpu.memref_slice %arg3[%add3A_51] : memref<320000xi32, #tpu.memory_space<hbm>> -> memref<80xi32, #tpu.memory_space<hbm>>
    tpu.enqueue_dma source(%dma_start3A_53 : memref<80xi32, #tpu.memory_space<hbm>>) target(%arg9 : memref<80xi32, #tpu.memory_space<vmem>>) target_semaphore(%arg30 : memref<!tpu.dma_semaphore, #tpu.memory_space<semaphore_mem>>)
    %mul3A_54 = arith.constant 10000 : i32
    %mul3A_55 = arith.muli %add3A, %mul3A_54 : i32
    %add3A_56 = arith.constant 240 : i32
    %add3A_57 = arith.addi %mul3A_55, %add3A_56 : i32
    %dma_start3A_58 = tpu.memref_slice %arg4[%add3A_57] : memref<320000xi32, #tpu.memory_space<hbm>> -> memref<40xi32, #tpu.memory_space<hbm>>
    %dma_start3A_59 = tpu.memref_slice %arg4[%add3A_57] : memref<320000xi32, #tpu.memory_space<hbm>> -> memref<40xi32, #tpu.memory_space<hbm>>
    tpu.enqueue_dma source(%dma_start3A_59 : memref<40xi32, #tpu.memory_space<hbm>>) target(%arg13 : memref<40xi32, #tpu.memory_space<vmem>>) target_semaphore(%arg34 : memref<!tpu.dma_semaphore, #tpu.memory_space<semaphore_mem>>)
    %add3A_60 = arith.constant 40 : i32
    %add3A_61 = arith.addi %add3A_57, %add3A_60 : i32
    %dma_start3A_62 = tpu.memref_slice %arg4[%add3A_61] : memref<320000xi32, #tpu.memory_space<hbm>> -> memref<40xi32, #tpu.memory_space<hbm>>
    %dma_start3A_63 = tpu.memref_slice %arg4[%add3A_61] : memref<320000xi32, #tpu.memory_space<hbm>> -> memref<40xi32, #tpu.memory_space<hbm>>
    tpu.enqueue_dma source(%dma_start3A_63 : memref<40xi32, #tpu.memory_space<hbm>>) target(%arg17 : memref<40xi32, #tpu.memory_space<vmem>>) target_semaphore(%arg34 : memref<!tpu.dma_semaphore, #tpu.memory_space<semaphore_mem>>)
    %broadcast_in_dim3A = arith.constant 0.000000e+00 : f32
    %broadcast_in_dim3A_64 = vector.broadcast %broadcast_in_dim3A : f32 to vector<16xf32>
    %scan3A = arith.constant 0 : i32
    %scan3A_65 = arith.constant 0 : i32
    %scan3A_66 = arith.constant 80 : i32
    %scan3A_67 = arith.addi %scan3A_65, %scan3A_66 : i32
    %scan3A_68 = arith.constant 1 : i32
    %scan3A_69 = scf.for %scan3A_150 = %scan3A_65 to %scan3A_67 step %scan3A_68 iter_args(%scan3A_151 = %scan3A) -> (i32)  : i32 {
      %swap3A = arith.index_cast %scan3A_150 : i32 to index
      %swap3A_152 = arith.constant 0 : index
      %swap3A_153 = tpu.vector_load %arg18[%swap3A, %swap3A_152] {strides = array<i32>} : memref<80x128xf32, #tpu.memory_space<vmem>>, vector<1x16xf32>,
      %swap3A_154 = vector.shape_cast %swap3A_153 : vector<1x16xf32> to vector<16xf32>
      %swap3A_155 = vector.shape_cast %broadcast_in_dim3A_64 : vector<16xf32> to vector<1x16xf32>
      tpu.vector_store %arg18[%swap3A, %swap3A_152], %swap3A_155 {strides = array<i32>} : memref<80x128xf32, #tpu.memory_space<vmem>>, vector<1x16xf32>,
      %swap3A_156 = arith.index_cast %scan3A_150 : i32 to index
      %swap3A_157 = arith.constant 16 : index
      %swap3A_158 = tpu.vector_load %arg18[%swap3A_156, %swap3A_157] {strides = array<i32>} : memref<80x128xf32, #tpu.memory_space<vmem>>, vector<1x16xf32>,
      %swap3A_159 = vector.shape_cast %swap3A_158 : vector<1x16xf32> to vector<16xf32>
      %swap3A_160 = vector.shape_cast %broadcast_in_dim3A_64 : vector<16xf32> to vector<1x16xf32>
      tpu.vector_store %arg18[%swap3A_156, %swap3A_157], %swap3A_160 {strides = array<i32>} : memref<80x128xf32, #tpu.memory_space<vmem>>, vector<1x16xf32>,
      %swap3A_161 = arith.index_cast %scan3A_150 : i32 to index
      %swap3A_162 = arith.constant 32 : index
      %swap3A_163 = tpu.vector_load %arg18[%swap3A_161, %swap3A_162] {strides = array<i32>} : memref<80x128xf32, #tpu.memory_space<vmem>>, vector<1x16xf32>,
      %swap3A_164 = vector.shape_cast %swap3A_163 : vector<1x16xf32> to vector<16xf32>
      %swap3A_165 = vector.shape_cast %broadcast_in_dim3A_64 : vector<16xf32> to vector<1x16xf32>
      tpu.vector_store %arg18[%swap3A_161, %swap3A_162], %swap3A_165 {strides = array<i32>} : memref<80x128xf32, #tpu.memory_space<vmem>>, vector<1x16xf32>,
      %swap3A_166 = arith.index_cast %scan3A_150 : i32 to index
      %swap3A_167 = arith.constant 48 : index
      %swap3A_168 = tpu.vector_load %arg18[%swap3A_166, %swap3A_167] {strides = array<i32>} : memref<80x128xf32, #tpu.memory_space<vmem>>, vector<1x16xf32>,
      %swap3A_169 = vector.shape_cast %swap3A_168 : vector<1x16xf32> to vector<16xf32>
      %swap3A_170 = vector.shape_cast %broadcast_in_dim3A_64 : vector<16xf32> to vector<1x16xf32>
      tpu.vector_store %arg18[%swap3A_166, %swap3A_167], %swap3A_170 {strides = array<i32>} : memref<80x128xf32, #tpu.memory_space<vmem>>, vector<1x16xf32>,
      %swap3A_171 = arith.index_cast %scan3A_150 : i32 to index
      %swap3A_172 = arith.constant 64 : index
      %swap3A_173 = tpu.vector_load %arg18[%swap3A_171, %swap3A_172] {strides = array<i32>} : memref<80x128xf32, #tpu.memory_space<vmem>>, vector<1x16xf32>,
      %swap3A_174 = vector.shape_cast %swap3A_173 : vector<1x16xf32> to vector<16xf32>
      %swap3A_175 = vector.shape_cast %broadcast_in_dim3A_64 : vector<16xf32> to vector<1x16xf32>
      tpu.vector_store %arg18[%swap3A_171, %swap3A_172], %swap3A_175 {strides = array<i32>} : memref<80x128xf32, #tpu.memory_space<vmem>>, vector<1x16xf32>,
      %swap3A_176 = arith.index_cast %scan3A_150 : i32 to index
      %swap3A_177 = arith.constant 80 : index
      %swap3A_178 = tpu.vector_load %arg18[%swap3A_176, %swap3A_177] {strides = array<i32>} : memref<80x128xf32, #tpu.memory_space<vmem>>, vector<1x16xf32>,
      %swap3A_179 = vector.shape_cast %swap3A_178 : vector<1x16xf32> to vector<16xf32>
      %swap3A_180 = vector.shape_cast %broadcast_in_dim3A_64 : vector<16xf32> to vector<1x16xf32>
      tpu.vector_store %arg18[%swap3A_176, %swap3A_177], %swap3A_180 {strides = array<i32>} : memref<80x128xf32, #tpu.memory_space<vmem>>, vector<1x16xf32>,
      %swap3A_181 = arith.index_cast %scan3A_150 : i32 to index
      %swap3A_182 = arith.constant 96 : index
      %swap3A_183 = tpu.vector_load %arg18[%swap3A_181, %swap3A_182] {strides = array<i32>} : memref<80x128xf32, #tpu.memory_space<vmem>>, vector<1x16xf32>,
      %swap3A_184 = vector.shape_cast %swap3A_183 : vector<1x16xf32> to vector<16xf32>
      %swap3A_185 = vector.shape_cast %broadcast_in_dim3A_64 : vector<16xf32> to vector<1x16xf32>
      tpu.vector_store %arg18[%swap3A_181, %swap3A_182], %swap3A_185 {strides = array<i32>} : memref<80x128xf32, #tpu.memory_space<vmem>>, vector<1x16xf32>,
      %swap3A_186 = arith.index_cast %scan3A_150 : i32 to index
      %swap3A_187 = arith.constant 112 : index
      %swap3A_188 = tpu.vector_load %arg18[%swap3A_186, %swap3A_187] {strides = array<i32>} : memref<80x128xf32, #tpu.memory_space<vmem>>, vector<1x16xf32>,
      %swap3A_189 = vector.shape_cast %swap3A_188 : vector<1x16xf32> to vector<16xf32>
      %swap3A_190 = vector.shape_cast %broadcast_in_dim3A_64 : vector<16xf32> to vector<1x16xf32>
      tpu.vector_store %arg18[%swap3A_186, %swap3A_187], %swap3A_190 {strides = array<i32>} : memref<80x128xf32, #tpu.memory_space<vmem>>, vector<1x16xf32>,
      %scan3A_191 = arith.constant 0 : i32
      scf.yield %scan3A_191 : i32
    }
    %scan3A_70 = arith.constant 80 : i32
    %mul3A_71 = arith.constant 640 : i32
    %mul3A_72 = arith.muli %arg1, %mul3A_71 : i32
    %add3A_73 = arith.constant 0 : i32
    %add3A_74 = arith.addi %mul3A_72, %add3A_73 : i32
    "tpu.region"() ({
      %run_scoped3A = tpu.sem_alloc : memref<!tpu.dma_semaphore, #tpu.memory_space<semaphore_mem>>
      %dma_start3A_150 = arith.constant 0 : i32
      %dma_start3A_151 = tpu.memref_slice %arg22[%add3A_74, %dma_start3A_150] : memref<10240x128xf32, #tpu.memory_space<vmem_shared>> -> memref<80x128xf32, #tpu.memory_space<vmem_shared>>
      %dma_start3A_152 = arith.constant 0 : i32
      %dma_start3A_153 = tpu.memref_slice %arg22[%add3A_74, %dma_start3A_152] : memref<10240x128xf32, #tpu.memory_space<vmem_shared>> -> memref<80x128xf32, #tpu.memory_space<vmem_shared>>
      tpu.enqueue_dma source(%arg18 : memref<80x128xf32, #tpu.memory_space<vmem>>) target(%dma_start3A_153 : memref<80x128xf32, #tpu.memory_space<vmem_shared>>) target_semaphore(%run_scoped3A : memref<!tpu.dma_semaphore, #tpu.memory_space<semaphore_mem>>)
      %dma_wait3A_154 = arith.constant 0 : i32
      %dma_wait3A_155 = tpu.memref_slice %arg22[%add3A_74, %dma_wait3A_154] : memref<10240x128xf32, #tpu.memory_space<vmem_shared>> -> memref<80x128xf32, #tpu.memory_space<vmem_shared>>
      %dma_wait3A_156 = arith.constant 0 : i32
      %dma_wait3A_157 = tpu.memref_slice %arg22[%add3A_74, %dma_wait3A_156] : memref<10240x128xf32, #tpu.memory_space<vmem_shared>> -> memref<80x128xf32, #tpu.memory_space<vmem_shared>>
      tpu.wait_dma2 semaphore(%run_scoped3A : memref<!tpu.dma_semaphore, #tpu.memory_space<semaphore_mem>>) src(%arg18 : memref<80x128xf32, #tpu.memory_space<vmem>>) dst(%dma_wait3A_157 : memref<80x128xf32, #tpu.memory_space<vmem_shared>>)
      tpu.yield
    }) : () -> ()
    %mul3A_75 = arith.constant 640 : i32
    %mul3A_76 = arith.muli %arg1, %mul3A_75 : i32
    %add3A_77 = arith.constant 80 : i32
    %add3A_78 = arith.addi %mul3A_76, %add3A_77 : i32
    "tpu.region"() ({
      %run_scoped3A = tpu.sem_alloc : memref<!tpu.dma_semaphore, #tpu.memory_space<semaphore_mem>>
      %dma_start3A_150 = arith.constant 0 : i32
      %dma_start3A_151 = tpu.memref_slice %arg22[%add3A_78, %dma_start3A_150] : memref<10240x128xf32, #tpu.memory_space<vmem_shared>> -> memref<80x128xf32, #tpu.memory_space<vmem_shared>>
      %dma_start3A_152 = arith.constant 0 : i32
      %dma_start3A_153 = tpu.memref_slice %arg22[%add3A_78, %dma_start3A_152] : memref<10240x128xf32, #tpu.memory_space<vmem_shared>> -> memref<80x128xf32, #tpu.memory_space<vmem_shared>>
      tpu.enqueue_dma source(%arg18 : memref<80x128xf32, #tpu.memory_space<vmem>>) target(%dma_start3A_153 : memref<80x128xf32, #tpu.memory_space<vmem_shared>>) target_semaphore(%run_scoped3A : memref<!tpu.dma_semaphore, #tpu.memory_space<semaphore_mem>>)
      %dma_wait3A_154 = arith.constant 0 : i32
      %dma_wait3A_155 = tpu.memref_slice %arg22[%add3A_78, %dma_wait3A_154] : memref<10240x128xf32, #tpu.memory_space<vmem_shared>> -> memref<80x128xf32, #tpu.memory_space<vmem_shared>>
      %dma_wait3A_156 = arith.constant 0 : i32
      %dma_wait3A_157 = tpu.memref_slice %arg22[%add3A_78, %dma_wait3A_156] : memref<10240x128xf32, #tpu.memory_space<vmem_shared>> -> memref<80x128xf32, #tpu.memory_space<vmem_shared>>
      tpu.wait_dma2 semaphore(%run_scoped3A : memref<!tpu.dma_semaphore, #tpu.memory_space<semaphore_mem>>) src(%arg18 : memref<80x128xf32, #tpu.memory_space<vmem>>) dst(%dma_wait3A_157 : memref<80x128xf32, #tpu.memory_space<vmem_shared>>)
      tpu.yield
    }) : () -> ()
    %mul3A_79 = arith.constant 640 : i32
    %mul3A_80 = arith.muli %arg1, %mul3A_79 : i32
    %add3A_81 = arith.constant 160 : i32
    %add3A_82 = arith.addi %mul3A_80, %add3A_81 : i32
    "tpu.region"() ({
      %run_scoped3A = tpu.sem_alloc : memref<!tpu.dma_semaphore, #tpu.memory_space<semaphore_mem>>
      %dma_start3A_150 = arith.constant 0 : i32
      %dma_start3A_151 = tpu.memref_slice %arg22[%add3A_82, %dma_start3A_150] : memref<10240x128xf32, #tpu.memory_space<vmem_shared>> -> memref<80x128xf32, #tpu.memory_space<vmem_shared>>
      %dma_start3A_152 = arith.constant 0 : i32
      %dma_start3A_153 = tpu.memref_slice %arg22[%add3A_82, %dma_start3A_152] : memref<10240x128xf32, #tpu.memory_space<vmem_shared>> -> memref<80x128xf32, #tpu.memory_space<vmem_shared>>
      tpu.enqueue_dma source(%arg18 : memref<80x128xf32, #tpu.memory_space<vmem>>) target(%dma_start3A_153 : memref<80x128xf32, #tpu.memory_space<vmem_shared>>) target_semaphore(%run_scoped3A : memref<!tpu.dma_semaphore, #tpu.memory_space<semaphore_mem>>)
      %dma_wait3A_154 = arith.constant 0 : i32
      %dma_wait3A_155 = tpu.memref_slice %arg22[%add3A_82, %dma_wait3A_154] : memref<10240x128xf32, #tpu.memory_space<vmem_shared>> -> memref<80x128xf32, #tpu.memory_space<vmem_shared>>
      %dma_wait3A_156 = arith.constant 0 : i32
      %dma_wait3A_157 = tpu.memref_slice %arg22[%add3A_82, %dma_wait3A_156] : memref<10240x128xf32, #tpu.memory_space<vmem_shared>> -> memref<80x128xf32, #tpu.memory_space<vmem_shared>>
      tpu.wait_dma2 semaphore(%run_scoped3A : memref<!tpu.dma_semaphore, #tpu.memory_space<semaphore_mem>>) src(%arg18 : memref<80x128xf32, #tpu.memory_space<vmem>>) dst(%dma_wait3A_157 : memref<80x128xf32, #tpu.memory_space<vmem_shared>>)
      tpu.yield
    }) : () -> ()
    %mul3A_83 = arith.constant 640 : i32
    %mul3A_84 = arith.muli %arg1, %mul3A_83 : i32
    %add3A_85 = arith.constant 240 : i32
    %add3A_86 = arith.addi %mul3A_84, %add3A_85 : i32
    "tpu.region"() ({
      %run_scoped3A = tpu.sem_alloc : memref<!tpu.dma_semaphore, #tpu.memory_space<semaphore_mem>>
      %dma_start3A_150 = arith.constant 0 : i32
      %dma_start3A_151 = tpu.memref_slice %arg22[%add3A_86, %dma_start3A_150] : memref<10240x128xf32, #tpu.memory_space<vmem_shared>> -> memref<80x128xf32, #tpu.memory_space<vmem_shared>>
      %dma_start3A_152 = arith.constant 0 : i32
      %dma_start3A_153 = tpu.memref_slice %arg22[%add3A_86, %dma_start3A_152] : memref<10240x128xf32, #tpu.memory_space<vmem_shared>> -> memref<80x128xf32, #tpu.memory_space<vmem_shared>>
      tpu.enqueue_dma source(%arg18 : memref<80x128xf32, #tpu.memory_space<vmem>>) target(%dma_start3A_153 : memref<80x128xf32, #tpu.memory_space<vmem_shared>>) target_semaphore(%run_scoped3A : memref<!tpu.dma_semaphore, #tpu.memory_space<semaphore_mem>>)
      %dma_wait3A_154 = arith.constant 0 : i32
      %dma_wait3A_155 = tpu.memref_slice %arg22[%add3A_86, %dma_wait3A_154] : memref<10240x128xf32, #tpu.memory_space<vmem_shared>> -> memref<80x128xf32, #tpu.memory_space<vmem_shared>>
      %dma_wait3A_156 = arith.constant 0 : i32
      %dma_wait3A_157 = tpu.memref_slice %arg22[%add3A_86, %dma_wait3A_156] : memref<10240x128xf32, #tpu.memory_space<vmem_shared>> -> memref<80x128xf32, #tpu.memory_space<vmem_shared>>
      tpu.wait_dma2 semaphore(%run_scoped3A : memref<!tpu.dma_semaphore, #tpu.memory_space<semaphore_mem>>) src(%arg18 : memref<80x128xf32, #tpu.memory_space<vmem>>) dst(%dma_wait3A_157 : memref<80x128xf32, #tpu.memory_space<vmem_shared>>)
      tpu.yield
    }) : () -> ()
    %mul3A_87 = arith.constant 640 : i32
    %mul3A_88 = arith.muli %arg1, %mul3A_87 : i32
    %add3A_89 = arith.constant 320 : i32
    %add3A_90 = arith.addi %mul3A_88, %add3A_89 : i32
    "tpu.region"() ({
      %run_scoped3A = tpu.sem_alloc : memref<!tpu.dma_semaphore, #tpu.memory_space<semaphore_mem>>
      %dma_start3A_150 = arith.constant 0 : i32
      %dma_start3A_151 = tpu.memref_slice %arg22[%add3A_90, %dma_start3A_150] : memref<10240x128xf32, #tpu.memory_space<vmem_shared>> -> memref<80x128xf32, #tpu.memory_space<vmem_shared>>
      %dma_start3A_152 = arith.constant 0 : i32
      %dma_start3A_153 = tpu.memref_slice %arg22[%add3A_90, %dma_start3A_152] : memref<10240x128xf32, #tpu.memory_space<vmem_shared>> -> memref<80x128xf32, #tpu.memory_space<vmem_shared>>
      tpu.enqueue_dma source(%arg18 : memref<80x128xf32, #tpu.memory_space<vmem>>) target(%dma_start3A_153 : memref<80x128xf32, #tpu.memory_space<vmem_shared>>) target_semaphore(%run_scoped3A : memref<!tpu.dma_semaphore, #tpu.memory_space<semaphore_mem>>)
      %dma_wait3A_154 = arith.constant 0 : i32
      %dma_wait3A_155 = tpu.memref_slice %arg22[%add3A_90, %dma_wait3A_154] : memref<10240x128xf32, #tpu.memory_space<vmem_shared>> -> memref<80x128xf32, #tpu.memory_space<vmem_shared>>
      %dma_wait3A_156 = arith.constant 0 : i32
      %dma_wait3A_157 = tpu.memref_slice %arg22[%add3A_90, %dma_wait3A_156] : memref<10240x128xf32, #tpu.memory_space<vmem_shared>> -> memref<80x128xf32, #tpu.memory_space<vmem_shared>>
      tpu.wait_dma2 semaphore(%run_scoped3A : memref<!tpu.dma_semaphore, #tpu.memory_space<semaphore_mem>>) src(%arg18 : memref<80x128xf32, #tpu.memory_space<vmem>>) dst(%dma_wait3A_157 : memref<80x128xf32, #tpu.memory_space<vmem_shared>>)
      tpu.yield
    }) : () -> ()
    %mul3A_91 = arith.constant 640 : i32
    %mul3A_92 = arith.muli %arg1, %mul3A_91 : i32
    %add3A_93 = arith.constant 400 : i32
    %add3A_94 = arith.addi %mul3A_92, %add3A_93 : i32
    "tpu.region"() ({
      %run_scoped3A = tpu.sem_alloc : memref<!tpu.dma_semaphore, #tpu.memory_space<semaphore_mem>>
      %dma_start3A_150 = arith.constant 0 : i32
      %dma_start3A_151 = tpu.memref_slice %arg22[%add3A_94, %dma_start3A_150] : memref<10240x128xf32, #tpu.memory_space<vmem_shared>> -> memref<80x128xf32, #tpu.memory_space<vmem_shared>>
      %dma_start3A_152 = arith.constant 0 : i32
      %dma_start3A_153 = tpu.memref_slice %arg22[%add3A_94, %dma_start3A_152] : memref<10240x128xf32, #tpu.memory_space<vmem_shared>> -> memref<80x128xf32, #tpu.memory_space<vmem_shared>>
      tpu.enqueue_dma source(%arg18 : memref<80x128xf32, #tpu.memory_space<vmem>>) target(%dma_start3A_153 : memref<80x128xf32, #tpu.memory_space<vmem_shared>>) target_semaphore(%run_scoped3A : memref<!tpu.dma_semaphore, #tpu.memory_space<semaphore_mem>>)
      %dma_wait3A_154 = arith.constant 0 : i32
      %dma_wait3A_155 = tpu.memref_slice %arg22[%add3A_94, %dma_wait3A_154] : memref<10240x128xf32, #tpu.memory_space<vmem_shared>> -> memref<80x128xf32, #tpu.memory_space<vmem_shared>>
      %dma_wait3A_156 = arith.constant 0 : i32
      %dma_wait3A_157 = tpu.memref_slice %arg22[%add3A_94, %dma_wait3A_156] : memref<10240x128xf32, #tpu.memory_space<vmem_shared>> -> memref<80x128xf32, #tpu.memory_space<vmem_shared>>
      tpu.wait_dma2 semaphore(%run_scoped3A : memref<!tpu.dma_semaphore, #tpu.memory_space<semaphore_mem>>) src(%arg18 : memref<80x128xf32, #tpu.memory_space<vmem>>) dst(%dma_wait3A_157 : memref<80x128xf32, #tpu.memory_space<vmem_shared>>)
      tpu.yield
    }) : () -> ()
    %mul3A_95 = arith.constant 640 : i32
    %mul3A_96 = arith.muli %arg1, %mul3A_95 : i32
    %add3A_97 = arith.constant 480 : i32
    %add3A_98 = arith.addi %mul3A_96, %add3A_97 : i32
    "tpu.region"() ({
      %run_scoped3A = tpu.sem_alloc : memref<!tpu.dma_semaphore, #tpu.memory_space<semaphore_mem>>
      %dma_start3A_150 = arith.constant 0 : i32
      %dma_start3A_151 = tpu.memref_slice %arg22[%add3A_98, %dma_start3A_150] : memref<10240x128xf32, #tpu.memory_space<vmem_shared>> -> memref<80x128xf32, #tpu.memory_space<vmem_shared>>
      %dma_start3A_152 = arith.constant 0 : i32
      %dma_start3A_153 = tpu.memref_slice %arg22[%add3A_98, %dma_start3A_152] : memref<10240x128xf32, #tpu.memory_space<vmem_shared>> -> memref<80x128xf32, #tpu.memory_space<vmem_shared>>
      tpu.enqueue_dma source(%arg18 : memref<80x128xf32, #tpu.memory_space<vmem>>) target(%dma_start3A_153 : memref<80x128xf32, #tpu.memory_space<vmem_shared>>) target_semaphore(%run_scoped3A : memref<!tpu.dma_semaphore, #tpu.memory_space<semaphore_mem>>)
      %dma_wait3A_154 = arith.constant 0 : i32
      %dma_wait3A_155 = tpu.memref_slice %arg22[%add3A_98, %dma_wait3A_154] : memref<10240x128xf32, #tpu.memory_space<vmem_shared>> -> memref<80x128xf32, #tpu.memory_space<vmem_shared>>
      %dma_wait3A_156 = arith.constant 0 : i32
      %dma_wait3A_157 = tpu.memref_slice %arg22[%add3A_98, %dma_wait3A_156] : memref<10240x128xf32, #tpu.memory_space<vmem_shared>> -> memref<80x128xf32, #tpu.memory_space<vmem_shared>>
      tpu.wait_dma2 semaphore(%run_scoped3A : memref<!tpu.dma_semaphore, #tpu.memory_space<semaphore_mem>>) src(%arg18 : memref<80x128xf32, #tpu.memory_space<vmem>>) dst(%dma_wait3A_157 : memref<80x128xf32, #tpu.memory_space<vmem_shared>>)
      tpu.yield
    }) : () -> ()
    %mul3A_99 = arith.constant 640 : i32
    %mul3A_100 = arith.muli %arg1, %mul3A_99 : i32
    %add3A_101 = arith.constant 560 : i32
    %add3A_102 = arith.addi %mul3A_100, %add3A_101 : i32
    "tpu.region"() ({
      %run_scoped3A = tpu.sem_alloc : memref<!tpu.dma_semaphore, #tpu.memory_space<semaphore_mem>>
      %dma_start3A_150 = arith.constant 0 : i32
      %dma_start3A_151 = tpu.memref_slice %arg22[%add3A_102, %dma_start3A_150] : memref<10240x128xf32, #tpu.memory_space<vmem_shared>> -> memref<80x128xf32, #tpu.memory_space<vmem_shared>>
      %dma_start3A_152 = arith.constant 0 : i32
      %dma_start3A_153 = tpu.memref_slice %arg22[%add3A_102, %dma_start3A_152] : memref<10240x128xf32, #tpu.memory_space<vmem_shared>> -> memref<80x128xf32, #tpu.memory_space<vmem_shared>>
      tpu.enqueue_dma source(%arg18 : memref<80x128xf32, #tpu.memory_space<vmem>>) target(%dma_start3A_153 : memref<80x128xf32, #tpu.memory_space<vmem_shared>>) target_semaphore(%run_scoped3A : memref<!tpu.dma_semaphore, #tpu.memory_space<semaphore_mem>>)
      %dma_wait3A_154 = arith.constant 0 : i32
      %dma_wait3A_155 = tpu.memref_slice %arg22[%add3A_102, %dma_wait3A_154] : memref<10240x128xf32, #tpu.memory_space<vmem_shared>> -> memref<80x128xf32, #tpu.memory_space<vmem_shared>>
      %dma_wait3A_156 = arith.constant 0 : i32
      %dma_wait3A_157 = tpu.memref_slice %arg22[%add3A_102, %dma_wait3A_156] : memref<10240x128xf32, #tpu.memory_space<vmem_shared>> -> memref<80x128xf32, #tpu.memory_space<vmem_shared>>
      tpu.wait_dma2 semaphore(%run_scoped3A : memref<!tpu.dma_semaphore, #tpu.memory_space<semaphore_mem>>) src(%arg18 : memref<80x128xf32, #tpu.memory_space<vmem>>) dst(%dma_wait3A_157 : memref<80x128xf32, #tpu.memory_space<vmem_shared>>)
      tpu.yield
    }) : () -> ()
    %mul3A_103 = arith.constant 10000 : i32
    %mul3A_104 = arith.muli %add3A, %mul3A_103 : i32
    %add3A_105 = arith.constant 0 : i32
    %add3A_106 = arith.addi %mul3A_104, %add3A_105 : i32
    %dma_wait3A = tpu.memref_slice %arg3[%add3A_106] : memref<320000xi32, #tpu.memory_space<hbm>> -> memref<80xi32, #tpu.memory_space<hbm>>
    %dma_wait3A_107 = tpu.memref_slice %arg3[%add3A_106] : memref<320000xi32, #tpu.memory_space<hbm>> -> memref<80xi32, #tpu.memory_space<hbm>>
    tpu.wait_dma2 semaphore(%arg27 : memref<!tpu.dma_semaphore, #tpu.memory_space<semaphore_mem>>) src(%dma_wait3A_107 : memref<80xi32, #tpu.memory_space<hbm>>) dst(%arg6 : memref<80xi32, #tpu.memory_space<vmem>>)
    %dma_start3A_108 = arith.constant 0 : i32
    %dma_start3A_109 = arith.constant 0 : i32
    %dma_start3A_110 = tpu.memref_slice %arg2[%dma_start3A_108, %dma_start3A_109] : memref<10000x128xf32, #tpu.memory_space<hbm>> -> memref<10000x128xf32, #tpu.memory_space<hbm>>
    tpu.enqueue_indirect_dma source(%dma_start3A_110 : memref<10000x128xf32, #tpu.memory_space<hbm>>) target(%arg18 : memref<80x128xf32, #tpu.memory_space<vmem>>) offsets(%arg6 : memref<80xi32, #tpu.memory_space<vmem>>) semaphore(%arg23 : memref<!tpu.dma_semaphore, #tpu.memory_space<semaphore_mem>>)
    %mul3A_111 = arith.constant 10000 : i32
    %mul3A_112 = arith.muli %add3A, %mul3A_111 : i32
    %add3A_113 = arith.constant 80 : i32
    %add3A_114 = arith.addi %mul3A_112, %add3A_113 : i32
    %dma_wait3A_115 = tpu.memref_slice %arg3[%add3A_114] : memref<320000xi32, #tpu.memory_space<hbm>> -> memref<80xi32, #tpu.memory_space<hbm>>
    %dma_wait3A_116 = tpu.memref_slice %arg3[%add3A_114] : memref<320000xi32, #tpu.memory_space<hbm>> -> memref<80xi32, #tpu.memory_space<hbm>>
    tpu.wait_dma2 semaphore(%arg28 : memref<!tpu.dma_semaphore, #tpu.memory_space<semaphore_mem>>) src(%dma_wait3A_116 : memref<80xi32, #tpu.memory_space<hbm>>) dst(%arg7 : memref<80xi32, #tpu.memory_space<vmem>>)
    %dma_start3A_117 = arith.constant 0 : i32
    %dma_start3A_118 = arith.constant 0 : i32
    %dma_start3A_119 = tpu.memref_slice %arg2[%dma_start3A_117, %dma_start3A_118] : memref<10000x128xf32, #tpu.memory_space<hbm>> -> memref<10000x128xf32, #tpu.memory_space<hbm>>
    tpu.enqueue_indirect_dma source(%dma_start3A_119 : memref<10000x128xf32, #tpu.memory_space<hbm>>) target(%arg19 : memref<80x128xf32, #tpu.memory_space<vmem>>) offsets(%arg7 : memref<80xi32, #tpu.memory_space<vmem>>) semaphore(%arg24 : memref<!tpu.dma_semaphore, #tpu.memory_space<semaphore_mem>>)
    %mul3A_120 = arith.constant 10000 : i32
    %mul3A_121 = arith.muli %add3A, %mul3A_120 : i32
    %add3A_122 = arith.constant 160 : i32
    %add3A_123 = arith.addi %mul3A_121, %add3A_122 : i32
    %dma_wait3A_124 = tpu.memref_slice %arg3[%add3A_123] : memref<320000xi32, #tpu.memory_space<hbm>> -> memref<80xi32, #tpu.memory_space<hbm>>
    %dma_wait3A_125 = tpu.memref_slice %arg3[%add3A_123] : memref<320000xi32, #tpu.memory_space<hbm>> -> memref<80xi32, #tpu.memory_space<hbm>>
    tpu.wait_dma2 semaphore(%arg29 : memref<!tpu.dma_semaphore, #tpu.memory_space<semaphore_mem>>) src(%dma_wait3A_125 : memref<80xi32, #tpu.memory_space<hbm>>) dst(%arg8 : memref<80xi32, #tpu.memory_space<vmem>>)
    %dma_start3A_126 = arith.constant 0 : i32
    %dma_start3A_127 = arith.constant 0 : i32
    %dma_start3A_128 = tpu.memref_slice %arg2[%dma_start3A_126, %dma_start3A_127] : memref<10000x128xf32, #tpu.memory_space<hbm>> -> memref<10000x128xf32, #tpu.memory_space<hbm>>
    tpu.enqueue_indirect_dma source(%dma_start3A_128 : memref<10000x128xf32, #tpu.memory_space<hbm>>) target(%arg20 : memref<80x128xf32, #tpu.memory_space<vmem>>) offsets(%arg8 : memref<80xi32, #tpu.memory_space<vmem>>) semaphore(%arg25 : memref<!tpu.dma_semaphore, #tpu.memory_space<semaphore_mem>>)
    %mul3A_129 = arith.constant 10000 : i32
    %mul3A_130 = arith.muli %add3A, %mul3A_129 : i32
    %add3A_131 = arith.constant 240 : i32
    %add3A_132 = arith.addi %mul3A_130, %add3A_131 : i32
    %dma_wait3A_133 = tpu.memref_slice %arg3[%add3A_132] : memref<320000xi32, #tpu.memory_space<hbm>> -> memref<80xi32, #tpu.memory_space<hbm>>
    %dma_wait3A_134 = tpu.memref_slice %arg3[%add3A_132] : memref<320000xi32, #tpu.memory_space<hbm>> -> memref<80xi32, #tpu.memory_space<hbm>>
    tpu.wait_dma2 semaphore(%arg30 : memref<!tpu.dma_semaphore, #tpu.memory_space<semaphore_mem>>) src(%dma_wait3A_134 : memref<80xi32, #tpu.memory_space<hbm>>) dst(%arg9 : memref<80xi32, #tpu.memory_space<vmem>>)
    %dma_start3A_135 = arith.constant 0 : i32
    %dma_start3A_136 = arith.constant 0 : i32
    %dma_start3A_137 = tpu.memref_slice %arg2[%dma_start3A_135, %dma_start3A_136] : memref<10000x128xf32, #tpu.memory_space<hbm>> -> memref<10000x128xf32, #tpu.memory_space<hbm>>
    tpu.enqueue_indirect_dma source(%dma_start3A_137 : memref<10000x128xf32, #tpu.memory_space<hbm>>) target(%arg21 : memref<80x128xf32, #tpu.memory_space<vmem>>) offsets(%arg9 : memref<80xi32, #tpu.memory_space<vmem>>) semaphore(%arg26 : memref<!tpu.dma_semaphore, #tpu.memory_space<semaphore_mem>>)
    %barrier3A = arith.constant 0 : index
    tpu.barrier barrier_id(%barrier3A)
    %scan3A_138 = arith.constant 0 : i32
    %scan3A_139 = arith.constant 0 : i32
    %scan3A_140 = arith.constant 32 : i32
    %scan3A_141 = arith.addi %scan3A_139, %scan3A_140 : i32
    %scan3A_142 = arith.constant 1 : i32
    %scan3A_143 = scf.for %scan3A_150 = %scan3A_139 to %scan3A_141 step %scan3A_142 iter_args(%scan3A_151 = %scan3A_138) -> (i32)  : i32 {
      %mul3A_152 = arith.constant 4 : i32
      %mul3A_153 = arith.muli %mul3A_152, %scan3A_150 : i32
      %add3A_154 = arith.constant 0 : i32
      %add3A_155 = arith.addi %mul3A_153, %add3A_154 : i32
      %lt3A = arith.constant 125 : i32
      %lt3A_156 = arith.cmpi slt, %add3A_155, %lt3A : i32
      %convert_element_type3A = arith.extui %lt3A_156 : i1 to i32
      %cond3A = arith.constant 0 : i32
      %cond3A_157 = arith.cmpi ne, %convert_element_type3A, %cond3A : i32
      scf.if %cond3A_157 {
        %dma_wait3A_180 = arith.constant 0 : i32
        %dma_wait3A_181 = arith.constant 0 : i32
        %dma_wait3A_182 = tpu.memref_slice %arg2[%dma_wait3A_180, %dma_wait3A_181] : memref<10000x128xf32, #tpu.memory_space<hbm>> -> memref<10000x128xf32, #tpu.memory_space<hbm>>
        tpu.wait_indirect_dma semaphore(%arg23 : memref<!tpu.dma_semaphore, #tpu.memory_space<semaphore_mem>>) src(%dma_wait3A_182 : memref<10000x128xf32, #tpu.memory_space<hbm>>) dst(%arg18 : memref<80x128xf32, #tpu.memory_space<vmem>>)
        %add3A_183 = arith.constant 4 : i32
        %add3A_184 = arith.addi %add3A_155, %add3A_183 : i32
        %lt3A_185 = arith.constant 125 : i32
        %lt3A_186 = arith.cmpi slt, %add3A_184, %lt3A_185 : i32
        %convert_element_type3A_187 = arith.extui %lt3A_186 : i1 to i32
        %cond3A_188 = arith.constant 0 : i32
        %cond3A_189 = arith.cmpi ne, %convert_element_type3A_187, %cond3A_188 : i32
        scf.if %cond3A_189 {
          %add3A_232 = arith.constant 4 : i32
          %add3A_233 = arith.addi %add3A_155, %add3A_232 : i32
          %mul3A_234 = arith.constant 10000 : i32
          %mul3A_235 = arith.muli %add3A, %mul3A_234 : i32
          %mul3A_236 = arith.constant 80 : i32
          %mul3A_237 = arith.muli %add3A_233, %mul3A_236 : i32
          %add3A_238 = arith.addi %mul3A_235, %mul3A_237 : i32
          %dma_start3A_239 = tpu.memref_slice %arg3[%add3A_238] : memref<320000xi32, #tpu.memory_space<hbm>> -> memref<80xi32, #tpu.memory_space<hbm>>
          %dma_start3A_240 = tpu.memref_slice %arg3[%add3A_238] : memref<320000xi32, #tpu.memory_space<hbm>> -> memref<80xi32, #tpu.memory_space<hbm>>
          tpu.enqueue_dma source(%dma_start3A_240 : memref<80xi32, #tpu.memory_space<hbm>>) target(%arg6 : memref<80xi32, #tpu.memory_space<vmem>>) target_semaphore(%arg27 : memref<!tpu.dma_semaphore, #tpu.memory_space<semaphore_mem>>)
        } else {
        }
        %mul3A_190 = arith.constant 10000 : i32
        %mul3A_191 = arith.muli %add3A, %mul3A_190 : i32
        %mul3A_192 = arith.constant 80 : i32
        %mul3A_193 = arith.muli %add3A_155, %mul3A_192 : i32
        %add3A_194 = arith.addi %mul3A_191, %mul3A_193 : i32
        %dma_wait3A_195 = tpu.memref_slice %arg4[%add3A_194] : memref<320000xi32, #tpu.memory_space<hbm>> -> memref<40xi32, #tpu.memory_space<hbm>>
        %dma_wait3A_196 = tpu.memref_slice %arg4[%add3A_194] : memref<320000xi32, #tpu.memory_space<hbm>> -> memref<40xi32, #tpu.memory_space<hbm>>
        tpu.wait_dma2 semaphore(%arg31 : memref<!tpu.dma_semaphore, #tpu.memory_space<semaphore_mem>>) src(%dma_wait3A_196 : memref<40xi32, #tpu.memory_space<hbm>>) dst(%arg10 : memref<40xi32, #tpu.memory_space<vmem>>)
        %add3A_197 = arith.constant 40 : i32
        %add3A_198 = arith.addi %add3A_194, %add3A_197 : i32
        %dma_wait3A_199 = tpu.memref_slice %arg4[%add3A_198] : memref<320000xi32, #tpu.memory_space<hbm>> -> memref<40xi32, #tpu.memory_space<hbm>>
        %dma_wait3A_200 = tpu.memref_slice %arg4[%add3A_198] : memref<320000xi32, #tpu.memory_space<hbm>> -> memref<40xi32, #tpu.memory_space<hbm>>
        tpu.wait_dma2 semaphore(%arg31 : memref<!tpu.dma_semaphore, #tpu.memory_space<semaphore_mem>>) src(%dma_wait3A_200 : memref<40xi32, #tpu.memory_space<hbm>>) dst(%arg14 : memref<40xi32, #tpu.memory_space<vmem>>)
        %dma_start3A_201 = arith.constant 0 : i32
        %dma_start3A_202 = arith.constant 0 : i32
        %dma_start3A_203 = tpu.memref_slice %arg18[%dma_start3A_201, %dma_start3A_202] : memref<80x128xf32, #tpu.memory_space<vmem>> -> memref<40x128xf32, #tpu.memory_space<vmem>>
        %dma_start3A_204 = arith.constant 0 : i32
        %dma_start3A_205 = arith.constant 0 : i32
        %dma_start3A_206 = tpu.memref_slice %arg22[%dma_start3A_204, %dma_start3A_205] : memref<10240x128xf32, #tpu.memory_space<vmem_shared>> -> memref<10240x128xf32, #tpu.memory_space<vmem_shared>>
        tpu.enqueue_indirect_dma source(%dma_start3A_203 : memref<40x128xf32, #tpu.memory_space<vmem>>) target(%dma_start3A_206 : memref<10240x128xf32, #tpu.memory_space<vmem_shared>>) offsets(%arg10 : memref<40xi32, #tpu.memory_space<vmem>>) semaphore(%arg35 : memref<!tpu.dma_semaphore, #tpu.memory_space<semaphore_mem>>) {add = true}
        %dma_start3A_207 = arith.constant 40 : i32
        %dma_start3A_208 = arith.constant 0 : i32
        %dma_start3A_209 = tpu.memref_slice %arg18[%dma_start3A_207, %dma_start3A_208] : memref<80x128xf32, #tpu.memory_space<vmem>> -> memref<40x128xf32, #tpu.memory_space<vmem>>
        %dma_start3A_210 = arith.constant 0 : i32
        %dma_start3A_211 = arith.constant 0 : i32
        %dma_start3A_212 = tpu.memref_slice %arg22[%dma_start3A_210, %dma_start3A_211] : memref<10240x128xf32, #tpu.memory_space<vmem_shared>> -> memref<10240x128xf32, #tpu.memory_space<vmem_shared>>
        tpu.enqueue_indirect_dma source(%dma_start3A_209 : memref<40x128xf32, #tpu.memory_space<vmem>>) target(%dma_start3A_212 : memref<10240x128xf32, #tpu.memory_space<vmem_shared>>) offsets(%arg14 : memref<40xi32, #tpu.memory_space<vmem>>) semaphore(%arg35 : memref<!tpu.dma_semaphore, #tpu.memory_space<semaphore_mem>>) {add = true}
        %dma_wait3A_213 = arith.constant 0 : i32
        %dma_wait3A_214 = arith.constant 0 : i32
        %dma_wait3A_215 = tpu.memref_slice %arg18[%dma_wait3A_213, %dma_wait3A_214] : memref<80x128xf32, #tpu.memory_space<vmem>> -> memref<40x128xf32, #tpu.memory_space<vmem>>
        %dma_wait3A_216 = arith.constant 0 : i32
        %dma_wait3A_217 = arith.constant 0 : i32
        %dma_wait3A_218 = tpu.memref_slice %arg22[%dma_wait3A_216, %dma_wait3A_217] : memref<10240x128xf32, #tpu.memory_space<vmem_shared>> -> memref<10240x128xf32, #tpu.memory_space<vmem_shared>>
        tpu.wait_indirect_dma semaphore(%arg35 : memref<!tpu.dma_semaphore, #tpu.memory_space<semaphore_mem>>) src(%dma_wait3A_215 : memref<40x128xf32, #tpu.memory_space<vmem>>) dst(%dma_wait3A_218 : memref<10240x128xf32, #tpu.memory_space<vmem_shared>>)
        %dma_wait3A_219 = arith.constant 40 : i32
        %dma_wait3A_220 = arith.constant 0 : i32
        %dma_wait3A_221 = tpu.memref_slice %arg18[%dma_wait3A_219, %dma_wait3A_220] : memref<80x128xf32, #tpu.memory_space<vmem>> -> memref<40x128xf32, #tpu.memory_space<vmem>>
        %dma_wait3A_222 = arith.constant 0 : i32
        %dma_wait3A_223 = arith.constant 0 : i32
        %dma_wait3A_224 = tpu.memref_slice %arg22[%dma_wait3A_222, %dma_wait3A_223] : memref<10240x128xf32, #tpu.memory_space<vmem_shared>> -> memref<10240x128xf32, #tpu.memory_space<vmem_shared>>
        tpu.wait_indirect_dma semaphore(%arg35 : memref<!tpu.dma_semaphore, #tpu.memory_space<semaphore_mem>>) src(%dma_wait3A_221 : memref<40x128xf32, #tpu.memory_space<vmem>>) dst(%dma_wait3A_224 : memref<10240x128xf32, #tpu.memory_space<vmem_shared>>)
        %add3A_225 = arith.constant 4 : i32
        %add3A_226 = arith.addi %add3A_155, %add3A_225 : i32
        %lt3A_227 = arith.constant 125 : i32
        %lt3A_228 = arith.cmpi slt, %add3A_226, %lt3A_227 : i32
        %convert_element_type3A_229 = arith.extui %lt3A_228 : i1 to i32
        %cond3A_230 = arith.constant 0 : i32
        %cond3A_231 = arith.cmpi ne, %convert_element_type3A_229, %cond3A_230 : i32
        scf.if %cond3A_231 {
          %add3A_232 = arith.constant 4 : i32
          %add3A_233 = arith.addi %add3A_155, %add3A_232 : i32
          %mul3A_234 = arith.constant 10000 : i32
          %mul3A_235 = arith.muli %add3A, %mul3A_234 : i32
          %mul3A_236 = arith.constant 80 : i32
          %mul3A_237 = arith.muli %add3A_233, %mul3A_236 : i32
          %add3A_238 = arith.addi %mul3A_235, %mul3A_237 : i32
          %dma_start3A_239 = tpu.memref_slice %arg4[%add3A_238] : memref<320000xi32, #tpu.memory_space<hbm>> -> memref<40xi32, #tpu.memory_space<hbm>>
          %dma_start3A_240 = tpu.memref_slice %arg4[%add3A_238] : memref<320000xi32, #tpu.memory_space<hbm>> -> memref<40xi32, #tpu.memory_space<hbm>>
          tpu.enqueue_dma source(%dma_start3A_240 : memref<40xi32, #tpu.memory_space<hbm>>) target(%arg10 : memref<40xi32, #tpu.memory_space<vmem>>) target_semaphore(%arg31 : memref<!tpu.dma_semaphore, #tpu.memory_space<semaphore_mem>>)
          %add3A_241 = arith.constant 40 : i32
          %add3A_242 = arith.addi %add3A_238, %add3A_241 : i32
          %dma_start3A_243 = tpu.memref_slice %arg4[%add3A_242] : memref<320000xi32, #tpu.memory_space<hbm>> -> memref<40xi32, #tpu.memory_space<hbm>>
          %dma_start3A_244 = tpu.memref_slice %arg4[%add3A_242] : memref<320000xi32, #tpu.memory_space<hbm>> -> memref<40xi32, #tpu.memory_space<hbm>>
          tpu.enqueue_dma source(%dma_start3A_244 : memref<40xi32, #tpu.memory_space<hbm>>) target(%arg14 : memref<40xi32, #tpu.memory_space<vmem>>) target_semaphore(%arg31 : memref<!tpu.dma_semaphore, #tpu.memory_space<semaphore_mem>>)
          %add3A_245 = arith.constant 4 : i32
          %add3A_246 = arith.addi %add3A_155, %add3A_245 : i32
          %mul3A_247 = arith.constant 10000 : i32
          %mul3A_248 = arith.muli %add3A, %mul3A_247 : i32
          %mul3A_249 = arith.constant 80 : i32
          %mul3A_250 = arith.muli %add3A_246, %mul3A_249 : i32
          %add3A_251 = arith.addi %mul3A_248, %mul3A_250 : i32
          %dma_wait3A_252 = tpu.memref_slice %arg3[%add3A_251] : memref<320000xi32, #tpu.memory_space<hbm>> -> memref<80xi32, #tpu.memory_space<hbm>>
          %dma_wait3A_253 = tpu.memref_slice %arg3[%add3A_251] : memref<320000xi32, #tpu.memory_space<hbm>> -> memref<80xi32, #tpu.memory_space<hbm>>
          tpu.wait_dma2 semaphore(%arg27 : memref<!tpu.dma_semaphore, #tpu.memory_space<semaphore_mem>>) src(%dma_wait3A_253 : memref<80xi32, #tpu.memory_space<hbm>>) dst(%arg6 : memref<80xi32, #tpu.memory_space<vmem>>)
          %dma_start3A_254 = arith.constant 0 : i32
          %dma_start3A_255 = arith.constant 0 : i32
          %dma_start3A_256 = tpu.memref_slice %arg2[%dma_start3A_254, %dma_start3A_255] : memref<10000x128xf32, #tpu.memory_space<hbm>> -> memref<10000x128xf32, #tpu.memory_space<hbm>>
          tpu.enqueue_indirect_dma source(%dma_start3A_256 : memref<10000x128xf32, #tpu.memory_space<hbm>>) target(%arg18 : memref<80x128xf32, #tpu.memory_space<vmem>>) offsets(%arg6 : memref<80xi32, #tpu.memory_space<vmem>>) semaphore(%arg23 : memref<!tpu.dma_semaphore, #tpu.memory_space<semaphore_mem>>)
        } else {
        }
      } else {
      }
      %add3A_158 = arith.constant 1 : i32
      %add3A_159 = arith.addi %mul3A_153, %add3A_158 : i32
      %lt3A_160 = arith.constant 125 : i32
      %lt3A_161 = arith.cmpi slt, %add3A_159, %lt3A_160 : i32
      %convert_element_type3A_162 = arith.extui %lt3A_161 : i1 to i32
      %cond3A_163 = arith.constant 0 : i32
      %cond3A_164 = arith.cmpi ne, %convert_element_type3A_162, %cond3A_163 : i32
      scf.if %cond3A_164 {
        %dma_wait3A_180 = arith.constant 0 : i32
        %dma_wait3A_181 = arith.constant 0 : i32
        %dma_wait3A_182 = tpu.memref_slice %arg2[%dma_wait3A_180, %dma_wait3A_181] : memref<10000x128xf32, #tpu.memory_space<hbm>> -> memref<10000x128xf32, #tpu.memory_space<hbm>>
        tpu.wait_indirect_dma semaphore(%arg24 : memref<!tpu.dma_semaphore, #tpu.memory_space<semaphore_mem>>) src(%dma_wait3A_182 : memref<10000x128xf32, #tpu.memory_space<hbm>>) dst(%arg19 : memref<80x128xf32, #tpu.memory_space<vmem>>)
        %add3A_183 = arith.constant 4 : i32
        %add3A_184 = arith.addi %add3A_159, %add3A_183 : i32
        %lt3A_185 = arith.constant 125 : i32
        %lt3A_186 = arith.cmpi slt, %add3A_184, %lt3A_185 : i32
        %convert_element_type3A_187 = arith.extui %lt3A_186 : i1 to i32
        %cond3A_188 = arith.constant 0 : i32
        %cond3A_189 = arith.cmpi ne, %convert_element_type3A_187, %cond3A_188 : i32
        scf.if %cond3A_189 {
          %add3A_232 = arith.constant 4 : i32
          %add3A_233 = arith.addi %add3A_159, %add3A_232 : i32
          %mul3A_234 = arith.constant 10000 : i32
          %mul3A_235 = arith.muli %add3A, %mul3A_234 : i32
          %mul3A_236 = arith.constant 80 : i32
          %mul3A_237 = arith.muli %add3A_233, %mul3A_236 : i32
          %add3A_238 = arith.addi %mul3A_235, %mul3A_237 : i32
          %dma_start3A_239 = tpu.memref_slice %arg3[%add3A_238] : memref<320000xi32, #tpu.memory_space<hbm>> -> memref<80xi32, #tpu.memory_space<hbm>>
          %dma_start3A_240 = tpu.memref_slice %arg3[%add3A_238] : memref<320000xi32, #tpu.memory_space<hbm>> -> memref<80xi32, #tpu.memory_space<hbm>>
          tpu.enqueue_dma source(%dma_start3A_240 : memref<80xi32, #tpu.memory_space<hbm>>) target(%arg7 : memref<80xi32, #tpu.memory_space<vmem>>) target_semaphore(%arg28 : memref<!tpu.dma_semaphore, #tpu.memory_space<semaphore_mem>>)
        } else {
        }
        %mul3A_190 = arith.constant 10000 : i32
        %mul3A_191 = arith.muli %add3A, %mul3A_190 : i32
        %mul3A_192 = arith.constant 80 : i32
        %mul3A_193 = arith.muli %add3A_159, %mul3A_192 : i32
        %add3A_194 = arith.addi %mul3A_191, %mul3A_193 : i32
        %dma_wait3A_195 = tpu.memref_slice %arg4[%add3A_194] : memref<320000xi32, #tpu.memory_space<hbm>> -> memref<40xi32, #tpu.memory_space<hbm>>
        %dma_wait3A_196 = tpu.memref_slice %arg4[%add3A_194] : memref<320000xi32, #tpu.memory_space<hbm>> -> memref<40xi32, #tpu.memory_space<hbm>>
        tpu.wait_dma2 semaphore(%arg32 : memref<!tpu.dma_semaphore, #tpu.memory_space<semaphore_mem>>) src(%dma_wait3A_196 : memref<40xi32, #tpu.memory_space<hbm>>) dst(%arg11 : memref<40xi32, #tpu.memory_space<vmem>>)
        %add3A_197 = arith.constant 40 : i32
        %add3A_198 = arith.addi %add3A_194, %add3A_197 : i32
        %dma_wait3A_199 = tpu.memref_slice %arg4[%add3A_198] : memref<320000xi32, #tpu.memory_space<hbm>> -> memref<40xi32, #tpu.memory_space<hbm>>
        %dma_wait3A_200 = tpu.memref_slice %arg4[%add3A_198] : memref<320000xi32, #tpu.memory_space<hbm>> -> memref<40xi32, #tpu.memory_space<hbm>>
        tpu.wait_dma2 semaphore(%arg32 : memref<!tpu.dma_semaphore, #tpu.memory_space<semaphore_mem>>) src(%dma_wait3A_200 : memref<40xi32, #tpu.memory_space<hbm>>) dst(%arg15 : memref<40xi32, #tpu.memory_space<vmem>>)
        %dma_start3A_201 = arith.constant 0 : i32
        %dma_start3A_202 = arith.constant 0 : i32
        %dma_start3A_203 = tpu.memref_slice %arg19[%dma_start3A_201, %dma_start3A_202] : memref<80x128xf32, #tpu.memory_space<vmem>> -> memref<40x128xf32, #tpu.memory_space<vmem>>
        %dma_start3A_204 = arith.constant 0 : i32
        %dma_start3A_205 = arith.constant 0 : i32
        %dma_start3A_206 = tpu.memref_slice %arg22[%dma_start3A_204, %dma_start3A_205] : memref<10240x128xf32, #tpu.memory_space<vmem_shared>> -> memref<10240x128xf32, #tpu.memory_space<vmem_shared>>
        tpu.enqueue_indirect_dma source(%dma_start3A_203 : memref<40x128xf32, #tpu.memory_space<vmem>>) target(%dma_start3A_206 : memref<10240x128xf32, #tpu.memory_space<vmem_shared>>) offsets(%arg11 : memref<40xi32, #tpu.memory_space<vmem>>) semaphore(%arg36 : memref<!tpu.dma_semaphore, #tpu.memory_space<semaphore_mem>>) {add = true}
        %dma_start3A_207 = arith.constant 40 : i32
        %dma_start3A_208 = arith.constant 0 : i32
        %dma_start3A_209 = tpu.memref_slice %arg19[%dma_start3A_207, %dma_start3A_208] : memref<80x128xf32, #tpu.memory_space<vmem>> -> memref<40x128xf32, #tpu.memory_space<vmem>>
        %dma_start3A_210 = arith.constant 0 : i32
        %dma_start3A_211 = arith.constant 0 : i32
        %dma_start3A_212 = tpu.memref_slice %arg22[%dma_start3A_210, %dma_start3A_211] : memref<10240x128xf32, #tpu.memory_space<vmem_shared>> -> memref<10240x128xf32, #tpu.memory_space<vmem_shared>>
        tpu.enqueue_indirect_dma source(%dma_start3A_209 : memref<40x128xf32, #tpu.memory_space<vmem>>) target(%dma_start3A_212 : memref<10240x128xf32, #tpu.memory_space<vmem_shared>>) offsets(%arg15 : memref<40xi32, #tpu.memory_space<vmem>>) semaphore(%arg36 : memref<!tpu.dma_semaphore, #tpu.memory_space<semaphore_mem>>) {add = true}
        %dma_wait3A_213 = arith.constant 0 : i32
        %dma_wait3A_214 = arith.constant 0 : i32
        %dma_wait3A_215 = tpu.memref_slice %arg19[%dma_wait3A_213, %dma_wait3A_214] : memref<80x128xf32, #tpu.memory_space<vmem>> -> memref<40x128xf32, #tpu.memory_space<vmem>>
        %dma_wait3A_216 = arith.constant 0 : i32
        %dma_wait3A_217 = arith.constant 0 : i32
        %dma_wait3A_218 = tpu.memref_slice %arg22[%dma_wait3A_216, %dma_wait3A_217] : memref<10240x128xf32, #tpu.memory_space<vmem_shared>> -> memref<10240x128xf32, #tpu.memory_space<vmem_shared>>
        tpu.wait_indirect_dma semaphore(%arg36 : memref<!tpu.dma_semaphore, #tpu.memory_space<semaphore_mem>>) src(%dma_wait3A_215 : memref<40x128xf32, #tpu.memory_space<vmem>>) dst(%dma_wait3A_218 : memref<10240x128xf32, #tpu.memory_space<vmem_shared>>)
        %dma_wait3A_219 = arith.constant 40 : i32
        %dma_wait3A_220 = arith.constant 0 : i32
        %dma_wait3A_221 = tpu.memref_slice %arg19[%dma_wait3A_219, %dma_wait3A_220] : memref<80x128xf32, #tpu.memory_space<vmem>> -> memref<40x128xf32, #tpu.memory_space<vmem>>
        %dma_wait3A_222 = arith.constant 0 : i32
        %dma_wait3A_223 = arith.constant 0 : i32
        %dma_wait3A_224 = tpu.memref_slice %arg22[%dma_wait3A_222, %dma_wait3A_223] : memref<10240x128xf32, #tpu.memory_space<vmem_shared>> -> memref<10240x128xf32, #tpu.memory_space<vmem_shared>>
        tpu.wait_indirect_dma semaphore(%arg36 : memref<!tpu.dma_semaphore, #tpu.memory_space<semaphore_mem>>) src(%dma_wait3A_221 : memref<40x128xf32, #tpu.memory_space<vmem>>) dst(%dma_wait3A_224 : memref<10240x128xf32, #tpu.memory_space<vmem_shared>>)
        %add3A_225 = arith.constant 4 : i32
        %add3A_226 = arith.addi %add3A_159, %add3A_225 : i32
        %lt3A_227 = arith.constant 125 : i32
        %lt3A_228 = arith.cmpi slt, %add3A_226, %lt3A_227 : i32
        %convert_element_type3A_229 = arith.extui %lt3A_228 : i1 to i32
        %cond3A_230 = arith.constant 0 : i32
        %cond3A_231 = arith.cmpi ne, %convert_element_type3A_229, %cond3A_230 : i32
        scf.if %cond3A_231 {
          %add3A_232 = arith.constant 4 : i32
          %add3A_233 = arith.addi %add3A_159, %add3A_232 : i32
          %mul3A_234 = arith.constant 10000 : i32
          %mul3A_235 = arith.muli %add3A, %mul3A_234 : i32
          %mul3A_236 = arith.constant 80 : i32
          %mul3A_237 = arith.muli %add3A_233, %mul3A_236 : i32
          %add3A_238 = arith.addi %mul3A_235, %mul3A_237 : i32
          %dma_start3A_239 = tpu.memref_slice %arg4[%add3A_238] : memref<320000xi32, #tpu.memory_space<hbm>> -> memref<40xi32, #tpu.memory_space<hbm>>
          %dma_start3A_240 = tpu.memref_slice %arg4[%add3A_238] : memref<320000xi32, #tpu.memory_space<hbm>> -> memref<40xi32, #tpu.memory_space<hbm>>
          tpu.enqueue_dma source(%dma_start3A_240 : memref<40xi32, #tpu.memory_space<hbm>>) target(%arg11 : memref<40xi32, #tpu.memory_space<vmem>>) target_semaphore(%arg32 : memref<!tpu.dma_semaphore, #tpu.memory_space<semaphore_mem>>)
          %add3A_241 = arith.constant 40 : i32
          %add3A_242 = arith.addi %add3A_238, %add3A_241 : i32
          %dma_start3A_243 = tpu.memref_slice %arg4[%add3A_242] : memref<320000xi32, #tpu.memory_space<hbm>> -> memref<40xi32, #tpu.memory_space<hbm>>
          %dma_start3A_244 = tpu.memref_slice %arg4[%add3A_242] : memref<320000xi32, #tpu.memory_space<hbm>> -> memref<40xi32, #tpu.memory_space<hbm>>
          tpu.enqueue_dma source(%dma_start3A_244 : memref<40xi32, #tpu.memory_space<hbm>>) target(%arg15 : memref<40xi32, #tpu.memory_space<vmem>>) target_semaphore(%arg32 : memref<!tpu.dma_semaphore, #tpu.memory_space<semaphore_mem>>)
          %add3A_245 = arith.constant 4 : i32
          %add3A_246 = arith.addi %add3A_159, %add3A_245 : i32
          %mul3A_247 = arith.constant 10000 : i32
          %mul3A_248 = arith.muli %add3A, %mul3A_247 : i32
          %mul3A_249 = arith.constant 80 : i32
          %mul3A_250 = arith.muli %add3A_246, %mul3A_249 : i32
          %add3A_251 = arith.addi %mul3A_248, %mul3A_250 : i32
          %dma_wait3A_252 = tpu.memref_slice %arg3[%add3A_251] : memref<320000xi32, #tpu.memory_space<hbm>> -> memref<80xi32, #tpu.memory_space<hbm>>
          %dma_wait3A_253 = tpu.memref_slice %arg3[%add3A_251] : memref<320000xi32, #tpu.memory_space<hbm>> -> memref<80xi32, #tpu.memory_space<hbm>>
          tpu.wait_dma2 semaphore(%arg28 : memref<!tpu.dma_semaphore, #tpu.memory_space<semaphore_mem>>) src(%dma_wait3A_253 : memref<80xi32, #tpu.memory_space<hbm>>) dst(%arg7 : memref<80xi32, #tpu.memory_space<vmem>>)
          %dma_start3A_254 = arith.constant 0 : i32
          %dma_start3A_255 = arith.constant 0 : i32
          %dma_start3A_256 = tpu.memref_slice %arg2[%dma_start3A_254, %dma_start3A_255] : memref<10000x128xf32, #tpu.memory_space<hbm>> -> memref<10000x128xf32, #tpu.memory_space<hbm>>
          tpu.enqueue_indirect_dma source(%dma_start3A_256 : memref<10000x128xf32, #tpu.memory_space<hbm>>) target(%arg19 : memref<80x128xf32, #tpu.memory_space<vmem>>) offsets(%arg7 : memref<80xi32, #tpu.memory_space<vmem>>) semaphore(%arg24 : memref<!tpu.dma_semaphore, #tpu.memory_space<semaphore_mem>>)
        } else {
        }
      } else {
      }
      %add3A_165 = arith.constant 2 : i32
      %add3A_166 = arith.addi %mul3A_153, %add3A_165 : i32
      %lt3A_167 = arith.constant 125 : i32
      %lt3A_168 = arith.cmpi slt, %add3A_166, %lt3A_167 : i32
      %convert_element_type3A_169 = arith.extui %lt3A_168 : i1 to i32
      %cond3A_170 = arith.constant 0 : i32
      %cond3A_171 = arith.cmpi ne, %convert_element_type3A_169, %cond3A_170 : i32
      scf.if %cond3A_171 {
        %dma_wait3A_180 = arith.constant 0 : i32
        %dma_wait3A_181 = arith.constant 0 : i32
        %dma_wait3A_182 = tpu.memref_slice %arg2[%dma_wait3A_180, %dma_wait3A_181] : memref<10000x128xf32, #tpu.memory_space<hbm>> -> memref<10000x128xf32, #tpu.memory_space<hbm>>
        tpu.wait_indirect_dma semaphore(%arg25 : memref<!tpu.dma_semaphore, #tpu.memory_space<semaphore_mem>>) src(%dma_wait3A_182 : memref<10000x128xf32, #tpu.memory_space<hbm>>) dst(%arg20 : memref<80x128xf32, #tpu.memory_space<vmem>>)
        %add3A_183 = arith.constant 4 : i32
        %add3A_184 = arith.addi %add3A_166, %add3A_183 : i32
        %lt3A_185 = arith.constant 125 : i32
        %lt3A_186 = arith.cmpi slt, %add3A_184, %lt3A_185 : i32
        %convert_element_type3A_187 = arith.extui %lt3A_186 : i1 to i32
        %cond3A_188 = arith.constant 0 : i32
        %cond3A_189 = arith.cmpi ne, %convert_element_type3A_187, %cond3A_188 : i32
        scf.if %cond3A_189 {
          %add3A_232 = arith.constant 4 : i32
          %add3A_233 = arith.addi %add3A_166, %add3A_232 : i32
          %mul3A_234 = arith.constant 10000 : i32
          %mul3A_235 = arith.muli %add3A, %mul3A_234 : i32
          %mul3A_236 = arith.constant 80 : i32
          %mul3A_237 = arith.muli %add3A_233, %mul3A_236 : i32
          %add3A_238 = arith.addi %mul3A_235, %mul3A_237 : i32
          %dma_start3A_239 = tpu.memref_slice %arg3[%add3A_238] : memref<320000xi32, #tpu.memory_space<hbm>> -> memref<80xi32, #tpu.memory_space<hbm>>
          %dma_start3A_240 = tpu.memref_slice %arg3[%add3A_238] : memref<320000xi32, #tpu.memory_space<hbm>> -> memref<80xi32, #tpu.memory_space<hbm>>
          tpu.enqueue_dma source(%dma_start3A_240 : memref<80xi32, #tpu.memory_space<hbm>>) target(%arg8 : memref<80xi32, #tpu.memory_space<vmem>>) target_semaphore(%arg29 : memref<!tpu.dma_semaphore, #tpu.memory_space<semaphore_mem>>)
        } else {
        }
        %mul3A_190 = arith.constant 10000 : i32
        %mul3A_191 = arith.muli %add3A, %mul3A_190 : i32
        %mul3A_192 = arith.constant 80 : i32
        %mul3A_193 = arith.muli %add3A_166, %mul3A_192 : i32
        %add3A_194 = arith.addi %mul3A_191, %mul3A_193 : i32
        %dma_wait3A_195 = tpu.memref_slice %arg4[%add3A_194] : memref<320000xi32, #tpu.memory_space<hbm>> -> memref<40xi32, #tpu.memory_space<hbm>>
        %dma_wait3A_196 = tpu.memref_slice %arg4[%add3A_194] : memref<320000xi32, #tpu.memory_space<hbm>> -> memref<40xi32, #tpu.memory_space<hbm>>
        tpu.wait_dma2 semaphore(%arg33 : memref<!tpu.dma_semaphore, #tpu.memory_space<semaphore_mem>>) src(%dma_wait3A_196 : memref<40xi32, #tpu.memory_space<hbm>>) dst(%arg12 : memref<40xi32, #tpu.memory_space<vmem>>)
        %add3A_197 = arith.constant 40 : i32
        %add3A_198 = arith.addi %add3A_194, %add3A_197 : i32
        %dma_wait3A_199 = tpu.memref_slice %arg4[%add3A_198] : memref<320000xi32, #tpu.memory_space<hbm>> -> memref<40xi32, #tpu.memory_space<hbm>>
        %dma_wait3A_200 = tpu.memref_slice %arg4[%add3A_198] : memref<320000xi32, #tpu.memory_space<hbm>> -> memref<40xi32, #tpu.memory_space<hbm>>
        tpu.wait_dma2 semaphore(%arg33 : memref<!tpu.dma_semaphore, #tpu.memory_space<semaphore_mem>>) src(%dma_wait3A_200 : memref<40xi32, #tpu.memory_space<hbm>>) dst(%arg16 : memref<40xi32, #tpu.memory_space<vmem>>)
        %dma_start3A_201 = arith.constant 0 : i32
        %dma_start3A_202 = arith.constant 0 : i32
        %dma_start3A_203 = tpu.memref_slice %arg20[%dma_start3A_201, %dma_start3A_202] : memref<80x128xf32, #tpu.memory_space<vmem>> -> memref<40x128xf32, #tpu.memory_space<vmem>>
        %dma_start3A_204 = arith.constant 0 : i32
        %dma_start3A_205 = arith.constant 0 : i32
        %dma_start3A_206 = tpu.memref_slice %arg22[%dma_start3A_204, %dma_start3A_205] : memref<10240x128xf32, #tpu.memory_space<vmem_shared>> -> memref<10240x128xf32, #tpu.memory_space<vmem_shared>>
        tpu.enqueue_indirect_dma source(%dma_start3A_203 : memref<40x128xf32, #tpu.memory_space<vmem>>) target(%dma_start3A_206 : memref<10240x128xf32, #tpu.memory_space<vmem_shared>>) offsets(%arg12 : memref<40xi32, #tpu.memory_space<vmem>>) semaphore(%arg37 : memref<!tpu.dma_semaphore, #tpu.memory_space<semaphore_mem>>) {add = true}
        %dma_start3A_207 = arith.constant 40 : i32
        %dma_start3A_208 = arith.constant 0 : i32
        %dma_start3A_209 = tpu.memref_slice %arg20[%dma_start3A_207, %dma_start3A_208] : memref<80x128xf32, #tpu.memory_space<vmem>> -> memref<40x128xf32, #tpu.memory_space<vmem>>
        %dma_start3A_210 = arith.constant 0 : i32
        %dma_start3A_211 = arith.constant 0 : i32
        %dma_start3A_212 = tpu.memref_slice %arg22[%dma_start3A_210, %dma_start3A_211] : memref<10240x128xf32, #tpu.memory_space<vmem_shared>> -> memref<10240x128xf32, #tpu.memory_space<vmem_shared>>
        tpu.enqueue_indirect_dma source(%dma_start3A_209 : memref<40x128xf32, #tpu.memory_space<vmem>>) target(%dma_start3A_212 : memref<10240x128xf32, #tpu.memory_space<vmem_shared>>) offsets(%arg16 : memref<40xi32, #tpu.memory_space<vmem>>) semaphore(%arg37 : memref<!tpu.dma_semaphore, #tpu.memory_space<semaphore_mem>>) {add = true}
        %dma_wait3A_213 = arith.constant 0 : i32
        %dma_wait3A_214 = arith.constant 0 : i32
        %dma_wait3A_215 = tpu.memref_slice %arg20[%dma_wait3A_213, %dma_wait3A_214] : memref<80x128xf32, #tpu.memory_space<vmem>> -> memref<40x128xf32, #tpu.memory_space<vmem>>
        %dma_wait3A_216 = arith.constant 0 : i32
        %dma_wait3A_217 = arith.constant 0 : i32
        %dma_wait3A_218 = tpu.memref_slice %arg22[%dma_wait3A_216, %dma_wait3A_217] : memref<10240x128xf32, #tpu.memory_space<vmem_shared>> -> memref<10240x128xf32, #tpu.memory_space<vmem_shared>>
        tpu.wait_indirect_dma semaphore(%arg37 : memref<!tpu.dma_semaphore, #tpu.memory_space<semaphore_mem>>) src(%dma_wait3A_215 : memref<40x128xf32, #tpu.memory_space<vmem>>) dst(%dma_wait3A_218 : memref<10240x128xf32, #tpu.memory_space<vmem_shared>>)
        %dma_wait3A_219 = arith.constant 40 : i32
        %dma_wait3A_220 = arith.constant 0 : i32
        %dma_wait3A_221 = tpu.memref_slice %arg20[%dma_wait3A_219, %dma_wait3A_220] : memref<80x128xf32, #tpu.memory_space<vmem>> -> memref<40x128xf32, #tpu.memory_space<vmem>>
        %dma_wait3A_222 = arith.constant 0 : i32
        %dma_wait3A_223 = arith.constant 0 : i32
        %dma_wait3A_224 = tpu.memref_slice %arg22[%dma_wait3A_222, %dma_wait3A_223] : memref<10240x128xf32, #tpu.memory_space<vmem_shared>> -> memref<10240x128xf32, #tpu.memory_space<vmem_shared>>
        tpu.wait_indirect_dma semaphore(%arg37 : memref<!tpu.dma_semaphore, #tpu.memory_space<semaphore_mem>>) src(%dma_wait3A_221 : memref<40x128xf32, #tpu.memory_space<vmem>>) dst(%dma_wait3A_224 : memref<10240x128xf32, #tpu.memory_space<vmem_shared>>)
        %add3A_225 = arith.constant 4 : i32
        %add3A_226 = arith.addi %add3A_166, %add3A_225 : i32
        %lt3A_227 = arith.constant 125 : i32
        %lt3A_228 = arith.cmpi slt, %add3A_226, %lt3A_227 : i32
        %convert_element_type3A_229 = arith.extui %lt3A_228 : i1 to i32
        %cond3A_230 = arith.constant 0 : i32
        %cond3A_231 = arith.cmpi ne, %convert_element_type3A_229, %cond3A_230 : i32
        scf.if %cond3A_231 {
          %add3A_232 = arith.constant 4 : i32
          %add3A_233 = arith.addi %add3A_166, %add3A_232 : i32
          %mul3A_234 = arith.constant 10000 : i32
          %mul3A_235 = arith.muli %add3A, %mul3A_234 : i32
          %mul3A_236 = arith.constant 80 : i32
          %mul3A_237 = arith.muli %add3A_233, %mul3A_236 : i32
          %add3A_238 = arith.addi %mul3A_235, %mul3A_237 : i32
          %dma_start3A_239 = tpu.memref_slice %arg4[%add3A_238] : memref<320000xi32, #tpu.memory_space<hbm>> -> memref<40xi32, #tpu.memory_space<hbm>>
          %dma_start3A_240 = tpu.memref_slice %arg4[%add3A_238] : memref<320000xi32, #tpu.memory_space<hbm>> -> memref<40xi32, #tpu.memory_space<hbm>>
          tpu.enqueue_dma source(%dma_start3A_240 : memref<40xi32, #tpu.memory_space<hbm>>) target(%arg12 : memref<40xi32, #tpu.memory_space<vmem>>) target_semaphore(%arg33 : memref<!tpu.dma_semaphore, #tpu.memory_space<semaphore_mem>>)
          %add3A_241 = arith.constant 40 : i32
          %add3A_242 = arith.addi %add3A_238, %add3A_241 : i32
          %dma_start3A_243 = tpu.memref_slice %arg4[%add3A_242] : memref<320000xi32, #tpu.memory_space<hbm>> -> memref<40xi32, #tpu.memory_space<hbm>>
          %dma_start3A_244 = tpu.memref_slice %arg4[%add3A_242] : memref<320000xi32, #tpu.memory_space<hbm>> -> memref<40xi32, #tpu.memory_space<hbm>>
          tpu.enqueue_dma source(%dma_start3A_244 : memref<40xi32, #tpu.memory_space<hbm>>) target(%arg16 : memref<40xi32, #tpu.memory_space<vmem>>) target_semaphore(%arg33 : memref<!tpu.dma_semaphore, #tpu.memory_space<semaphore_mem>>)
          %add3A_245 = arith.constant 4 : i32
          %add3A_246 = arith.addi %add3A_166, %add3A_245 : i32
          %mul3A_247 = arith.constant 10000 : i32
          %mul3A_248 = arith.muli %add3A, %mul3A_247 : i32
          %mul3A_249 = arith.constant 80 : i32
          %mul3A_250 = arith.muli %add3A_246, %mul3A_249 : i32
          %add3A_251 = arith.addi %mul3A_248, %mul3A_250 : i32
          %dma_wait3A_252 = tpu.memref_slice %arg3[%add3A_251] : memref<320000xi32, #tpu.memory_space<hbm>> -> memref<80xi32, #tpu.memory_space<hbm>>
          %dma_wait3A_253 = tpu.memref_slice %arg3[%add3A_251] : memref<320000xi32, #tpu.memory_space<hbm>> -> memref<80xi32, #tpu.memory_space<hbm>>
          tpu.wait_dma2 semaphore(%arg29 : memref<!tpu.dma_semaphore, #tpu.memory_space<semaphore_mem>>) src(%dma_wait3A_253 : memref<80xi32, #tpu.memory_space<hbm>>) dst(%arg8 : memref<80xi32, #tpu.memory_space<vmem>>)
          %dma_start3A_254 = arith.constant 0 : i32
          %dma_start3A_255 = arith.constant 0 : i32
          %dma_start3A_256 = tpu.memref_slice %arg2[%dma_start3A_254, %dma_start3A_255] : memref<10000x128xf32, #tpu.memory_space<hbm>> -> memref<10000x128xf32, #tpu.memory_space<hbm>>
          tpu.enqueue_indirect_dma source(%dma_start3A_256 : memref<10000x128xf32, #tpu.memory_space<hbm>>) target(%arg20 : memref<80x128xf32, #tpu.memory_space<vmem>>) offsets(%arg8 : memref<80xi32, #tpu.memory_space<vmem>>) semaphore(%arg25 : memref<!tpu.dma_semaphore, #tpu.memory_space<semaphore_mem>>)
        } else {
        }
      } else {
      }
      %add3A_172 = arith.constant 3 : i32
      %add3A_173 = arith.addi %mul3A_153, %add3A_172 : i32
      %lt3A_174 = arith.constant 125 : i32
      %lt3A_175 = arith.cmpi slt, %add3A_173, %lt3A_174 : i32
      %convert_element_type3A_176 = arith.extui %lt3A_175 : i1 to i32
      %cond3A_177 = arith.constant 0 : i32
      %cond3A_178 = arith.cmpi ne, %convert_element_type3A_176, %cond3A_177 : i32
      scf.if %cond3A_178 {
        %dma_wait3A_180 = arith.constant 0 : i32
        %dma_wait3A_181 = arith.constant 0 : i32
        %dma_wait3A_182 = tpu.memref_slice %arg2[%dma_wait3A_180, %dma_wait3A_181] : memref<10000x128xf32, #tpu.memory_space<hbm>> -> memref<10000x128xf32, #tpu.memory_space<hbm>>
        tpu.wait_indirect_dma semaphore(%arg26 : memref<!tpu.dma_semaphore, #tpu.memory_space<semaphore_mem>>) src(%dma_wait3A_182 : memref<10000x128xf32, #tpu.memory_space<hbm>>) dst(%arg21 : memref<80x128xf32, #tpu.memory_space<vmem>>)
        %add3A_183 = arith.constant 4 : i32
        %add3A_184 = arith.addi %add3A_173, %add3A_183 : i32
        %lt3A_185 = arith.constant 125 : i32
        %lt3A_186 = arith.cmpi slt, %add3A_184, %lt3A_185 : i32
        %convert_element_type3A_187 = arith.extui %lt3A_186 : i1 to i32
        %cond3A_188 = arith.constant 0 : i32
        %cond3A_189 = arith.cmpi ne, %convert_element_type3A_187, %cond3A_188 : i32
        scf.if %cond3A_189 {
          %add3A_232 = arith.constant 4 : i32
          %add3A_233 = arith.addi %add3A_173, %add3A_232 : i32
          %mul3A_234 = arith.constant 10000 : i32
          %mul3A_235 = arith.muli %add3A, %mul3A_234 : i32
          %mul3A_236 = arith.constant 80 : i32
          %mul3A_237 = arith.muli %add3A_233, %mul3A_236 : i32
          %add3A_238 = arith.addi %mul3A_235, %mul3A_237 : i32
          %dma_start3A_239 = tpu.memref_slice %arg3[%add3A_238] : memref<320000xi32, #tpu.memory_space<hbm>> -> memref<80xi32, #tpu.memory_space<hbm>>
          %dma_start3A_240 = tpu.memref_slice %arg3[%add3A_238] : memref<320000xi32, #tpu.memory_space<hbm>> -> memref<80xi32, #tpu.memory_space<hbm>>
          tpu.enqueue_dma source(%dma_start3A_240 : memref<80xi32, #tpu.memory_space<hbm>>) target(%arg9 : memref<80xi32, #tpu.memory_space<vmem>>) target_semaphore(%arg30 : memref<!tpu.dma_semaphore, #tpu.memory_space<semaphore_mem>>)
        } else {
        }
        %mul3A_190 = arith.constant 10000 : i32
        %mul3A_191 = arith.muli %add3A, %mul3A_190 : i32
        %mul3A_192 = arith.constant 80 : i32
        %mul3A_193 = arith.muli %add3A_173, %mul3A_192 : i32
        %add3A_194 = arith.addi %mul3A_191, %mul3A_193 : i32
        %dma_wait3A_195 = tpu.memref_slice %arg4[%add3A_194] : memref<320000xi32, #tpu.memory_space<hbm>> -> memref<40xi32, #tpu.memory_space<hbm>>
        %dma_wait3A_196 = tpu.memref_slice %arg4[%add3A_194] : memref<320000xi32, #tpu.memory_space<hbm>> -> memref<40xi32, #tpu.memory_space<hbm>>
        tpu.wait_dma2 semaphore(%arg34 : memref<!tpu.dma_semaphore, #tpu.memory_space<semaphore_mem>>) src(%dma_wait3A_196 : memref<40xi32, #tpu.memory_space<hbm>>) dst(%arg13 : memref<40xi32, #tpu.memory_space<vmem>>)
        %add3A_197 = arith.constant 40 : i32
        %add3A_198 = arith.addi %add3A_194, %add3A_197 : i32
        %dma_wait3A_199 = tpu.memref_slice %arg4[%add3A_198] : memref<320000xi32, #tpu.memory_space<hbm>> -> memref<40xi32, #tpu.memory_space<hbm>>
        %dma_wait3A_200 = tpu.memref_slice %arg4[%add3A_198] : memref<320000xi32, #tpu.memory_space<hbm>> -> memref<40xi32, #tpu.memory_space<hbm>>
        tpu.wait_dma2 semaphore(%arg34 : memref<!tpu.dma_semaphore, #tpu.memory_space<semaphore_mem>>) src(%dma_wait3A_200 : memref<40xi32, #tpu.memory_space<hbm>>) dst(%arg17 : memref<40xi32, #tpu.memory_space<vmem>>)
        %dma_start3A_201 = arith.constant 0 : i32
        %dma_start3A_202 = arith.constant 0 : i32
        %dma_start3A_203 = tpu.memref_slice %arg21[%dma_start3A_201, %dma_start3A_202] : memref<80x128xf32, #tpu.memory_space<vmem>> -> memref<40x128xf32, #tpu.memory_space<vmem>>
        %dma_start3A_204 = arith.constant 0 : i32
        %dma_start3A_205 = arith.constant 0 : i32
        %dma_start3A_206 = tpu.memref_slice %arg22[%dma_start3A_204, %dma_start3A_205] : memref<10240x128xf32, #tpu.memory_space<vmem_shared>> -> memref<10240x128xf32, #tpu.memory_space<vmem_shared>>
        tpu.enqueue_indirect_dma source(%dma_start3A_203 : memref<40x128xf32, #tpu.memory_space<vmem>>) target(%dma_start3A_206 : memref<10240x128xf32, #tpu.memory_space<vmem_shared>>) offsets(%arg13 : memref<40xi32, #tpu.memory_space<vmem>>) semaphore(%arg38 : memref<!tpu.dma_semaphore, #tpu.memory_space<semaphore_mem>>) {add = true}
        %dma_start3A_207 = arith.constant 40 : i32
        %dma_start3A_208 = arith.constant 0 : i32
        %dma_start3A_209 = tpu.memref_slice %arg21[%dma_start3A_207, %dma_start3A_208] : memref<80x128xf32, #tpu.memory_space<vmem>> -> memref<40x128xf32, #tpu.memory_space<vmem>>
        %dma_start3A_210 = arith.constant 0 : i32
        %dma_start3A_211 = arith.constant 0 : i32
        %dma_start3A_212 = tpu.memref_slice %arg22[%dma_start3A_210, %dma_start3A_211] : memref<10240x128xf32, #tpu.memory_space<vmem_shared>> -> memref<10240x128xf32, #tpu.memory_space<vmem_shared>>
        tpu.enqueue_indirect_dma source(%dma_start3A_209 : memref<40x128xf32, #tpu.memory_space<vmem>>) target(%dma_start3A_212 : memref<10240x128xf32, #tpu.memory_space<vmem_shared>>) offsets(%arg17 : memref<40xi32, #tpu.memory_space<vmem>>) semaphore(%arg38 : memref<!tpu.dma_semaphore, #tpu.memory_space<semaphore_mem>>) {add = true}
        %dma_wait3A_213 = arith.constant 0 : i32
        %dma_wait3A_214 = arith.constant 0 : i32
        %dma_wait3A_215 = tpu.memref_slice %arg21[%dma_wait3A_213, %dma_wait3A_214] : memref<80x128xf32, #tpu.memory_space<vmem>> -> memref<40x128xf32, #tpu.memory_space<vmem>>
        %dma_wait3A_216 = arith.constant 0 : i32
        %dma_wait3A_217 = arith.constant 0 : i32
        %dma_wait3A_218 = tpu.memref_slice %arg22[%dma_wait3A_216, %dma_wait3A_217] : memref<10240x128xf32, #tpu.memory_space<vmem_shared>> -> memref<10240x128xf32, #tpu.memory_space<vmem_shared>>
        tpu.wait_indirect_dma semaphore(%arg38 : memref<!tpu.dma_semaphore, #tpu.memory_space<semaphore_mem>>) src(%dma_wait3A_215 : memref<40x128xf32, #tpu.memory_space<vmem>>) dst(%dma_wait3A_218 : memref<10240x128xf32, #tpu.memory_space<vmem_shared>>)
        %dma_wait3A_219 = arith.constant 40 : i32
        %dma_wait3A_220 = arith.constant 0 : i32
        %dma_wait3A_221 = tpu.memref_slice %arg21[%dma_wait3A_219, %dma_wait3A_220] : memref<80x128xf32, #tpu.memory_space<vmem>> -> memref<40x128xf32, #tpu.memory_space<vmem>>
        %dma_wait3A_222 = arith.constant 0 : i32
        %dma_wait3A_223 = arith.constant 0 : i32
        %dma_wait3A_224 = tpu.memref_slice %arg22[%dma_wait3A_222, %dma_wait3A_223] : memref<10240x128xf32, #tpu.memory_space<vmem_shared>> -> memref<10240x128xf32, #tpu.memory_space<vmem_shared>>
        tpu.wait_indirect_dma semaphore(%arg38 : memref<!tpu.dma_semaphore, #tpu.memory_space<semaphore_mem>>) src(%dma_wait3A_221 : memref<40x128xf32, #tpu.memory_space<vmem>>) dst(%dma_wait3A_224 : memref<10240x128xf32, #tpu.memory_space<vmem_shared>>)
        %add3A_225 = arith.constant 4 : i32
        %add3A_226 = arith.addi %add3A_173, %add3A_225 : i32
        %lt3A_227 = arith.constant 125 : i32
        %lt3A_228 = arith.cmpi slt, %add3A_226, %lt3A_227 : i32
        %convert_element_type3A_229 = arith.extui %lt3A_228 : i1 to i32
        %cond3A_230 = arith.constant 0 : i32
        %cond3A_231 = arith.cmpi ne, %convert_element_type3A_229, %cond3A_230 : i32
        scf.if %cond3A_231 {
          %add3A_232 = arith.constant 4 : i32
          %add3A_233 = arith.addi %add3A_173, %add3A_232 : i32
          %mul3A_234 = arith.constant 10000 : i32
          %mul3A_235 = arith.muli %add3A, %mul3A_234 : i32
          %mul3A_236 = arith.constant 80 : i32
          %mul3A_237 = arith.muli %add3A_233, %mul3A_236 : i32
          %add3A_238 = arith.addi %mul3A_235, %mul3A_237 : i32
          %dma_start3A_239 = tpu.memref_slice %arg4[%add3A_238] : memref<320000xi32, #tpu.memory_space<hbm>> -> memref<40xi32, #tpu.memory_space<hbm>>
          %dma_start3A_240 = tpu.memref_slice %arg4[%add3A_238] : memref<320000xi32, #tpu.memory_space<hbm>> -> memref<40xi32, #tpu.memory_space<hbm>>
          tpu.enqueue_dma source(%dma_start3A_240 : memref<40xi32, #tpu.memory_space<hbm>>) target(%arg13 : memref<40xi32, #tpu.memory_space<vmem>>) target_semaphore(%arg34 : memref<!tpu.dma_semaphore, #tpu.memory_space<semaphore_mem>>)
          %add3A_241 = arith.constant 40 : i32
          %add3A_242 = arith.addi %add3A_238, %add3A_241 : i32
          %dma_start3A_243 = tpu.memref_slice %arg4[%add3A_242] : memref<320000xi32, #tpu.memory_space<hbm>> -> memref<40xi32, #tpu.memory_space<hbm>>
          %dma_start3A_244 = tpu.memref_slice %arg4[%add3A_242] : memref<320000xi32, #tpu.memory_space<hbm>> -> memref<40xi32, #tpu.memory_space<hbm>>
          tpu.enqueue_dma source(%dma_start3A_244 : memref<40xi32, #tpu.memory_space<hbm>>) target(%arg17 : memref<40xi32, #tpu.memory_space<vmem>>) target_semaphore(%arg34 : memref<!tpu.dma_semaphore, #tpu.memory_space<semaphore_mem>>)
          %add3A_245 = arith.constant 4 : i32
          %add3A_246 = arith.addi %add3A_173, %add3A_245 : i32
          %mul3A_247 = arith.constant 10000 : i32
          %mul3A_248 = arith.muli %add3A, %mul3A_247 : i32
          %mul3A_249 = arith.constant 80 : i32
          %mul3A_250 = arith.muli %add3A_246, %mul3A_249 : i32
          %add3A_251 = arith.addi %mul3A_248, %mul3A_250 : i32
          %dma_wait3A_252 = tpu.memref_slice %arg3[%add3A_251] : memref<320000xi32, #tpu.memory_space<hbm>> -> memref<80xi32, #tpu.memory_space<hbm>>
          %dma_wait3A_253 = tpu.memref_slice %arg3[%add3A_251] : memref<320000xi32, #tpu.memory_space<hbm>> -> memref<80xi32, #tpu.memory_space<hbm>>
          tpu.wait_dma2 semaphore(%arg30 : memref<!tpu.dma_semaphore, #tpu.memory_space<semaphore_mem>>) src(%dma_wait3A_253 : memref<80xi32, #tpu.memory_space<hbm>>) dst(%arg9 : memref<80xi32, #tpu.memory_space<vmem>>)
          %dma_start3A_254 = arith.constant 0 : i32
          %dma_start3A_255 = arith.constant 0 : i32
          %dma_start3A_256 = tpu.memref_slice %arg2[%dma_start3A_254, %dma_start3A_255] : memref<10000x128xf32, #tpu.memory_space<hbm>> -> memref<10000x128xf32, #tpu.memory_space<hbm>>
          tpu.enqueue_indirect_dma source(%dma_start3A_256 : memref<10000x128xf32, #tpu.memory_space<hbm>>) target(%arg21 : memref<80x128xf32, #tpu.memory_space<vmem>>) offsets(%arg9 : memref<80xi32, #tpu.memory_space<vmem>>) semaphore(%arg26 : memref<!tpu.dma_semaphore, #tpu.memory_space<semaphore_mem>>)
        } else {
        }
      } else {
      }
      %scan3A_179 = arith.constant 0 : i32
      scf.yield %scan3A_179 : i32
    }
    %scan3A_144 = arith.constant 32 : i32
    %barrier3A_145 = arith.constant 0 : index
    tpu.barrier barrier_id(%barrier3A_145)
    %mul3A_146 = arith.constant 640 : i32
    %mul3A_147 = arith.muli %arg1, %mul3A_146 : i32
    %mul3A_148 = arith.constant 640 : i32
    %mul3A_149 = arith.muli %arg1, %mul3A_148 : i32
    "tpu.region"() ({
      %run_scoped3A = tpu.sem_alloc : memref<!tpu.dma_semaphore, #tpu.memory_space<semaphore_mem>>
      %dma_start3A_150 = arith.constant 0 : i32
      %dma_start3A_151 = tpu.memref_slice %arg5[%arg0, %mul3A_149, %dma_start3A_150] : memref<2x10240x128xf32, #tpu.memory_space<hbm>> -> memref<1x640x128xf32, #tpu.memory_space<hbm>>
      %dma_start3A_152 = tpu.memref_squeeze %dma_start3A_151 : memref<1x640x128xf32, #tpu.memory_space<hbm>> -> memref<640x128xf32, #tpu.memory_space<hbm>>
      %dma_start3A_153 = arith.constant 0 : i32
      %dma_start3A_154 = tpu.memref_slice %arg22[%mul3A_147, %dma_start3A_153] : memref<10240x128xf32, #tpu.memory_space<vmem_shared>> -> memref<640x128xf32, #tpu.memory_space<vmem_shared>>
      tpu.enqueue_dma source(%dma_start3A_154 : memref<640x128xf32, #tpu.memory_space<vmem_shared>>) target(%dma_start3A_152 : memref<640x128xf32, #tpu.memory_space<hbm>>) target_semaphore(%run_scoped3A : memref<!tpu.dma_semaphore, #tpu.memory_space<semaphore_mem>>)
      %dma_wait3A_155 = arith.constant 0 : i32
      %dma_wait3A_156 = tpu.memref_slice %arg5[%arg0, %mul3A_149, %dma_wait3A_155] : memref<2x10240x128xf32, #tpu.memory_space<hbm>> -> memref<1x640x128xf32, #tpu.memory_space<hbm>>
      %dma_wait3A_157 = tpu.memref_squeeze %dma_wait3A_156 : memref<1x640x128xf32, #tpu.memory_space<hbm>> -> memref<640x128xf32, #tpu.memory_space<hbm>>
      %dma_wait3A_158 = arith.constant 0 : i32
      %dma_wait3A_159 = tpu.memref_slice %arg22[%mul3A_147, %dma_wait3A_158] : memref<10240x128xf32, #tpu.memory_space<vmem_shared>> -> memref<640x128xf32, #tpu.memory_space<vmem_shared>>
      tpu.wait_dma2 semaphore(%run_scoped3A : memref<!tpu.dma_semaphore, #tpu.memory_space<semaphore_mem>>) src(%dma_wait3A_159 : memref<640x128xf32, #tpu.memory_space<vmem_shared>>) dst(%dma_wait3A_157 : memref<640x128xf32, #tpu.memory_space<hbm>>)
      tpu.yield
    }) : () -> ()
    return
  }
}

#map = affine_map<(d0, d1) -> (0, 0)>
#map1 = affine_map<(d0, d1) -> (0)>
#map2 = affine_map<(d0, d1) -> (0, 0, 0)>
module attributes {stable_mosaic.version = 14 : i64} {
  func.func @_sc_agg_body(%arg0: i32, %arg1: i32, %arg2: memref<10000x128xf32, #tpu.memory_space<hbm>>, %arg3: memref<320000xi32, #tpu.memory_space<hbm>>, %arg4: memref<320000xi32, #tpu.memory_space<hbm>>, %arg5: memref<2x10240x128xf32, #tpu.memory_space<hbm>>, %arg6: memref<80xi32, #tpu.memory_space<vmem>>, %arg7: memref<80xi32, #tpu.memory_space<vmem>>, %arg8: memref<80xi32, #tpu.memory_space<vmem>>, %arg9: memref<80xi32, #tpu.memory_space<vmem>>, %arg10: memref<40xi32, #tpu.memory_space<vmem>>, %arg11: memref<40xi32, #tpu.memory_space<vmem>>, %arg12: memref<40xi32, #tpu.memory_space<vmem>>, %arg13: memref<40xi32, #tpu.memory_space<vmem>>, %arg14: memref<40xi32, #tpu.memory_space<vmem>>, %arg15: memref<40xi32, #tpu.memory_space<vmem>>, %arg16: memref<40xi32, #tpu.memory_space<vmem>>, %arg17: memref<40xi32, #tpu.memory_space<vmem>>, %arg18: memref<80x128xf32, #tpu.memory_space<vmem>>, %arg19: memref<80x128xf32, #tpu.memory_space<vmem>>, %arg20: memref<80x128xf32, #tpu.memory_space<vmem>>, %arg21: memref<80x128xf32, #tpu.memory_space<vmem>>, %arg22: memref<10240x128xf32, #tpu.memory_space<vmem_shared>>, %arg23: memref<!tpu.dma_semaphore, #tpu.memory_space<semaphore_mem>>, %arg24: memref<!tpu.dma_semaphore, #tpu.memory_space<semaphore_mem>>, %arg25: memref<!tpu.dma_semaphore, #tpu.memory_space<semaphore_mem>>, %arg26: memref<!tpu.dma_semaphore, #tpu.memory_space<semaphore_mem>>, %arg27: memref<!tpu.dma_semaphore, #tpu.memory_space<semaphore_mem>>, %arg28: memref<!tpu.dma_semaphore, #tpu.memory_space<semaphore_mem>>, %arg29: memref<!tpu.dma_semaphore, #tpu.memory_space<semaphore_mem>>, %arg30: memref<!tpu.dma_semaphore, #tpu.memory_space<semaphore_mem>>, %arg31: memref<!tpu.dma_semaphore, #tpu.memory_space<semaphore_mem>>, %arg32: memref<!tpu.dma_semaphore, #tpu.memory_space<semaphore_mem>>, %arg33: memref<!tpu.dma_semaphore, #tpu.memory_space<semaphore_mem>>, %arg34: memref<!tpu.dma_semaphore, #tpu.memory_space<semaphore_mem>>, %arg35: memref<!tpu.dma_semaphore, #tpu.memory_space<semaphore_mem>>, %arg36: memref<!tpu.dma_semaphore, #tpu.memory_space<semaphore_mem>>, %arg37: memref<!tpu.dma_semaphore, #tpu.memory_space<semaphore_mem>>, %arg38: memref<!tpu.dma_semaphore, #tpu.memory_space<semaphore_mem>>) attributes {dimension_semantics = [#tpu.dimension_semantics<core_parallel>, #tpu.dimension_semantics<subcore_parallel>], iteration_bounds = array<i64: 2, 16>, scalar_prefetch = 0 : i64, scratch_operands = 33 : i64, tpu.core_type = #tpu.core_type<sc_vector_subcore>, window_params = [{transform_indices = #map}, {transform_indices = #map1}, {transform_indices = #map1}, {transform_indices = #map2}]} {
    %mul3A = arith.constant 2 : i32
    %mul3A_0 = arith.muli %arg1, %mul3A : i32
    %add3A = arith.addi %mul3A_0, %arg0 : i32
    %mul3A_1 = arith.constant 10000 : i32
    %mul3A_2 = arith.muli %add3A, %mul3A_1 : i32
    %add3A_3 = arith.constant 0 : i32
    %add3A_4 = arith.addi %mul3A_2, %add3A_3 : i32
    %dma_start3A = tpu.memref_slice %arg3[%add3A_4] : memref<320000xi32, #tpu.memory_space<hbm>> -> memref<80xi32, #tpu.memory_space<hbm>>
    %dma_start3A_5 = tpu.memref_slice %arg3[%add3A_4] : memref<320000xi32, #tpu.memory_space<hbm>> -> memref<80xi32, #tpu.memory_space<hbm>>
    tpu.enqueue_dma source(%dma_start3A_5 : memref<80xi32, #tpu.memory_space<hbm>>) target(%arg6 : memref<80xi32, #tpu.memory_space<vmem>>) target_semaphore(%arg27 : memref<!tpu.dma_semaphore, #tpu.memory_space<semaphore_mem>>)
    %mul3A_6 = arith.constant 10000 : i32
    %mul3A_7 = arith.muli %add3A, %mul3A_6 : i32
    %add3A_8 = arith.constant 0 : i32
    %add3A_9 = arith.addi %mul3A_7, %add3A_8 : i32
    %dma_start3A_10 = tpu.memref_slice %arg4[%add3A_9] : memref<320000xi32, #tpu.memory_space<hbm>> -> memref<40xi32, #tpu.memory_space<hbm>>
    %dma_start3A_11 = tpu.memref_slice %arg4[%add3A_9] : memref<320000xi32, #tpu.memory_space<hbm>> -> memref<40xi32, #tpu.memory_space<hbm>>
    tpu.enqueue_dma source(%dma_start3A_11 : memref<40xi32, #tpu.memory_space<hbm>>) target(%arg10 : memref<40xi32, #tpu.memory_space<vmem>>) target_semaphore(%arg31 : memref<!tpu.dma_semaphore, #tpu.memory_space<semaphore_mem>>)
    %add3A_12 = arith.constant 40 : i32
    %add3A_13 = arith.addi %add3A_9, %add3A_12 : i32
    %dma_start3A_14 = tpu.memref_slice %arg4[%add3A_13] : memref<320000xi32, #tpu.memory_space<hbm>> -> memref<40xi32, #tpu.memory_space<hbm>>
    %dma_start3A_15 = tpu.memref_slice %arg4[%add3A_13] : memref<320000xi32, #tpu.memory_space<hbm>> -> memref<40xi32, #tpu.memory_space<hbm>>
    tpu.enqueue_dma source(%dma_start3A_15 : memref<40xi32, #tpu.memory_space<hbm>>) target(%arg14 : memref<40xi32, #tpu.memory_space<vmem>>) target_semaphore(%arg31 : memref<!tpu.dma_semaphore, #tpu.memory_space<semaphore_mem>>)
    %mul3A_16 = arith.constant 10000 : i32
    %mul3A_17 = arith.muli %add3A, %mul3A_16 : i32
    %add3A_18 = arith.constant 80 : i32
    %add3A_19 = arith.addi %mul3A_17, %add3A_18 : i32
    %dma_start3A_20 = tpu.memref_slice %arg3[%add3A_19] : memref<320000xi32, #tpu.memory_space<hbm>> -> memref<80xi32, #tpu.memory_space<hbm>>
    %dma_start3A_21 = tpu.memref_slice %arg3[%add3A_19] : memref<320000xi32, #tpu.memory_space<hbm>> -> memref<80xi32, #tpu.memory_space<hbm>>
    tpu.enqueue_dma source(%dma_start3A_21 : memref<80xi32, #tpu.memory_space<hbm>>) target(%arg7 : memref<80xi32, #tpu.memory_space<vmem>>) target_semaphore(%arg28 : memref<!tpu.dma_semaphore, #tpu.memory_space<semaphore_mem>>)
    %mul3A_22 = arith.constant 10000 : i32
    %mul3A_23 = arith.muli %add3A, %mul3A_22 : i32
    %add3A_24 = arith.constant 80 : i32
    %add3A_25 = arith.addi %mul3A_23, %add3A_24 : i32
    %dma_start3A_26 = tpu.memref_slice %arg4[%add3A_25] : memref<320000xi32, #tpu.memory_space<hbm>> -> memref<40xi32, #tpu.memory_space<hbm>>
    %dma_start3A_27 = tpu.memref_slice %arg4[%add3A_25] : memref<320000xi32, #tpu.memory_space<hbm>> -> memref<40xi32, #tpu.memory_space<hbm>>
    tpu.enqueue_dma source(%dma_start3A_27 : memref<40xi32, #tpu.memory_space<hbm>>) target(%arg11 : memref<40xi32, #tpu.memory_space<vmem>>) target_semaphore(%arg32 : memref<!tpu.dma_semaphore, #tpu.memory_space<semaphore_mem>>)
    %add3A_28 = arith.constant 40 : i32
    %add3A_29 = arith.addi %add3A_25, %add3A_28 : i32
    %dma_start3A_30 = tpu.memref_slice %arg4[%add3A_29] : memref<320000xi32, #tpu.memory_space<hbm>> -> memref<40xi32, #tpu.memory_space<hbm>>
    %dma_start3A_31 = tpu.memref_slice %arg4[%add3A_29] : memref<320000xi32, #tpu.memory_space<hbm>> -> memref<40xi32, #tpu.memory_space<hbm>>
    tpu.enqueue_dma source(%dma_start3A_31 : memref<40xi32, #tpu.memory_space<hbm>>) target(%arg15 : memref<40xi32, #tpu.memory_space<vmem>>) target_semaphore(%arg32 : memref<!tpu.dma_semaphore, #tpu.memory_space<semaphore_mem>>)
    %mul3A_32 = arith.constant 10000 : i32
    %mul3A_33 = arith.muli %add3A, %mul3A_32 : i32
    %add3A_34 = arith.constant 160 : i32
    %add3A_35 = arith.addi %mul3A_33, %add3A_34 : i32
    %dma_start3A_36 = tpu.memref_slice %arg3[%add3A_35] : memref<320000xi32, #tpu.memory_space<hbm>> -> memref<80xi32, #tpu.memory_space<hbm>>
    %dma_start3A_37 = tpu.memref_slice %arg3[%add3A_35] : memref<320000xi32, #tpu.memory_space<hbm>> -> memref<80xi32, #tpu.memory_space<hbm>>
    tpu.enqueue_dma source(%dma_start3A_37 : memref<80xi32, #tpu.memory_space<hbm>>) target(%arg8 : memref<80xi32, #tpu.memory_space<vmem>>) target_semaphore(%arg29 : memref<!tpu.dma_semaphore, #tpu.memory_space<semaphore_mem>>)
    %mul3A_38 = arith.constant 10000 : i32
    %mul3A_39 = arith.muli %add3A, %mul3A_38 : i32
    %add3A_40 = arith.constant 160 : i32
    %add3A_41 = arith.addi %mul3A_39, %add3A_40 : i32
    %dma_start3A_42 = tpu.memref_slice %arg4[%add3A_41] : memref<320000xi32, #tpu.memory_space<hbm>> -> memref<40xi32, #tpu.memory_space<hbm>>
    %dma_start3A_43 = tpu.memref_slice %arg4[%add3A_41] : memref<320000xi32, #tpu.memory_space<hbm>> -> memref<40xi32, #tpu.memory_space<hbm>>
    tpu.enqueue_dma source(%dma_start3A_43 : memref<40xi32, #tpu.memory_space<hbm>>) target(%arg12 : memref<40xi32, #tpu.memory_space<vmem>>) target_semaphore(%arg33 : memref<!tpu.dma_semaphore, #tpu.memory_space<semaphore_mem>>)
    %add3A_44 = arith.constant 40 : i32
    %add3A_45 = arith.addi %add3A_41, %add3A_44 : i32
    %dma_start3A_46 = tpu.memref_slice %arg4[%add3A_45] : memref<320000xi32, #tpu.memory_space<hbm>> -> memref<40xi32, #tpu.memory_space<hbm>>
    %dma_start3A_47 = tpu.memref_slice %arg4[%add3A_45] : memref<320000xi32, #tpu.memory_space<hbm>> -> memref<40xi32, #tpu.memory_space<hbm>>
    tpu.enqueue_dma source(%dma_start3A_47 : memref<40xi32, #tpu.memory_space<hbm>>) target(%arg16 : memref<40xi32, #tpu.memory_space<vmem>>) target_semaphore(%arg33 : memref<!tpu.dma_semaphore, #tpu.memory_space<semaphore_mem>>)
    %mul3A_48 = arith.constant 10000 : i32
    %mul3A_49 = arith.muli %add3A, %mul3A_48 : i32
    %add3A_50 = arith.constant 240 : i32
    %add3A_51 = arith.addi %mul3A_49, %add3A_50 : i32
    %dma_start3A_52 = tpu.memref_slice %arg3[%add3A_51] : memref<320000xi32, #tpu.memory_space<hbm>> -> memref<80xi32, #tpu.memory_space<hbm>>
    %dma_start3A_53 = tpu.memref_slice %arg3[%add3A_51] : memref<320000xi32, #tpu.memory_space<hbm>> -> memref<80xi32, #tpu.memory_space<hbm>>
    tpu.enqueue_dma source(%dma_start3A_53 : memref<80xi32, #tpu.memory_space<hbm>>) target(%arg9 : memref<80xi32, #tpu.memory_space<vmem>>) target_semaphore(%arg30 : memref<!tpu.dma_semaphore, #tpu.memory_space<semaphore_mem>>)
    %mul3A_54 = arith.constant 10000 : i32
    %mul3A_55 = arith.muli %add3A, %mul3A_54 : i32
    %add3A_56 = arith.constant 240 : i32
    %add3A_57 = arith.addi %mul3A_55, %add3A_56 : i32
    %dma_start3A_58 = tpu.memref_slice %arg4[%add3A_57] : memref<320000xi32, #tpu.memory_space<hbm>> -> memref<40xi32, #tpu.memory_space<hbm>>
    %dma_start3A_59 = tpu.memref_slice %arg4[%add3A_57] : memref<320000xi32, #tpu.memory_space<hbm>> -> memref<40xi32, #tpu.memory_space<hbm>>
    tpu.enqueue_dma source(%dma_start3A_59 : memref<40xi32, #tpu.memory_space<hbm>>) target(%arg13 : memref<40xi32, #tpu.memory_space<vmem>>) target_semaphore(%arg34 : memref<!tpu.dma_semaphore, #tpu.memory_space<semaphore_mem>>)
    %add3A_60 = arith.constant 40 : i32
    %add3A_61 = arith.addi %add3A_57, %add3A_60 : i32
    %dma_start3A_62 = tpu.memref_slice %arg4[%add3A_61] : memref<320000xi32, #tpu.memory_space<hbm>> -> memref<40xi32, #tpu.memory_space<hbm>>
    %dma_start3A_63 = tpu.memref_slice %arg4[%add3A_61] : memref<320000xi32, #tpu.memory_space<hbm>> -> memref<40xi32, #tpu.memory_space<hbm>>
    tpu.enqueue_dma source(%dma_start3A_63 : memref<40xi32, #tpu.memory_space<hbm>>) target(%arg17 : memref<40xi32, #tpu.memory_space<vmem>>) target_semaphore(%arg34 : memref<!tpu.dma_semaphore, #tpu.memory_space<semaphore_mem>>)
    %broadcast_in_dim3A = arith.constant 0.000000e+00 : f32
    %broadcast_in_dim3A_64 = vector.broadcast %broadcast_in_dim3A : f32 to vector<16xf32>
    %scan3A = arith.constant 0 : i32
    %scan3A_65 = arith.constant 0 : i32
    %scan3A_66 = arith.constant 80 : i32
    %scan3A_67 = arith.addi %scan3A_65, %scan3A_66 : i32
    %scan3A_68 = arith.constant 1 : i32
    %scan3A_69 = scf.for %scan3A_150 = %scan3A_65 to %scan3A_67 step %scan3A_68 iter_args(%scan3A_151 = %scan3A) -> (i32)  : i32 {
      %swap3A = arith.index_cast %scan3A_150 : i32 to index
      %swap3A_152 = arith.constant 0 : index
      %swap3A_153 = tpu.vector_load %arg18[%swap3A, %swap3A_152] {strides = array<i32>} : memref<80x128xf32, #tpu.memory_space<vmem>>, vector<1x16xf32>,
      %swap3A_154 = vector.shape_cast %swap3A_153 : vector<1x16xf32> to vector<16xf32>
      %swap3A_155 = vector.shape_cast %broadcast_in_dim3A_64 : vector<16xf32> to vector<1x16xf32>
      tpu.vector_store %arg18[%swap3A, %swap3A_152], %swap3A_155 {strides = array<i32>} : memref<80x128xf32, #tpu.memory_space<vmem>>, vector<1x16xf32>,
      %swap3A_156 = arith.index_cast %scan3A_150 : i32 to index
      %swap3A_157 = arith.constant 16 : index
      %swap3A_158 = tpu.vector_load %arg18[%swap3A_156, %swap3A_157] {strides = array<i32>} : memref<80x128xf32, #tpu.memory_space<vmem>>, vector<1x16xf32>,
      %swap3A_159 = vector.shape_cast %swap3A_158 : vector<1x16xf32> to vector<16xf32>
      %swap3A_160 = vector.shape_cast %broadcast_in_dim3A_64 : vector<16xf32> to vector<1x16xf32>
      tpu.vector_store %arg18[%swap3A_156, %swap3A_157], %swap3A_160 {strides = array<i32>} : memref<80x128xf32, #tpu.memory_space<vmem>>, vector<1x16xf32>,
      %swap3A_161 = arith.index_cast %scan3A_150 : i32 to index
      %swap3A_162 = arith.constant 32 : index
      %swap3A_163 = tpu.vector_load %arg18[%swap3A_161, %swap3A_162] {strides = array<i32>} : memref<80x128xf32, #tpu.memory_space<vmem>>, vector<1x16xf32>,
      %swap3A_164 = vector.shape_cast %swap3A_163 : vector<1x16xf32> to vector<16xf32>
      %swap3A_165 = vector.shape_cast %broadcast_in_dim3A_64 : vector<16xf32> to vector<1x16xf32>
      tpu.vector_store %arg18[%swap3A_161, %swap3A_162], %swap3A_165 {strides = array<i32>} : memref<80x128xf32, #tpu.memory_space<vmem>>, vector<1x16xf32>,
      %swap3A_166 = arith.index_cast %scan3A_150 : i32 to index
      %swap3A_167 = arith.constant 48 : index
      %swap3A_168 = tpu.vector_load %arg18[%swap3A_166, %swap3A_167] {strides = array<i32>} : memref<80x128xf32, #tpu.memory_space<vmem>>, vector<1x16xf32>,
      %swap3A_169 = vector.shape_cast %swap3A_168 : vector<1x16xf32> to vector<16xf32>
      %swap3A_170 = vector.shape_cast %broadcast_in_dim3A_64 : vector<16xf32> to vector<1x16xf32>
      tpu.vector_store %arg18[%swap3A_166, %swap3A_167], %swap3A_170 {strides = array<i32>} : memref<80x128xf32, #tpu.memory_space<vmem>>, vector<1x16xf32>,
      %swap3A_171 = arith.index_cast %scan3A_150 : i32 to index
      %swap3A_172 = arith.constant 64 : index
      %swap3A_173 = tpu.vector_load %arg18[%swap3A_171, %swap3A_172] {strides = array<i32>} : memref<80x128xf32, #tpu.memory_space<vmem>>, vector<1x16xf32>,
      %swap3A_174 = vector.shape_cast %swap3A_173 : vector<1x16xf32> to vector<16xf32>
      %swap3A_175 = vector.shape_cast %broadcast_in_dim3A_64 : vector<16xf32> to vector<1x16xf32>
      tpu.vector_store %arg18[%swap3A_171, %swap3A_172], %swap3A_175 {strides = array<i32>} : memref<80x128xf32, #tpu.memory_space<vmem>>, vector<1x16xf32>,
      %swap3A_176 = arith.index_cast %scan3A_150 : i32 to index
      %swap3A_177 = arith.constant 80 : index
      %swap3A_178 = tpu.vector_load %arg18[%swap3A_176, %swap3A_177] {strides = array<i32>} : memref<80x128xf32, #tpu.memory_space<vmem>>, vector<1x16xf32>,
      %swap3A_179 = vector.shape_cast %swap3A_178 : vector<1x16xf32> to vector<16xf32>
      %swap3A_180 = vector.shape_cast %broadcast_in_dim3A_64 : vector<16xf32> to vector<1x16xf32>
      tpu.vector_store %arg18[%swap3A_176, %swap3A_177], %swap3A_180 {strides = array<i32>} : memref<80x128xf32, #tpu.memory_space<vmem>>, vector<1x16xf32>,
      %swap3A_181 = arith.index_cast %scan3A_150 : i32 to index
      %swap3A_182 = arith.constant 96 : index
      %swap3A_183 = tpu.vector_load %arg18[%swap3A_181, %swap3A_182] {strides = array<i32>} : memref<80x128xf32, #tpu.memory_space<vmem>>, vector<1x16xf32>,
      %swap3A_184 = vector.shape_cast %swap3A_183 : vector<1x16xf32> to vector<16xf32>
      %swap3A_185 = vector.shape_cast %broadcast_in_dim3A_64 : vector<16xf32> to vector<1x16xf32>
      tpu.vector_store %arg18[%swap3A_181, %swap3A_182], %swap3A_185 {strides = array<i32>} : memref<80x128xf32, #tpu.memory_space<vmem>>, vector<1x16xf32>,
      %swap3A_186 = arith.index_cast %scan3A_150 : i32 to index
      %swap3A_187 = arith.constant 112 : index
      %swap3A_188 = tpu.vector_load %arg18[%swap3A_186, %swap3A_187] {strides = array<i32>} : memref<80x128xf32, #tpu.memory_space<vmem>>, vector<1x16xf32>,
      %swap3A_189 = vector.shape_cast %swap3A_188 : vector<1x16xf32> to vector<16xf32>
      %swap3A_190 = vector.shape_cast %broadcast_in_dim3A_64 : vector<16xf32> to vector<1x16xf32>
      tpu.vector_store %arg18[%swap3A_186, %swap3A_187], %swap3A_190 {strides = array<i32>} : memref<80x128xf32, #tpu.memory_space<vmem>>, vector<1x16xf32>,
      %scan3A_191 = arith.constant 0 : i32
      scf.yield %scan3A_191 : i32
    }
    %scan3A_70 = arith.constant 80 : i32
    %mul3A_71 = arith.constant 640 : i32
    %mul3A_72 = arith.muli %arg1, %mul3A_71 : i32
    %add3A_73 = arith.constant 0 : i32
    %add3A_74 = arith.addi %mul3A_72, %add3A_73 : i32
    "tpu.region"() ({
      %run_scoped3A = tpu.sem_alloc : memref<!tpu.dma_semaphore, #tpu.memory_space<semaphore_mem>>
      %dma_start3A_150 = arith.constant 0 : i32
      %dma_start3A_151 = tpu.memref_slice %arg22[%add3A_74, %dma_start3A_150] : memref<10240x128xf32, #tpu.memory_space<vmem_shared>> -> memref<80x128xf32, #tpu.memory_space<vmem_shared>>
      %dma_start3A_152 = arith.constant 0 : i32
      %dma_start3A_153 = tpu.memref_slice %arg22[%add3A_74, %dma_start3A_152] : memref<10240x128xf32, #tpu.memory_space<vmem_shared>> -> memref<80x128xf32, #tpu.memory_space<vmem_shared>>
      tpu.enqueue_dma source(%arg18 : memref<80x128xf32, #tpu.memory_space<vmem>>) target(%dma_start3A_153 : memref<80x128xf32, #tpu.memory_space<vmem_shared>>) target_semaphore(%run_scoped3A : memref<!tpu.dma_semaphore, #tpu.memory_space<semaphore_mem>>)
      %dma_wait3A_154 = arith.constant 0 : i32
      %dma_wait3A_155 = tpu.memref_slice %arg22[%add3A_74, %dma_wait3A_154] : memref<10240x128xf32, #tpu.memory_space<vmem_shared>> -> memref<80x128xf32, #tpu.memory_space<vmem_shared>>
      %dma_wait3A_156 = arith.constant 0 : i32
      %dma_wait3A_157 = tpu.memref_slice %arg22[%add3A_74, %dma_wait3A_156] : memref<10240x128xf32, #tpu.memory_space<vmem_shared>> -> memref<80x128xf32, #tpu.memory_space<vmem_shared>>
      tpu.wait_dma2 semaphore(%run_scoped3A : memref<!tpu.dma_semaphore, #tpu.memory_space<semaphore_mem>>) src(%arg18 : memref<80x128xf32, #tpu.memory_space<vmem>>) dst(%dma_wait3A_157 : memref<80x128xf32, #tpu.memory_space<vmem_shared>>)
      tpu.yield
    }) : () -> ()
    %mul3A_75 = arith.constant 640 : i32
    %mul3A_76 = arith.muli %arg1, %mul3A_75 : i32
    %add3A_77 = arith.constant 80 : i32
    %add3A_78 = arith.addi %mul3A_76, %add3A_77 : i32
    "tpu.region"() ({
      %run_scoped3A = tpu.sem_alloc : memref<!tpu.dma_semaphore, #tpu.memory_space<semaphore_mem>>
      %dma_start3A_150 = arith.constant 0 : i32
      %dma_start3A_151 = tpu.memref_slice %arg22[%add3A_78, %dma_start3A_150] : memref<10240x128xf32, #tpu.memory_space<vmem_shared>> -> memref<80x128xf32, #tpu.memory_space<vmem_shared>>
      %dma_start3A_152 = arith.constant 0 : i32
      %dma_start3A_153 = tpu.memref_slice %arg22[%add3A_78, %dma_start3A_152] : memref<10240x128xf32, #tpu.memory_space<vmem_shared>> -> memref<80x128xf32, #tpu.memory_space<vmem_shared>>
      tpu.enqueue_dma source(%arg18 : memref<80x128xf32, #tpu.memory_space<vmem>>) target(%dma_start3A_153 : memref<80x128xf32, #tpu.memory_space<vmem_shared>>) target_semaphore(%run_scoped3A : memref<!tpu.dma_semaphore, #tpu.memory_space<semaphore_mem>>)
      %dma_wait3A_154 = arith.constant 0 : i32
      %dma_wait3A_155 = tpu.memref_slice %arg22[%add3A_78, %dma_wait3A_154] : memref<10240x128xf32, #tpu.memory_space<vmem_shared>> -> memref<80x128xf32, #tpu.memory_space<vmem_shared>>
      %dma_wait3A_156 = arith.constant 0 : i32
      %dma_wait3A_157 = tpu.memref_slice %arg22[%add3A_78, %dma_wait3A_156] : memref<10240x128xf32, #tpu.memory_space<vmem_shared>> -> memref<80x128xf32, #tpu.memory_space<vmem_shared>>
      tpu.wait_dma2 semaphore(%run_scoped3A : memref<!tpu.dma_semaphore, #tpu.memory_space<semaphore_mem>>) src(%arg18 : memref<80x128xf32, #tpu.memory_space<vmem>>) dst(%dma_wait3A_157 : memref<80x128xf32, #tpu.memory_space<vmem_shared>>)
      tpu.yield
    }) : () -> ()
    %mul3A_79 = arith.constant 640 : i32
    %mul3A_80 = arith.muli %arg1, %mul3A_79 : i32
    %add3A_81 = arith.constant 160 : i32
    %add3A_82 = arith.addi %mul3A_80, %add3A_81 : i32
    "tpu.region"() ({
      %run_scoped3A = tpu.sem_alloc : memref<!tpu.dma_semaphore, #tpu.memory_space<semaphore_mem>>
      %dma_start3A_150 = arith.constant 0 : i32
      %dma_start3A_151 = tpu.memref_slice %arg22[%add3A_82, %dma_start3A_150] : memref<10240x128xf32, #tpu.memory_space<vmem_shared>> -> memref<80x128xf32, #tpu.memory_space<vmem_shared>>
      %dma_start3A_152 = arith.constant 0 : i32
      %dma_start3A_153 = tpu.memref_slice %arg22[%add3A_82, %dma_start3A_152] : memref<10240x128xf32, #tpu.memory_space<vmem_shared>> -> memref<80x128xf32, #tpu.memory_space<vmem_shared>>
      tpu.enqueue_dma source(%arg18 : memref<80x128xf32, #tpu.memory_space<vmem>>) target(%dma_start3A_153 : memref<80x128xf32, #tpu.memory_space<vmem_shared>>) target_semaphore(%run_scoped3A : memref<!tpu.dma_semaphore, #tpu.memory_space<semaphore_mem>>)
      %dma_wait3A_154 = arith.constant 0 : i32
      %dma_wait3A_155 = tpu.memref_slice %arg22[%add3A_82, %dma_wait3A_154] : memref<10240x128xf32, #tpu.memory_space<vmem_shared>> -> memref<80x128xf32, #tpu.memory_space<vmem_shared>>
      %dma_wait3A_156 = arith.constant 0 : i32
      %dma_wait3A_157 = tpu.memref_slice %arg22[%add3A_82, %dma_wait3A_156] : memref<10240x128xf32, #tpu.memory_space<vmem_shared>> -> memref<80x128xf32, #tpu.memory_space<vmem_shared>>
      tpu.wait_dma2 semaphore(%run_scoped3A : memref<!tpu.dma_semaphore, #tpu.memory_space<semaphore_mem>>) src(%arg18 : memref<80x128xf32, #tpu.memory_space<vmem>>) dst(%dma_wait3A_157 : memref<80x128xf32, #tpu.memory_space<vmem_shared>>)
      tpu.yield
    }) : () -> ()
    %mul3A_83 = arith.constant 640 : i32
    %mul3A_84 = arith.muli %arg1, %mul3A_83 : i32
    %add3A_85 = arith.constant 240 : i32
    %add3A_86 = arith.addi %mul3A_84, %add3A_85 : i32
    "tpu.region"() ({
      %run_scoped3A = tpu.sem_alloc : memref<!tpu.dma_semaphore, #tpu.memory_space<semaphore_mem>>
      %dma_start3A_150 = arith.constant 0 : i32
      %dma_start3A_151 = tpu.memref_slice %arg22[%add3A_86, %dma_start3A_150] : memref<10240x128xf32, #tpu.memory_space<vmem_shared>> -> memref<80x128xf32, #tpu.memory_space<vmem_shared>>
      %dma_start3A_152 = arith.constant 0 : i32
      %dma_start3A_153 = tpu.memref_slice %arg22[%add3A_86, %dma_start3A_152] : memref<10240x128xf32, #tpu.memory_space<vmem_shared>> -> memref<80x128xf32, #tpu.memory_space<vmem_shared>>
      tpu.enqueue_dma source(%arg18 : memref<80x128xf32, #tpu.memory_space<vmem>>) target(%dma_start3A_153 : memref<80x128xf32, #tpu.memory_space<vmem_shared>>) target_semaphore(%run_scoped3A : memref<!tpu.dma_semaphore, #tpu.memory_space<semaphore_mem>>)
      %dma_wait3A_154 = arith.constant 0 : i32
      %dma_wait3A_155 = tpu.memref_slice %arg22[%add3A_86, %dma_wait3A_154] : memref<10240x128xf32, #tpu.memory_space<vmem_shared>> -> memref<80x128xf32, #tpu.memory_space<vmem_shared>>
      %dma_wait3A_156 = arith.constant 0 : i32
      %dma_wait3A_157 = tpu.memref_slice %arg22[%add3A_86, %dma_wait3A_156] : memref<10240x128xf32, #tpu.memory_space<vmem_shared>> -> memref<80x128xf32, #tpu.memory_space<vmem_shared>>
      tpu.wait_dma2 semaphore(%run_scoped3A : memref<!tpu.dma_semaphore, #tpu.memory_space<semaphore_mem>>) src(%arg18 : memref<80x128xf32, #tpu.memory_space<vmem>>) dst(%dma_wait3A_157 : memref<80x128xf32, #tpu.memory_space<vmem_shared>>)
      tpu.yield
    }) : () -> ()
    %mul3A_87 = arith.constant 640 : i32
    %mul3A_88 = arith.muli %arg1, %mul3A_87 : i32
    %add3A_89 = arith.constant 320 : i32
    %add3A_90 = arith.addi %mul3A_88, %add3A_89 : i32
    "tpu.region"() ({
      %run_scoped3A = tpu.sem_alloc : memref<!tpu.dma_semaphore, #tpu.memory_space<semaphore_mem>>
      %dma_start3A_150 = arith.constant 0 : i32
      %dma_start3A_151 = tpu.memref_slice %arg22[%add3A_90, %dma_start3A_150] : memref<10240x128xf32, #tpu.memory_space<vmem_shared>> -> memref<80x128xf32, #tpu.memory_space<vmem_shared>>
      %dma_start3A_152 = arith.constant 0 : i32
      %dma_start3A_153 = tpu.memref_slice %arg22[%add3A_90, %dma_start3A_152] : memref<10240x128xf32, #tpu.memory_space<vmem_shared>> -> memref<80x128xf32, #tpu.memory_space<vmem_shared>>
      tpu.enqueue_dma source(%arg18 : memref<80x128xf32, #tpu.memory_space<vmem>>) target(%dma_start3A_153 : memref<80x128xf32, #tpu.memory_space<vmem_shared>>) target_semaphore(%run_scoped3A : memref<!tpu.dma_semaphore, #tpu.memory_space<semaphore_mem>>)
      %dma_wait3A_154 = arith.constant 0 : i32
      %dma_wait3A_155 = tpu.memref_slice %arg22[%add3A_90, %dma_wait3A_154] : memref<10240x128xf32, #tpu.memory_space<vmem_shared>> -> memref<80x128xf32, #tpu.memory_space<vmem_shared>>
      %dma_wait3A_156 = arith.constant 0 : i32
      %dma_wait3A_157 = tpu.memref_slice %arg22[%add3A_90, %dma_wait3A_156] : memref<10240x128xf32, #tpu.memory_space<vmem_shared>> -> memref<80x128xf32, #tpu.memory_space<vmem_shared>>
      tpu.wait_dma2 semaphore(%run_scoped3A : memref<!tpu.dma_semaphore, #tpu.memory_space<semaphore_mem>>) src(%arg18 : memref<80x128xf32, #tpu.memory_space<vmem>>) dst(%dma_wait3A_157 : memref<80x128xf32, #tpu.memory_space<vmem_shared>>)
      tpu.yield
    }) : () -> ()
    %mul3A_91 = arith.constant 640 : i32
    %mul3A_92 = arith.muli %arg1, %mul3A_91 : i32
    %add3A_93 = arith.constant 400 : i32
    %add3A_94 = arith.addi %mul3A_92, %add3A_93 : i32
    "tpu.region"() ({
      %run_scoped3A = tpu.sem_alloc : memref<!tpu.dma_semaphore, #tpu.memory_space<semaphore_mem>>
      %dma_start3A_150 = arith.constant 0 : i32
      %dma_start3A_151 = tpu.memref_slice %arg22[%add3A_94, %dma_start3A_150] : memref<10240x128xf32, #tpu.memory_space<vmem_shared>> -> memref<80x128xf32, #tpu.memory_space<vmem_shared>>
      %dma_start3A_152 = arith.constant 0 : i32
      %dma_start3A_153 = tpu.memref_slice %arg22[%add3A_94, %dma_start3A_152] : memref<10240x128xf32, #tpu.memory_space<vmem_shared>> -> memref<80x128xf32, #tpu.memory_space<vmem_shared>>
      tpu.enqueue_dma source(%arg18 : memref<80x128xf32, #tpu.memory_space<vmem>>) target(%dma_start3A_153 : memref<80x128xf32, #tpu.memory_space<vmem_shared>>) target_semaphore(%run_scoped3A : memref<!tpu.dma_semaphore, #tpu.memory_space<semaphore_mem>>)
      %dma_wait3A_154 = arith.constant 0 : i32
      %dma_wait3A_155 = tpu.memref_slice %arg22[%add3A_94, %dma_wait3A_154] : memref<10240x128xf32, #tpu.memory_space<vmem_shared>> -> memref<80x128xf32, #tpu.memory_space<vmem_shared>>
      %dma_wait3A_156 = arith.constant 0 : i32
      %dma_wait3A_157 = tpu.memref_slice %arg22[%add3A_94, %dma_wait3A_156] : memref<10240x128xf32, #tpu.memory_space<vmem_shared>> -> memref<80x128xf32, #tpu.memory_space<vmem_shared>>
      tpu.wait_dma2 semaphore(%run_scoped3A : memref<!tpu.dma_semaphore, #tpu.memory_space<semaphore_mem>>) src(%arg18 : memref<80x128xf32, #tpu.memory_space<vmem>>) dst(%dma_wait3A_157 : memref<80x128xf32, #tpu.memory_space<vmem_shared>>)
      tpu.yield
    }) : () -> ()
    %mul3A_95 = arith.constant 640 : i32
    %mul3A_96 = arith.muli %arg1, %mul3A_95 : i32
    %add3A_97 = arith.constant 480 : i32
    %add3A_98 = arith.addi %mul3A_96, %add3A_97 : i32
    "tpu.region"() ({
      %run_scoped3A = tpu.sem_alloc : memref<!tpu.dma_semaphore, #tpu.memory_space<semaphore_mem>>
      %dma_start3A_150 = arith.constant 0 : i32
      %dma_start3A_151 = tpu.memref_slice %arg22[%add3A_98, %dma_start3A_150] : memref<10240x128xf32, #tpu.memory_space<vmem_shared>> -> memref<80x128xf32, #tpu.memory_space<vmem_shared>>
      %dma_start3A_152 = arith.constant 0 : i32
      %dma_start3A_153 = tpu.memref_slice %arg22[%add3A_98, %dma_start3A_152] : memref<10240x128xf32, #tpu.memory_space<vmem_shared>> -> memref<80x128xf32, #tpu.memory_space<vmem_shared>>
      tpu.enqueue_dma source(%arg18 : memref<80x128xf32, #tpu.memory_space<vmem>>) target(%dma_start3A_153 : memref<80x128xf32, #tpu.memory_space<vmem_shared>>) target_semaphore(%run_scoped3A : memref<!tpu.dma_semaphore, #tpu.memory_space<semaphore_mem>>)
      %dma_wait3A_154 = arith.constant 0 : i32
      %dma_wait3A_155 = tpu.memref_slice %arg22[%add3A_98, %dma_wait3A_154] : memref<10240x128xf32, #tpu.memory_space<vmem_shared>> -> memref<80x128xf32, #tpu.memory_space<vmem_shared>>
      %dma_wait3A_156 = arith.constant 0 : i32
      %dma_wait3A_157 = tpu.memref_slice %arg22[%add3A_98, %dma_wait3A_156] : memref<10240x128xf32, #tpu.memory_space<vmem_shared>> -> memref<80x128xf32, #tpu.memory_space<vmem_shared>>
      tpu.wait_dma2 semaphore(%run_scoped3A : memref<!tpu.dma_semaphore, #tpu.memory_space<semaphore_mem>>) src(%arg18 : memref<80x128xf32, #tpu.memory_space<vmem>>) dst(%dma_wait3A_157 : memref<80x128xf32, #tpu.memory_space<vmem_shared>>)
      tpu.yield
    }) : () -> ()
    %mul3A_99 = arith.constant 640 : i32
    %mul3A_100 = arith.muli %arg1, %mul3A_99 : i32
    %add3A_101 = arith.constant 560 : i32
    %add3A_102 = arith.addi %mul3A_100, %add3A_101 : i32
    "tpu.region"() ({
      %run_scoped3A = tpu.sem_alloc : memref<!tpu.dma_semaphore, #tpu.memory_space<semaphore_mem>>
      %dma_start3A_150 = arith.constant 0 : i32
      %dma_start3A_151 = tpu.memref_slice %arg22[%add3A_102, %dma_start3A_150] : memref<10240x128xf32, #tpu.memory_space<vmem_shared>> -> memref<80x128xf32, #tpu.memory_space<vmem_shared>>
      %dma_start3A_152 = arith.constant 0 : i32
      %dma_start3A_153 = tpu.memref_slice %arg22[%add3A_102, %dma_start3A_152] : memref<10240x128xf32, #tpu.memory_space<vmem_shared>> -> memref<80x128xf32, #tpu.memory_space<vmem_shared>>
      tpu.enqueue_dma source(%arg18 : memref<80x128xf32, #tpu.memory_space<vmem>>) target(%dma_start3A_153 : memref<80x128xf32, #tpu.memory_space<vmem_shared>>) target_semaphore(%run_scoped3A : memref<!tpu.dma_semaphore, #tpu.memory_space<semaphore_mem>>)
      %dma_wait3A_154 = arith.constant 0 : i32
      %dma_wait3A_155 = tpu.memref_slice %arg22[%add3A_102, %dma_wait3A_154] : memref<10240x128xf32, #tpu.memory_space<vmem_shared>> -> memref<80x128xf32, #tpu.memory_space<vmem_shared>>
      %dma_wait3A_156 = arith.constant 0 : i32
      %dma_wait3A_157 = tpu.memref_slice %arg22[%add3A_102, %dma_wait3A_156] : memref<10240x128xf32, #tpu.memory_space<vmem_shared>> -> memref<80x128xf32, #tpu.memory_space<vmem_shared>>
      tpu.wait_dma2 semaphore(%run_scoped3A : memref<!tpu.dma_semaphore, #tpu.memory_space<semaphore_mem>>) src(%arg18 : memref<80x128xf32, #tpu.memory_space<vmem>>) dst(%dma_wait3A_157 : memref<80x128xf32, #tpu.memory_space<vmem_shared>>)
      tpu.yield
    }) : () -> ()
    %mul3A_103 = arith.constant 10000 : i32
    %mul3A_104 = arith.muli %add3A, %mul3A_103 : i32
    %add3A_105 = arith.constant 0 : i32
    %add3A_106 = arith.addi %mul3A_104, %add3A_105 : i32
    %dma_wait3A = tpu.memref_slice %arg3[%add3A_106] : memref<320000xi32, #tpu.memory_space<hbm>> -> memref<80xi32, #tpu.memory_space<hbm>>
    %dma_wait3A_107 = tpu.memref_slice %arg3[%add3A_106] : memref<320000xi32, #tpu.memory_space<hbm>> -> memref<80xi32, #tpu.memory_space<hbm>>
    tpu.wait_dma2 semaphore(%arg27 : memref<!tpu.dma_semaphore, #tpu.memory_space<semaphore_mem>>) src(%dma_wait3A_107 : memref<80xi32, #tpu.memory_space<hbm>>) dst(%arg6 : memref<80xi32, #tpu.memory_space<vmem>>)
    %dma_start3A_108 = arith.constant 0 : i32
    %dma_start3A_109 = arith.constant 0 : i32
    %dma_start3A_110 = tpu.memref_slice %arg2[%dma_start3A_108, %dma_start3A_109] : memref<10000x128xf32, #tpu.memory_space<hbm>> -> memref<10000x128xf32, #tpu.memory_space<hbm>>
    tpu.enqueue_indirect_dma source(%dma_start3A_110 : memref<10000x128xf32, #tpu.memory_space<hbm>>) target(%arg18 : memref<80x128xf32, #tpu.memory_space<vmem>>) offsets(%arg6 : memref<80xi32, #tpu.memory_space<vmem>>) semaphore(%arg23 : memref<!tpu.dma_semaphore, #tpu.memory_space<semaphore_mem>>)
    %mul3A_111 = arith.constant 10000 : i32
    %mul3A_112 = arith.muli %add3A, %mul3A_111 : i32
    %add3A_113 = arith.constant 80 : i32
    %add3A_114 = arith.addi %mul3A_112, %add3A_113 : i32
    %dma_wait3A_115 = tpu.memref_slice %arg3[%add3A_114] : memref<320000xi32, #tpu.memory_space<hbm>> -> memref<80xi32, #tpu.memory_space<hbm>>
    %dma_wait3A_116 = tpu.memref_slice %arg3[%add3A_114] : memref<320000xi32, #tpu.memory_space<hbm>> -> memref<80xi32, #tpu.memory_space<hbm>>
    tpu.wait_dma2 semaphore(%arg28 : memref<!tpu.dma_semaphore, #tpu.memory_space<semaphore_mem>>) src(%dma_wait3A_116 : memref<80xi32, #tpu.memory_space<hbm>>) dst(%arg7 : memref<80xi32, #tpu.memory_space<vmem>>)
    %dma_start3A_117 = arith.constant 0 : i32
    %dma_start3A_118 = arith.constant 0 : i32
    %dma_start3A_119 = tpu.memref_slice %arg2[%dma_start3A_117, %dma_start3A_118] : memref<10000x128xf32, #tpu.memory_space<hbm>> -> memref<10000x128xf32, #tpu.memory_space<hbm>>
    tpu.enqueue_indirect_dma source(%dma_start3A_119 : memref<10000x128xf32, #tpu.memory_space<hbm>>) target(%arg19 : memref<80x128xf32, #tpu.memory_space<vmem>>) offsets(%arg7 : memref<80xi32, #tpu.memory_space<vmem>>) semaphore(%arg24 : memref<!tpu.dma_semaphore, #tpu.memory_space<semaphore_mem>>)
    %mul3A_120 = arith.constant 10000 : i32
    %mul3A_121 = arith.muli %add3A, %mul3A_120 : i32
    %add3A_122 = arith.constant 160 : i32
    %add3A_123 = arith.addi %mul3A_121, %add3A_122 : i32
    %dma_wait3A_124 = tpu.memref_slice %arg3[%add3A_123] : memref<320000xi32, #tpu.memory_space<hbm>> -> memref<80xi32, #tpu.memory_space<hbm>>
    %dma_wait3A_125 = tpu.memref_slice %arg3[%add3A_123] : memref<320000xi32, #tpu.memory_space<hbm>> -> memref<80xi32, #tpu.memory_space<hbm>>
    tpu.wait_dma2 semaphore(%arg29 : memref<!tpu.dma_semaphore, #tpu.memory_space<semaphore_mem>>) src(%dma_wait3A_125 : memref<80xi32, #tpu.memory_space<hbm>>) dst(%arg8 : memref<80xi32, #tpu.memory_space<vmem>>)
    %dma_start3A_126 = arith.constant 0 : i32
    %dma_start3A_127 = arith.constant 0 : i32
    %dma_start3A_128 = tpu.memref_slice %arg2[%dma_start3A_126, %dma_start3A_127] : memref<10000x128xf32, #tpu.memory_space<hbm>> -> memref<10000x128xf32, #tpu.memory_space<hbm>>
    tpu.enqueue_indirect_dma source(%dma_start3A_128 : memref<10000x128xf32, #tpu.memory_space<hbm>>) target(%arg20 : memref<80x128xf32, #tpu.memory_space<vmem>>) offsets(%arg8 : memref<80xi32, #tpu.memory_space<vmem>>) semaphore(%arg25 : memref<!tpu.dma_semaphore, #tpu.memory_space<semaphore_mem>>)
    %mul3A_129 = arith.constant 10000 : i32
    %mul3A_130 = arith.muli %add3A, %mul3A_129 : i32
    %add3A_131 = arith.constant 240 : i32
    %add3A_132 = arith.addi %mul3A_130, %add3A_131 : i32
    %dma_wait3A_133 = tpu.memref_slice %arg3[%add3A_132] : memref<320000xi32, #tpu.memory_space<hbm>> -> memref<80xi32, #tpu.memory_space<hbm>>
    %dma_wait3A_134 = tpu.memref_slice %arg3[%add3A_132] : memref<320000xi32, #tpu.memory_space<hbm>> -> memref<80xi32, #tpu.memory_space<hbm>>
    tpu.wait_dma2 semaphore(%arg30 : memref<!tpu.dma_semaphore, #tpu.memory_space<semaphore_mem>>) src(%dma_wait3A_134 : memref<80xi32, #tpu.memory_space<hbm>>) dst(%arg9 : memref<80xi32, #tpu.memory_space<vmem>>)
    %dma_start3A_135 = arith.constant 0 : i32
    %dma_start3A_136 = arith.constant 0 : i32
    %dma_start3A_137 = tpu.memref_slice %arg2[%dma_start3A_135, %dma_start3A_136] : memref<10000x128xf32, #tpu.memory_space<hbm>> -> memref<10000x128xf32, #tpu.memory_space<hbm>>
    tpu.enqueue_indirect_dma source(%dma_start3A_137 : memref<10000x128xf32, #tpu.memory_space<hbm>>) target(%arg21 : memref<80x128xf32, #tpu.memory_space<vmem>>) offsets(%arg9 : memref<80xi32, #tpu.memory_space<vmem>>) semaphore(%arg26 : memref<!tpu.dma_semaphore, #tpu.memory_space<semaphore_mem>>)
    %barrier3A = arith.constant 0 : index
    tpu.barrier barrier_id(%barrier3A)
    %scan3A_138 = arith.constant 0 : i32
    %scan3A_139 = arith.constant 0 : i32
    %scan3A_140 = arith.constant 32 : i32
    %scan3A_141 = arith.addi %scan3A_139, %scan3A_140 : i32
    %scan3A_142 = arith.constant 1 : i32
    %scan3A_143 = scf.for %scan3A_150 = %scan3A_139 to %scan3A_141 step %scan3A_142 iter_args(%scan3A_151 = %scan3A_138) -> (i32)  : i32 {
      %mul3A_152 = arith.constant 4 : i32
      %mul3A_153 = arith.muli %mul3A_152, %scan3A_150 : i32
      %add3A_154 = arith.constant 0 : i32
      %add3A_155 = arith.addi %mul3A_153, %add3A_154 : i32
      %lt3A = arith.constant 125 : i32
      %lt3A_156 = arith.cmpi slt, %add3A_155, %lt3A : i32
      %convert_element_type3A = arith.extui %lt3A_156 : i1 to i32
      %cond3A = arith.constant 0 : i32
      %cond3A_157 = arith.cmpi ne, %convert_element_type3A, %cond3A : i32
      scf.if %cond3A_157 {
        %dma_wait3A_180 = arith.constant 0 : i32
        %dma_wait3A_181 = arith.constant 0 : i32
        %dma_wait3A_182 = tpu.memref_slice %arg2[%dma_wait3A_180, %dma_wait3A_181] : memref<10000x128xf32, #tpu.memory_space<hbm>> -> memref<10000x128xf32, #tpu.memory_space<hbm>>
        tpu.wait_indirect_dma semaphore(%arg23 : memref<!tpu.dma_semaphore, #tpu.memory_space<semaphore_mem>>) src(%dma_wait3A_182 : memref<10000x128xf32, #tpu.memory_space<hbm>>) dst(%arg18 : memref<80x128xf32, #tpu.memory_space<vmem>>)
        %add3A_183 = arith.constant 4 : i32
        %add3A_184 = arith.addi %add3A_155, %add3A_183 : i32
        %lt3A_185 = arith.constant 125 : i32
        %lt3A_186 = arith.cmpi slt, %add3A_184, %lt3A_185 : i32
        %convert_element_type3A_187 = arith.extui %lt3A_186 : i1 to i32
        %cond3A_188 = arith.constant 0 : i32
        %cond3A_189 = arith.cmpi ne, %convert_element_type3A_187, %cond3A_188 : i32
        scf.if %cond3A_189 {
          %add3A_232 = arith.constant 4 : i32
          %add3A_233 = arith.addi %add3A_155, %add3A_232 : i32
          %mul3A_234 = arith.constant 10000 : i32
          %mul3A_235 = arith.muli %add3A, %mul3A_234 : i32
          %mul3A_236 = arith.constant 80 : i32
          %mul3A_237 = arith.muli %add3A_233, %mul3A_236 : i32
          %add3A_238 = arith.addi %mul3A_235, %mul3A_237 : i32
          %dma_start3A_239 = tpu.memref_slice %arg3[%add3A_238] : memref<320000xi32, #tpu.memory_space<hbm>> -> memref<80xi32, #tpu.memory_space<hbm>>
          %dma_start3A_240 = tpu.memref_slice %arg3[%add3A_238] : memref<320000xi32, #tpu.memory_space<hbm>> -> memref<80xi32, #tpu.memory_space<hbm>>
          tpu.enqueue_dma source(%dma_start3A_240 : memref<80xi32, #tpu.memory_space<hbm>>) target(%arg6 : memref<80xi32, #tpu.memory_space<vmem>>) target_semaphore(%arg27 : memref<!tpu.dma_semaphore, #tpu.memory_space<semaphore_mem>>)
        } else {
        }
        %mul3A_190 = arith.constant 10000 : i32
        %mul3A_191 = arith.muli %add3A, %mul3A_190 : i32
        %mul3A_192 = arith.constant 80 : i32
        %mul3A_193 = arith.muli %add3A_155, %mul3A_192 : i32
        %add3A_194 = arith.addi %mul3A_191, %mul3A_193 : i32
        %dma_wait3A_195 = tpu.memref_slice %arg4[%add3A_194] : memref<320000xi32, #tpu.memory_space<hbm>> -> memref<40xi32, #tpu.memory_space<hbm>>
        %dma_wait3A_196 = tpu.memref_slice %arg4[%add3A_194] : memref<320000xi32, #tpu.memory_space<hbm>> -> memref<40xi32, #tpu.memory_space<hbm>>
        tpu.wait_dma2 semaphore(%arg31 : memref<!tpu.dma_semaphore, #tpu.memory_space<semaphore_mem>>) src(%dma_wait3A_196 : memref<40xi32, #tpu.memory_space<hbm>>) dst(%arg10 : memref<40xi32, #tpu.memory_space<vmem>>)
        %add3A_197 = arith.constant 40 : i32
        %add3A_198 = arith.addi %add3A_194, %add3A_197 : i32
        %dma_wait3A_199 = tpu.memref_slice %arg4[%add3A_198] : memref<320000xi32, #tpu.memory_space<hbm>> -> memref<40xi32, #tpu.memory_space<hbm>>
        %dma_wait3A_200 = tpu.memref_slice %arg4[%add3A_198] : memref<320000xi32, #tpu.memory_space<hbm>> -> memref<40xi32, #tpu.memory_space<hbm>>
        tpu.wait_dma2 semaphore(%arg31 : memref<!tpu.dma_semaphore, #tpu.memory_space<semaphore_mem>>) src(%dma_wait3A_200 : memref<40xi32, #tpu.memory_space<hbm>>) dst(%arg14 : memref<40xi32, #tpu.memory_space<vmem>>)
        %dma_start3A_201 = arith.constant 0 : i32
        %dma_start3A_202 = arith.constant 0 : i32
        %dma_start3A_203 = tpu.memref_slice %arg18[%dma_start3A_201, %dma_start3A_202] : memref<80x128xf32, #tpu.memory_space<vmem>> -> memref<40x128xf32, #tpu.memory_space<vmem>>
        %dma_start3A_204 = arith.constant 0 : i32
        %dma_start3A_205 = arith.constant 0 : i32
        %dma_start3A_206 = tpu.memref_slice %arg22[%dma_start3A_204, %dma_start3A_205] : memref<10240x128xf32, #tpu.memory_space<vmem_shared>> -> memref<10240x128xf32, #tpu.memory_space<vmem_shared>>
        tpu.enqueue_indirect_dma source(%dma_start3A_203 : memref<40x128xf32, #tpu.memory_space<vmem>>) target(%dma_start3A_206 : memref<10240x128xf32, #tpu.memory_space<vmem_shared>>) offsets(%arg10 : memref<40xi32, #tpu.memory_space<vmem>>) semaphore(%arg35 : memref<!tpu.dma_semaphore, #tpu.memory_space<semaphore_mem>>) {add = true}
        %dma_start3A_207 = arith.constant 40 : i32
        %dma_start3A_208 = arith.constant 0 : i32
        %dma_start3A_209 = tpu.memref_slice %arg18[%dma_start3A_207, %dma_start3A_208] : memref<80x128xf32, #tpu.memory_space<vmem>> -> memref<40x128xf32, #tpu.memory_space<vmem>>
        %dma_start3A_210 = arith.constant 0 : i32
        %dma_start3A_211 = arith.constant 0 : i32
        %dma_start3A_212 = tpu.memref_slice %arg22[%dma_start3A_210, %dma_start3A_211] : memref<10240x128xf32, #tpu.memory_space<vmem_shared>> -> memref<10240x128xf32, #tpu.memory_space<vmem_shared>>
        tpu.enqueue_indirect_dma source(%dma_start3A_209 : memref<40x128xf32, #tpu.memory_space<vmem>>) target(%dma_start3A_212 : memref<10240x128xf32, #tpu.memory_space<vmem_shared>>) offsets(%arg14 : memref<40xi32, #tpu.memory_space<vmem>>) semaphore(%arg35 : memref<!tpu.dma_semaphore, #tpu.memory_space<semaphore_mem>>) {add = true}
        %dma_wait3A_213 = arith.constant 0 : i32
        %dma_wait3A_214 = arith.constant 0 : i32
        %dma_wait3A_215 = tpu.memref_slice %arg18[%dma_wait3A_213, %dma_wait3A_214] : memref<80x128xf32, #tpu.memory_space<vmem>> -> memref<40x128xf32, #tpu.memory_space<vmem>>
        %dma_wait3A_216 = arith.constant 0 : i32
        %dma_wait3A_217 = arith.constant 0 : i32
        %dma_wait3A_218 = tpu.memref_slice %arg22[%dma_wait3A_216, %dma_wait3A_217] : memref<10240x128xf32, #tpu.memory_space<vmem_shared>> -> memref<10240x128xf32, #tpu.memory_space<vmem_shared>>
        tpu.wait_indirect_dma semaphore(%arg35 : memref<!tpu.dma_semaphore, #tpu.memory_space<semaphore_mem>>) src(%dma_wait3A_215 : memref<40x128xf32, #tpu.memory_space<vmem>>) dst(%dma_wait3A_218 : memref<10240x128xf32, #tpu.memory_space<vmem_shared>>)
        %dma_wait3A_219 = arith.constant 40 : i32
        %dma_wait3A_220 = arith.constant 0 : i32
        %dma_wait3A_221 = tpu.memref_slice %arg18[%dma_wait3A_219, %dma_wait3A_220] : memref<80x128xf32, #tpu.memory_space<vmem>> -> memref<40x128xf32, #tpu.memory_space<vmem>>
        %dma_wait3A_222 = arith.constant 0 : i32
        %dma_wait3A_223 = arith.constant 0 : i32
        %dma_wait3A_224 = tpu.memref_slice %arg22[%dma_wait3A_222, %dma_wait3A_223] : memref<10240x128xf32, #tpu.memory_space<vmem_shared>> -> memref<10240x128xf32, #tpu.memory_space<vmem_shared>>
        tpu.wait_indirect_dma semaphore(%arg35 : memref<!tpu.dma_semaphore, #tpu.memory_space<semaphore_mem>>) src(%dma_wait3A_221 : memref<40x128xf32, #tpu.memory_space<vmem>>) dst(%dma_wait3A_224 : memref<10240x128xf32, #tpu.memory_space<vmem_shared>>)
        %add3A_225 = arith.constant 4 : i32
        %add3A_226 = arith.addi %add3A_155, %add3A_225 : i32
        %lt3A_227 = arith.constant 125 : i32
        %lt3A_228 = arith.cmpi slt, %add3A_226, %lt3A_227 : i32
        %convert_element_type3A_229 = arith.extui %lt3A_228 : i1 to i32
        %cond3A_230 = arith.constant 0 : i32
        %cond3A_231 = arith.cmpi ne, %convert_element_type3A_229, %cond3A_230 : i32
        scf.if %cond3A_231 {
          %add3A_232 = arith.constant 4 : i32
          %add3A_233 = arith.addi %add3A_155, %add3A_232 : i32
          %mul3A_234 = arith.constant 10000 : i32
          %mul3A_235 = arith.muli %add3A, %mul3A_234 : i32
          %mul3A_236 = arith.constant 80 : i32
          %mul3A_237 = arith.muli %add3A_233, %mul3A_236 : i32
          %add3A_238 = arith.addi %mul3A_235, %mul3A_237 : i32
          %dma_start3A_239 = tpu.memref_slice %arg4[%add3A_238] : memref<320000xi32, #tpu.memory_space<hbm>> -> memref<40xi32, #tpu.memory_space<hbm>>
          %dma_start3A_240 = tpu.memref_slice %arg4[%add3A_238] : memref<320000xi32, #tpu.memory_space<hbm>> -> memref<40xi32, #tpu.memory_space<hbm>>
          tpu.enqueue_dma source(%dma_start3A_240 : memref<40xi32, #tpu.memory_space<hbm>>) target(%arg10 : memref<40xi32, #tpu.memory_space<vmem>>) target_semaphore(%arg31 : memref<!tpu.dma_semaphore, #tpu.memory_space<semaphore_mem>>)
          %add3A_241 = arith.constant 40 : i32
          %add3A_242 = arith.addi %add3A_238, %add3A_241 : i32
          %dma_start3A_243 = tpu.memref_slice %arg4[%add3A_242] : memref<320000xi32, #tpu.memory_space<hbm>> -> memref<40xi32, #tpu.memory_space<hbm>>
          %dma_start3A_244 = tpu.memref_slice %arg4[%add3A_242] : memref<320000xi32, #tpu.memory_space<hbm>> -> memref<40xi32, #tpu.memory_space<hbm>>
          tpu.enqueue_dma source(%dma_start3A_244 : memref<40xi32, #tpu.memory_space<hbm>>) target(%arg14 : memref<40xi32, #tpu.memory_space<vmem>>) target_semaphore(%arg31 : memref<!tpu.dma_semaphore, #tpu.memory_space<semaphore_mem>>)
          %add3A_245 = arith.constant 4 : i32
          %add3A_246 = arith.addi %add3A_155, %add3A_245 : i32
          %mul3A_247 = arith.constant 10000 : i32
          %mul3A_248 = arith.muli %add3A, %mul3A_247 : i32
          %mul3A_249 = arith.constant 80 : i32
          %mul3A_250 = arith.muli %add3A_246, %mul3A_249 : i32
          %add3A_251 = arith.addi %mul3A_248, %mul3A_250 : i32
          %dma_wait3A_252 = tpu.memref_slice %arg3[%add3A_251] : memref<320000xi32, #tpu.memory_space<hbm>> -> memref<80xi32, #tpu.memory_space<hbm>>
          %dma_wait3A_253 = tpu.memref_slice %arg3[%add3A_251] : memref<320000xi32, #tpu.memory_space<hbm>> -> memref<80xi32, #tpu.memory_space<hbm>>
          tpu.wait_dma2 semaphore(%arg27 : memref<!tpu.dma_semaphore, #tpu.memory_space<semaphore_mem>>) src(%dma_wait3A_253 : memref<80xi32, #tpu.memory_space<hbm>>) dst(%arg6 : memref<80xi32, #tpu.memory_space<vmem>>)
          %dma_start3A_254 = arith.constant 0 : i32
          %dma_start3A_255 = arith.constant 0 : i32
          %dma_start3A_256 = tpu.memref_slice %arg2[%dma_start3A_254, %dma_start3A_255] : memref<10000x128xf32, #tpu.memory_space<hbm>> -> memref<10000x128xf32, #tpu.memory_space<hbm>>
          tpu.enqueue_indirect_dma source(%dma_start3A_256 : memref<10000x128xf32, #tpu.memory_space<hbm>>) target(%arg18 : memref<80x128xf32, #tpu.memory_space<vmem>>) offsets(%arg6 : memref<80xi32, #tpu.memory_space<vmem>>) semaphore(%arg23 : memref<!tpu.dma_semaphore, #tpu.memory_space<semaphore_mem>>)
        } else {
        }
      } else {
      }
      %add3A_158 = arith.constant 1 : i32
      %add3A_159 = arith.addi %mul3A_153, %add3A_158 : i32
      %lt3A_160 = arith.constant 125 : i32
      %lt3A_161 = arith.cmpi slt, %add3A_159, %lt3A_160 : i32
      %convert_element_type3A_162 = arith.extui %lt3A_161 : i1 to i32
      %cond3A_163 = arith.constant 0 : i32
      %cond3A_164 = arith.cmpi ne, %convert_element_type3A_162, %cond3A_163 : i32
      scf.if %cond3A_164 {
        %dma_wait3A_180 = arith.constant 0 : i32
        %dma_wait3A_181 = arith.constant 0 : i32
        %dma_wait3A_182 = tpu.memref_slice %arg2[%dma_wait3A_180, %dma_wait3A_181] : memref<10000x128xf32, #tpu.memory_space<hbm>> -> memref<10000x128xf32, #tpu.memory_space<hbm>>
        tpu.wait_indirect_dma semaphore(%arg24 : memref<!tpu.dma_semaphore, #tpu.memory_space<semaphore_mem>>) src(%dma_wait3A_182 : memref<10000x128xf32, #tpu.memory_space<hbm>>) dst(%arg19 : memref<80x128xf32, #tpu.memory_space<vmem>>)
        %add3A_183 = arith.constant 4 : i32
        %add3A_184 = arith.addi %add3A_159, %add3A_183 : i32
        %lt3A_185 = arith.constant 125 : i32
        %lt3A_186 = arith.cmpi slt, %add3A_184, %lt3A_185 : i32
        %convert_element_type3A_187 = arith.extui %lt3A_186 : i1 to i32
        %cond3A_188 = arith.constant 0 : i32
        %cond3A_189 = arith.cmpi ne, %convert_element_type3A_187, %cond3A_188 : i32
        scf.if %cond3A_189 {
          %add3A_232 = arith.constant 4 : i32
          %add3A_233 = arith.addi %add3A_159, %add3A_232 : i32
          %mul3A_234 = arith.constant 10000 : i32
          %mul3A_235 = arith.muli %add3A, %mul3A_234 : i32
          %mul3A_236 = arith.constant 80 : i32
          %mul3A_237 = arith.muli %add3A_233, %mul3A_236 : i32
          %add3A_238 = arith.addi %mul3A_235, %mul3A_237 : i32
          %dma_start3A_239 = tpu.memref_slice %arg3[%add3A_238] : memref<320000xi32, #tpu.memory_space<hbm>> -> memref<80xi32, #tpu.memory_space<hbm>>
          %dma_start3A_240 = tpu.memref_slice %arg3[%add3A_238] : memref<320000xi32, #tpu.memory_space<hbm>> -> memref<80xi32, #tpu.memory_space<hbm>>
          tpu.enqueue_dma source(%dma_start3A_240 : memref<80xi32, #tpu.memory_space<hbm>>) target(%arg7 : memref<80xi32, #tpu.memory_space<vmem>>) target_semaphore(%arg28 : memref<!tpu.dma_semaphore, #tpu.memory_space<semaphore_mem>>)
        } else {
        }
        %mul3A_190 = arith.constant 10000 : i32
        %mul3A_191 = arith.muli %add3A, %mul3A_190 : i32
        %mul3A_192 = arith.constant 80 : i32
        %mul3A_193 = arith.muli %add3A_159, %mul3A_192 : i32
        %add3A_194 = arith.addi %mul3A_191, %mul3A_193 : i32
        %dma_wait3A_195 = tpu.memref_slice %arg4[%add3A_194] : memref<320000xi32, #tpu.memory_space<hbm>> -> memref<40xi32, #tpu.memory_space<hbm>>
        %dma_wait3A_196 = tpu.memref_slice %arg4[%add3A_194] : memref<320000xi32, #tpu.memory_space<hbm>> -> memref<40xi32, #tpu.memory_space<hbm>>
        tpu.wait_dma2 semaphore(%arg32 : memref<!tpu.dma_semaphore, #tpu.memory_space<semaphore_mem>>) src(%dma_wait3A_196 : memref<40xi32, #tpu.memory_space<hbm>>) dst(%arg11 : memref<40xi32, #tpu.memory_space<vmem>>)
        %add3A_197 = arith.constant 40 : i32
        %add3A_198 = arith.addi %add3A_194, %add3A_197 : i32
        %dma_wait3A_199 = tpu.memref_slice %arg4[%add3A_198] : memref<320000xi32, #tpu.memory_space<hbm>> -> memref<40xi32, #tpu.memory_space<hbm>>
        %dma_wait3A_200 = tpu.memref_slice %arg4[%add3A_198] : memref<320000xi32, #tpu.memory_space<hbm>> -> memref<40xi32, #tpu.memory_space<hbm>>
        tpu.wait_dma2 semaphore(%arg32 : memref<!tpu.dma_semaphore, #tpu.memory_space<semaphore_mem>>) src(%dma_wait3A_200 : memref<40xi32, #tpu.memory_space<hbm>>) dst(%arg15 : memref<40xi32, #tpu.memory_space<vmem>>)
        %dma_start3A_201 = arith.constant 0 : i32
        %dma_start3A_202 = arith.constant 0 : i32
        %dma_start3A_203 = tpu.memref_slice %arg19[%dma_start3A_201, %dma_start3A_202] : memref<80x128xf32, #tpu.memory_space<vmem>> -> memref<40x128xf32, #tpu.memory_space<vmem>>
        %dma_start3A_204 = arith.constant 0 : i32
        %dma_start3A_205 = arith.constant 0 : i32
        %dma_start3A_206 = tpu.memref_slice %arg22[%dma_start3A_204, %dma_start3A_205] : memref<10240x128xf32, #tpu.memory_space<vmem_shared>> -> memref<10240x128xf32, #tpu.memory_space<vmem_shared>>
        tpu.enqueue_indirect_dma source(%dma_start3A_203 : memref<40x128xf32, #tpu.memory_space<vmem>>) target(%dma_start3A_206 : memref<10240x128xf32, #tpu.memory_space<vmem_shared>>) offsets(%arg11 : memref<40xi32, #tpu.memory_space<vmem>>) semaphore(%arg36 : memref<!tpu.dma_semaphore, #tpu.memory_space<semaphore_mem>>) {add = true}
        %dma_start3A_207 = arith.constant 40 : i32
        %dma_start3A_208 = arith.constant 0 : i32
        %dma_start3A_209 = tpu.memref_slice %arg19[%dma_start3A_207, %dma_start3A_208] : memref<80x128xf32, #tpu.memory_space<vmem>> -> memref<40x128xf32, #tpu.memory_space<vmem>>
        %dma_start3A_210 = arith.constant 0 : i32
        %dma_start3A_211 = arith.constant 0 : i32
        %dma_start3A_212 = tpu.memref_slice %arg22[%dma_start3A_210, %dma_start3A_211] : memref<10240x128xf32, #tpu.memory_space<vmem_shared>> -> memref<10240x128xf32, #tpu.memory_space<vmem_shared>>
        tpu.enqueue_indirect_dma source(%dma_start3A_209 : memref<40x128xf32, #tpu.memory_space<vmem>>) target(%dma_start3A_212 : memref<10240x128xf32, #tpu.memory_space<vmem_shared>>) offsets(%arg15 : memref<40xi32, #tpu.memory_space<vmem>>) semaphore(%arg36 : memref<!tpu.dma_semaphore, #tpu.memory_space<semaphore_mem>>) {add = true}
        %dma_wait3A_213 = arith.constant 0 : i32
        %dma_wait3A_214 = arith.constant 0 : i32
        %dma_wait3A_215 = tpu.memref_slice %arg19[%dma_wait3A_213, %dma_wait3A_214] : memref<80x128xf32, #tpu.memory_space<vmem>> -> memref<40x128xf32, #tpu.memory_space<vmem>>
        %dma_wait3A_216 = arith.constant 0 : i32
        %dma_wait3A_217 = arith.constant 0 : i32
        %dma_wait3A_218 = tpu.memref_slice %arg22[%dma_wait3A_216, %dma_wait3A_217] : memref<10240x128xf32, #tpu.memory_space<vmem_shared>> -> memref<10240x128xf32, #tpu.memory_space<vmem_shared>>
        tpu.wait_indirect_dma semaphore(%arg36 : memref<!tpu.dma_semaphore, #tpu.memory_space<semaphore_mem>>) src(%dma_wait3A_215 : memref<40x128xf32, #tpu.memory_space<vmem>>) dst(%dma_wait3A_218 : memref<10240x128xf32, #tpu.memory_space<vmem_shared>>)
        %dma_wait3A_219 = arith.constant 40 : i32
        %dma_wait3A_220 = arith.constant 0 : i32
        %dma_wait3A_221 = tpu.memref_slice %arg19[%dma_wait3A_219, %dma_wait3A_220] : memref<80x128xf32, #tpu.memory_space<vmem>> -> memref<40x128xf32, #tpu.memory_space<vmem>>
        %dma_wait3A_222 = arith.constant 0 : i32
        %dma_wait3A_223 = arith.constant 0 : i32
        %dma_wait3A_224 = tpu.memref_slice %arg22[%dma_wait3A_222, %dma_wait3A_223] : memref<10240x128xf32, #tpu.memory_space<vmem_shared>> -> memref<10240x128xf32, #tpu.memory_space<vmem_shared>>
        tpu.wait_indirect_dma semaphore(%arg36 : memref<!tpu.dma_semaphore, #tpu.memory_space<semaphore_mem>>) src(%dma_wait3A_221 : memref<40x128xf32, #tpu.memory_space<vmem>>) dst(%dma_wait3A_224 : memref<10240x128xf32, #tpu.memory_space<vmem_shared>>)
        %add3A_225 = arith.constant 4 : i32
        %add3A_226 = arith.addi %add3A_159, %add3A_225 : i32
        %lt3A_227 = arith.constant 125 : i32
        %lt3A_228 = arith.cmpi slt, %add3A_226, %lt3A_227 : i32
        %convert_element_type3A_229 = arith.extui %lt3A_228 : i1 to i32
        %cond3A_230 = arith.constant 0 : i32
        %cond3A_231 = arith.cmpi ne, %convert_element_type3A_229, %cond3A_230 : i32
        scf.if %cond3A_231 {
          %add3A_232 = arith.constant 4 : i32
          %add3A_233 = arith.addi %add3A_159, %add3A_232 : i32
          %mul3A_234 = arith.constant 10000 : i32
          %mul3A_235 = arith.muli %add3A, %mul3A_234 : i32
          %mul3A_236 = arith.constant 80 : i32
          %mul3A_237 = arith.muli %add3A_233, %mul3A_236 : i32
          %add3A_238 = arith.addi %mul3A_235, %mul3A_237 : i32
          %dma_start3A_239 = tpu.memref_slice %arg4[%add3A_238] : memref<320000xi32, #tpu.memory_space<hbm>> -> memref<40xi32, #tpu.memory_space<hbm>>
          %dma_start3A_240 = tpu.memref_slice %arg4[%add3A_238] : memref<320000xi32, #tpu.memory_space<hbm>> -> memref<40xi32, #tpu.memory_space<hbm>>
          tpu.enqueue_dma source(%dma_start3A_240 : memref<40xi32, #tpu.memory_space<hbm>>) target(%arg11 : memref<40xi32, #tpu.memory_space<vmem>>) target_semaphore(%arg32 : memref<!tpu.dma_semaphore, #tpu.memory_space<semaphore_mem>>)
          %add3A_241 = arith.constant 40 : i32
          %add3A_242 = arith.addi %add3A_238, %add3A_241 : i32
          %dma_start3A_243 = tpu.memref_slice %arg4[%add3A_242] : memref<320000xi32, #tpu.memory_space<hbm>> -> memref<40xi32, #tpu.memory_space<hbm>>
          %dma_start3A_244 = tpu.memref_slice %arg4[%add3A_242] : memref<320000xi32, #tpu.memory_space<hbm>> -> memref<40xi32, #tpu.memory_space<hbm>>
          tpu.enqueue_dma source(%dma_start3A_244 : memref<40xi32, #tpu.memory_space<hbm>>) target(%arg15 : memref<40xi32, #tpu.memory_space<vmem>>) target_semaphore(%arg32 : memref<!tpu.dma_semaphore, #tpu.memory_space<semaphore_mem>>)
          %add3A_245 = arith.constant 4 : i32
          %add3A_246 = arith.addi %add3A_159, %add3A_245 : i32
          %mul3A_247 = arith.constant 10000 : i32
          %mul3A_248 = arith.muli %add3A, %mul3A_247 : i32
          %mul3A_249 = arith.constant 80 : i32
          %mul3A_250 = arith.muli %add3A_246, %mul3A_249 : i32
          %add3A_251 = arith.addi %mul3A_248, %mul3A_250 : i32
          %dma_wait3A_252 = tpu.memref_slice %arg3[%add3A_251] : memref<320000xi32, #tpu.memory_space<hbm>> -> memref<80xi32, #tpu.memory_space<hbm>>
          %dma_wait3A_253 = tpu.memref_slice %arg3[%add3A_251] : memref<320000xi32, #tpu.memory_space<hbm>> -> memref<80xi32, #tpu.memory_space<hbm>>
          tpu.wait_dma2 semaphore(%arg28 : memref<!tpu.dma_semaphore, #tpu.memory_space<semaphore_mem>>) src(%dma_wait3A_253 : memref<80xi32, #tpu.memory_space<hbm>>) dst(%arg7 : memref<80xi32, #tpu.memory_space<vmem>>)
          %dma_start3A_254 = arith.constant 0 : i32
          %dma_start3A_255 = arith.constant 0 : i32
          %dma_start3A_256 = tpu.memref_slice %arg2[%dma_start3A_254, %dma_start3A_255] : memref<10000x128xf32, #tpu.memory_space<hbm>> -> memref<10000x128xf32, #tpu.memory_space<hbm>>
          tpu.enqueue_indirect_dma source(%dma_start3A_256 : memref<10000x128xf32, #tpu.memory_space<hbm>>) target(%arg19 : memref<80x128xf32, #tpu.memory_space<vmem>>) offsets(%arg7 : memref<80xi32, #tpu.memory_space<vmem>>) semaphore(%arg24 : memref<!tpu.dma_semaphore, #tpu.memory_space<semaphore_mem>>)
        } else {
        }
      } else {
      }
      %add3A_165 = arith.constant 2 : i32
      %add3A_166 = arith.addi %mul3A_153, %add3A_165 : i32
      %lt3A_167 = arith.constant 125 : i32
      %lt3A_168 = arith.cmpi slt, %add3A_166, %lt3A_167 : i32
      %convert_element_type3A_169 = arith.extui %lt3A_168 : i1 to i32
      %cond3A_170 = arith.constant 0 : i32
      %cond3A_171 = arith.cmpi ne, %convert_element_type3A_169, %cond3A_170 : i32
      scf.if %cond3A_171 {
        %dma_wait3A_180 = arith.constant 0 : i32
        %dma_wait3A_181 = arith.constant 0 : i32
        %dma_wait3A_182 = tpu.memref_slice %arg2[%dma_wait3A_180, %dma_wait3A_181] : memref<10000x128xf32, #tpu.memory_space<hbm>> -> memref<10000x128xf32, #tpu.memory_space<hbm>>
        tpu.wait_indirect_dma semaphore(%arg25 : memref<!tpu.dma_semaphore, #tpu.memory_space<semaphore_mem>>) src(%dma_wait3A_182 : memref<10000x128xf32, #tpu.memory_space<hbm>>) dst(%arg20 : memref<80x128xf32, #tpu.memory_space<vmem>>)
        %add3A_183 = arith.constant 4 : i32
        %add3A_184 = arith.addi %add3A_166, %add3A_183 : i32
        %lt3A_185 = arith.constant 125 : i32
        %lt3A_186 = arith.cmpi slt, %add3A_184, %lt3A_185 : i32
        %convert_element_type3A_187 = arith.extui %lt3A_186 : i1 to i32
        %cond3A_188 = arith.constant 0 : i32
        %cond3A_189 = arith.cmpi ne, %convert_element_type3A_187, %cond3A_188 : i32
        scf.if %cond3A_189 {
          %add3A_232 = arith.constant 4 : i32
          %add3A_233 = arith.addi %add3A_166, %add3A_232 : i32
          %mul3A_234 = arith.constant 10000 : i32
          %mul3A_235 = arith.muli %add3A, %mul3A_234 : i32
          %mul3A_236 = arith.constant 80 : i32
          %mul3A_237 = arith.muli %add3A_233, %mul3A_236 : i32
          %add3A_238 = arith.addi %mul3A_235, %mul3A_237 : i32
          %dma_start3A_239 = tpu.memref_slice %arg3[%add3A_238] : memref<320000xi32, #tpu.memory_space<hbm>> -> memref<80xi32, #tpu.memory_space<hbm>>
          %dma_start3A_240 = tpu.memref_slice %arg3[%add3A_238] : memref<320000xi32, #tpu.memory_space<hbm>> -> memref<80xi32, #tpu.memory_space<hbm>>
          tpu.enqueue_dma source(%dma_start3A_240 : memref<80xi32, #tpu.memory_space<hbm>>) target(%arg8 : memref<80xi32, #tpu.memory_space<vmem>>) target_semaphore(%arg29 : memref<!tpu.dma_semaphore, #tpu.memory_space<semaphore_mem>>)
        } else {
        }
        %mul3A_190 = arith.constant 10000 : i32
        %mul3A_191 = arith.muli %add3A, %mul3A_190 : i32
        %mul3A_192 = arith.constant 80 : i32
        %mul3A_193 = arith.muli %add3A_166, %mul3A_192 : i32
        %add3A_194 = arith.addi %mul3A_191, %mul3A_193 : i32
        %dma_wait3A_195 = tpu.memref_slice %arg4[%add3A_194] : memref<320000xi32, #tpu.memory_space<hbm>> -> memref<40xi32, #tpu.memory_space<hbm>>
        %dma_wait3A_196 = tpu.memref_slice %arg4[%add3A_194] : memref<320000xi32, #tpu.memory_space<hbm>> -> memref<40xi32, #tpu.memory_space<hbm>>
        tpu.wait_dma2 semaphore(%arg33 : memref<!tpu.dma_semaphore, #tpu.memory_space<semaphore_mem>>) src(%dma_wait3A_196 : memref<40xi32, #tpu.memory_space<hbm>>) dst(%arg12 : memref<40xi32, #tpu.memory_space<vmem>>)
        %add3A_197 = arith.constant 40 : i32
        %add3A_198 = arith.addi %add3A_194, %add3A_197 : i32
        %dma_wait3A_199 = tpu.memref_slice %arg4[%add3A_198] : memref<320000xi32, #tpu.memory_space<hbm>> -> memref<40xi32, #tpu.memory_space<hbm>>
        %dma_wait3A_200 = tpu.memref_slice %arg4[%add3A_198] : memref<320000xi32, #tpu.memory_space<hbm>> -> memref<40xi32, #tpu.memory_space<hbm>>
        tpu.wait_dma2 semaphore(%arg33 : memref<!tpu.dma_semaphore, #tpu.memory_space<semaphore_mem>>) src(%dma_wait3A_200 : memref<40xi32, #tpu.memory_space<hbm>>) dst(%arg16 : memref<40xi32, #tpu.memory_space<vmem>>)
        %dma_start3A_201 = arith.constant 0 : i32
        %dma_start3A_202 = arith.constant 0 : i32
        %dma_start3A_203 = tpu.memref_slice %arg20[%dma_start3A_201, %dma_start3A_202] : memref<80x128xf32, #tpu.memory_space<vmem>> -> memref<40x128xf32, #tpu.memory_space<vmem>>
        %dma_start3A_204 = arith.constant 0 : i32
        %dma_start3A_205 = arith.constant 0 : i32
        %dma_start3A_206 = tpu.memref_slice %arg22[%dma_start3A_204, %dma_start3A_205] : memref<10240x128xf32, #tpu.memory_space<vmem_shared>> -> memref<10240x128xf32, #tpu.memory_space<vmem_shared>>
        tpu.enqueue_indirect_dma source(%dma_start3A_203 : memref<40x128xf32, #tpu.memory_space<vmem>>) target(%dma_start3A_206 : memref<10240x128xf32, #tpu.memory_space<vmem_shared>>) offsets(%arg12 : memref<40xi32, #tpu.memory_space<vmem>>) semaphore(%arg37 : memref<!tpu.dma_semaphore, #tpu.memory_space<semaphore_mem>>) {add = true}
        %dma_start3A_207 = arith.constant 40 : i32
        %dma_start3A_208 = arith.constant 0 : i32
        %dma_start3A_209 = tpu.memref_slice %arg20[%dma_start3A_207, %dma_start3A_208] : memref<80x128xf32, #tpu.memory_space<vmem>> -> memref<40x128xf32, #tpu.memory_space<vmem>>
        %dma_start3A_210 = arith.constant 0 : i32
        %dma_start3A_211 = arith.constant 0 : i32
        %dma_start3A_212 = tpu.memref_slice %arg22[%dma_start3A_210, %dma_start3A_211] : memref<10240x128xf32, #tpu.memory_space<vmem_shared>> -> memref<10240x128xf32, #tpu.memory_space<vmem_shared>>
        tpu.enqueue_indirect_dma source(%dma_start3A_209 : memref<40x128xf32, #tpu.memory_space<vmem>>) target(%dma_start3A_212 : memref<10240x128xf32, #tpu.memory_space<vmem_shared>>) offsets(%arg16 : memref<40xi32, #tpu.memory_space<vmem>>) semaphore(%arg37 : memref<!tpu.dma_semaphore, #tpu.memory_space<semaphore_mem>>) {add = true}
        %dma_wait3A_213 = arith.constant 0 : i32
        %dma_wait3A_214 = arith.constant 0 : i32
        %dma_wait3A_215 = tpu.memref_slice %arg20[%dma_wait3A_213, %dma_wait3A_214] : memref<80x128xf32, #tpu.memory_space<vmem>> -> memref<40x128xf32, #tpu.memory_space<vmem>>
        %dma_wait3A_216 = arith.constant 0 : i32
        %dma_wait3A_217 = arith.constant 0 : i32
        %dma_wait3A_218 = tpu.memref_slice %arg22[%dma_wait3A_216, %dma_wait3A_217] : memref<10240x128xf32, #tpu.memory_space<vmem_shared>> -> memref<10240x128xf32, #tpu.memory_space<vmem_shared>>
        tpu.wait_indirect_dma semaphore(%arg37 : memref<!tpu.dma_semaphore, #tpu.memory_space<semaphore_mem>>) src(%dma_wait3A_215 : memref<40x128xf32, #tpu.memory_space<vmem>>) dst(%dma_wait3A_218 : memref<10240x128xf32, #tpu.memory_space<vmem_shared>>)
        %dma_wait3A_219 = arith.constant 40 : i32
        %dma_wait3A_220 = arith.constant 0 : i32
        %dma_wait3A_221 = tpu.memref_slice %arg20[%dma_wait3A_219, %dma_wait3A_220] : memref<80x128xf32, #tpu.memory_space<vmem>> -> memref<40x128xf32, #tpu.memory_space<vmem>>
        %dma_wait3A_222 = arith.constant 0 : i32
        %dma_wait3A_223 = arith.constant 0 : i32
        %dma_wait3A_224 = tpu.memref_slice %arg22[%dma_wait3A_222, %dma_wait3A_223] : memref<10240x128xf32, #tpu.memory_space<vmem_shared>> -> memref<10240x128xf32, #tpu.memory_space<vmem_shared>>
        tpu.wait_indirect_dma semaphore(%arg37 : memref<!tpu.dma_semaphore, #tpu.memory_space<semaphore_mem>>) src(%dma_wait3A_221 : memref<40x128xf32, #tpu.memory_space<vmem>>) dst(%dma_wait3A_224 : memref<10240x128xf32, #tpu.memory_space<vmem_shared>>)
        %add3A_225 = arith.constant 4 : i32
        %add3A_226 = arith.addi %add3A_166, %add3A_225 : i32
        %lt3A_227 = arith.constant 125 : i32
        %lt3A_228 = arith.cmpi slt, %add3A_226, %lt3A_227 : i32
        %convert_element_type3A_229 = arith.extui %lt3A_228 : i1 to i32
        %cond3A_230 = arith.constant 0 : i32
        %cond3A_231 = arith.cmpi ne, %convert_element_type3A_229, %cond3A_230 : i32
        scf.if %cond3A_231 {
          %add3A_232 = arith.constant 4 : i32
          %add3A_233 = arith.addi %add3A_166, %add3A_232 : i32
          %mul3A_234 = arith.constant 10000 : i32
          %mul3A_235 = arith.muli %add3A, %mul3A_234 : i32
          %mul3A_236 = arith.constant 80 : i32
          %mul3A_237 = arith.muli %add3A_233, %mul3A_236 : i32
          %add3A_238 = arith.addi %mul3A_235, %mul3A_237 : i32
          %dma_start3A_239 = tpu.memref_slice %arg4[%add3A_238] : memref<320000xi32, #tpu.memory_space<hbm>> -> memref<40xi32, #tpu.memory_space<hbm>>
          %dma_start3A_240 = tpu.memref_slice %arg4[%add3A_238] : memref<320000xi32, #tpu.memory_space<hbm>> -> memref<40xi32, #tpu.memory_space<hbm>>
          tpu.enqueue_dma source(%dma_start3A_240 : memref<40xi32, #tpu.memory_space<hbm>>) target(%arg12 : memref<40xi32, #tpu.memory_space<vmem>>) target_semaphore(%arg33 : memref<!tpu.dma_semaphore, #tpu.memory_space<semaphore_mem>>)
          %add3A_241 = arith.constant 40 : i32
          %add3A_242 = arith.addi %add3A_238, %add3A_241 : i32
          %dma_start3A_243 = tpu.memref_slice %arg4[%add3A_242] : memref<320000xi32, #tpu.memory_space<hbm>> -> memref<40xi32, #tpu.memory_space<hbm>>
          %dma_start3A_244 = tpu.memref_slice %arg4[%add3A_242] : memref<320000xi32, #tpu.memory_space<hbm>> -> memref<40xi32, #tpu.memory_space<hbm>>
          tpu.enqueue_dma source(%dma_start3A_244 : memref<40xi32, #tpu.memory_space<hbm>>) target(%arg16 : memref<40xi32, #tpu.memory_space<vmem>>) target_semaphore(%arg33 : memref<!tpu.dma_semaphore, #tpu.memory_space<semaphore_mem>>)
          %add3A_245 = arith.constant 4 : i32
          %add3A_246 = arith.addi %add3A_166, %add3A_245 : i32
          %mul3A_247 = arith.constant 10000 : i32
          %mul3A_248 = arith.muli %add3A, %mul3A_247 : i32
          %mul3A_249 = arith.constant 80 : i32
          %mul3A_250 = arith.muli %add3A_246, %mul3A_249 : i32
          %add3A_251 = arith.addi %mul3A_248, %mul3A_250 : i32
          %dma_wait3A_252 = tpu.memref_slice %arg3[%add3A_251] : memref<320000xi32, #tpu.memory_space<hbm>> -> memref<80xi32, #tpu.memory_space<hbm>>
          %dma_wait3A_253 = tpu.memref_slice %arg3[%add3A_251] : memref<320000xi32, #tpu.memory_space<hbm>> -> memref<80xi32, #tpu.memory_space<hbm>>
          tpu.wait_dma2 semaphore(%arg29 : memref<!tpu.dma_semaphore, #tpu.memory_space<semaphore_mem>>) src(%dma_wait3A_253 : memref<80xi32, #tpu.memory_space<hbm>>) dst(%arg8 : memref<80xi32, #tpu.memory_space<vmem>>)
          %dma_start3A_254 = arith.constant 0 : i32
          %dma_start3A_255 = arith.constant 0 : i32
          %dma_start3A_256 = tpu.memref_slice %arg2[%dma_start3A_254, %dma_start3A_255] : memref<10000x128xf32, #tpu.memory_space<hbm>> -> memref<10000x128xf32, #tpu.memory_space<hbm>>
          tpu.enqueue_indirect_dma source(%dma_start3A_256 : memref<10000x128xf32, #tpu.memory_space<hbm>>) target(%arg20 : memref<80x128xf32, #tpu.memory_space<vmem>>) offsets(%arg8 : memref<80xi32, #tpu.memory_space<vmem>>) semaphore(%arg25 : memref<!tpu.dma_semaphore, #tpu.memory_space<semaphore_mem>>)
        } else {
        }
      } else {
      }
      %add3A_172 = arith.constant 3 : i32
      %add3A_173 = arith.addi %mul3A_153, %add3A_172 : i32
      %lt3A_174 = arith.constant 125 : i32
      %lt3A_175 = arith.cmpi slt, %add3A_173, %lt3A_174 : i32
      %convert_element_type3A_176 = arith.extui %lt3A_175 : i1 to i32
      %cond3A_177 = arith.constant 0 : i32
      %cond3A_178 = arith.cmpi ne, %convert_element_type3A_176, %cond3A_177 : i32
      scf.if %cond3A_178 {
        %dma_wait3A_180 = arith.constant 0 : i32
        %dma_wait3A_181 = arith.constant 0 : i32
        %dma_wait3A_182 = tpu.memref_slice %arg2[%dma_wait3A_180, %dma_wait3A_181] : memref<10000x128xf32, #tpu.memory_space<hbm>> -> memref<10000x128xf32, #tpu.memory_space<hbm>>
        tpu.wait_indirect_dma semaphore(%arg26 : memref<!tpu.dma_semaphore, #tpu.memory_space<semaphore_mem>>) src(%dma_wait3A_182 : memref<10000x128xf32, #tpu.memory_space<hbm>>) dst(%arg21 : memref<80x128xf32, #tpu.memory_space<vmem>>)
        %add3A_183 = arith.constant 4 : i32
        %add3A_184 = arith.addi %add3A_173, %add3A_183 : i32
        %lt3A_185 = arith.constant 125 : i32
        %lt3A_186 = arith.cmpi slt, %add3A_184, %lt3A_185 : i32
        %convert_element_type3A_187 = arith.extui %lt3A_186 : i1 to i32
        %cond3A_188 = arith.constant 0 : i32
        %cond3A_189 = arith.cmpi ne, %convert_element_type3A_187, %cond3A_188 : i32
        scf.if %cond3A_189 {
          %add3A_232 = arith.constant 4 : i32
          %add3A_233 = arith.addi %add3A_173, %add3A_232 : i32
          %mul3A_234 = arith.constant 10000 : i32
          %mul3A_235 = arith.muli %add3A, %mul3A_234 : i32
          %mul3A_236 = arith.constant 80 : i32
          %mul3A_237 = arith.muli %add3A_233, %mul3A_236 : i32
          %add3A_238 = arith.addi %mul3A_235, %mul3A_237 : i32
          %dma_start3A_239 = tpu.memref_slice %arg3[%add3A_238] : memref<320000xi32, #tpu.memory_space<hbm>> -> memref<80xi32, #tpu.memory_space<hbm>>
          %dma_start3A_240 = tpu.memref_slice %arg3[%add3A_238] : memref<320000xi32, #tpu.memory_space<hbm>> -> memref<80xi32, #tpu.memory_space<hbm>>
          tpu.enqueue_dma source(%dma_start3A_240 : memref<80xi32, #tpu.memory_space<hbm>>) target(%arg9 : memref<80xi32, #tpu.memory_space<vmem>>) target_semaphore(%arg30 : memref<!tpu.dma_semaphore, #tpu.memory_space<semaphore_mem>>)
        } else {
        }
        %mul3A_190 = arith.constant 10000 : i32
        %mul3A_191 = arith.muli %add3A, %mul3A_190 : i32
        %mul3A_192 = arith.constant 80 : i32
        %mul3A_193 = arith.muli %add3A_173, %mul3A_192 : i32
        %add3A_194 = arith.addi %mul3A_191, %mul3A_193 : i32
        %dma_wait3A_195 = tpu.memref_slice %arg4[%add3A_194] : memref<320000xi32, #tpu.memory_space<hbm>> -> memref<40xi32, #tpu.memory_space<hbm>>
        %dma_wait3A_196 = tpu.memref_slice %arg4[%add3A_194] : memref<320000xi32, #tpu.memory_space<hbm>> -> memref<40xi32, #tpu.memory_space<hbm>>
        tpu.wait_dma2 semaphore(%arg34 : memref<!tpu.dma_semaphore, #tpu.memory_space<semaphore_mem>>) src(%dma_wait3A_196 : memref<40xi32, #tpu.memory_space<hbm>>) dst(%arg13 : memref<40xi32, #tpu.memory_space<vmem>>)
        %add3A_197 = arith.constant 40 : i32
        %add3A_198 = arith.addi %add3A_194, %add3A_197 : i32
        %dma_wait3A_199 = tpu.memref_slice %arg4[%add3A_198] : memref<320000xi32, #tpu.memory_space<hbm>> -> memref<40xi32, #tpu.memory_space<hbm>>
        %dma_wait3A_200 = tpu.memref_slice %arg4[%add3A_198] : memref<320000xi32, #tpu.memory_space<hbm>> -> memref<40xi32, #tpu.memory_space<hbm>>
        tpu.wait_dma2 semaphore(%arg34 : memref<!tpu.dma_semaphore, #tpu.memory_space<semaphore_mem>>) src(%dma_wait3A_200 : memref<40xi32, #tpu.memory_space<hbm>>) dst(%arg17 : memref<40xi32, #tpu.memory_space<vmem>>)
        %dma_start3A_201 = arith.constant 0 : i32
        %dma_start3A_202 = arith.constant 0 : i32
        %dma_start3A_203 = tpu.memref_slice %arg21[%dma_start3A_201, %dma_start3A_202] : memref<80x128xf32, #tpu.memory_space<vmem>> -> memref<40x128xf32, #tpu.memory_space<vmem>>
        %dma_start3A_204 = arith.constant 0 : i32
        %dma_start3A_205 = arith.constant 0 : i32
        %dma_start3A_206 = tpu.memref_slice %arg22[%dma_start3A_204, %dma_start3A_205] : memref<10240x128xf32, #tpu.memory_space<vmem_shared>> -> memref<10240x128xf32, #tpu.memory_space<vmem_shared>>
        tpu.enqueue_indirect_dma source(%dma_start3A_203 : memref<40x128xf32, #tpu.memory_space<vmem>>) target(%dma_start3A_206 : memref<10240x128xf32, #tpu.memory_space<vmem_shared>>) offsets(%arg13 : memref<40xi32, #tpu.memory_space<vmem>>) semaphore(%arg38 : memref<!tpu.dma_semaphore, #tpu.memory_space<semaphore_mem>>) {add = true}
        %dma_start3A_207 = arith.constant 40 : i32
        %dma_start3A_208 = arith.constant 0 : i32
        %dma_start3A_209 = tpu.memref_slice %arg21[%dma_start3A_207, %dma_start3A_208] : memref<80x128xf32, #tpu.memory_space<vmem>> -> memref<40x128xf32, #tpu.memory_space<vmem>>
        %dma_start3A_210 = arith.constant 0 : i32
        %dma_start3A_211 = arith.constant 0 : i32
        %dma_start3A_212 = tpu.memref_slice %arg22[%dma_start3A_210, %dma_start3A_211] : memref<10240x128xf32, #tpu.memory_space<vmem_shared>> -> memref<10240x128xf32, #tpu.memory_space<vmem_shared>>
        tpu.enqueue_indirect_dma source(%dma_start3A_209 : memref<40x128xf32, #tpu.memory_space<vmem>>) target(%dma_start3A_212 : memref<10240x128xf32, #tpu.memory_space<vmem_shared>>) offsets(%arg17 : memref<40xi32, #tpu.memory_space<vmem>>) semaphore(%arg38 : memref<!tpu.dma_semaphore, #tpu.memory_space<semaphore_mem>>) {add = true}
        %dma_wait3A_213 = arith.constant 0 : i32
        %dma_wait3A_214 = arith.constant 0 : i32
        %dma_wait3A_215 = tpu.memref_slice %arg21[%dma_wait3A_213, %dma_wait3A_214] : memref<80x128xf32, #tpu.memory_space<vmem>> -> memref<40x128xf32, #tpu.memory_space<vmem>>
        %dma_wait3A_216 = arith.constant 0 : i32
        %dma_wait3A_217 = arith.constant 0 : i32
        %dma_wait3A_218 = tpu.memref_slice %arg22[%dma_wait3A_216, %dma_wait3A_217] : memref<10240x128xf32, #tpu.memory_space<vmem_shared>> -> memref<10240x128xf32, #tpu.memory_space<vmem_shared>>
        tpu.wait_indirect_dma semaphore(%arg38 : memref<!tpu.dma_semaphore, #tpu.memory_space<semaphore_mem>>) src(%dma_wait3A_215 : memref<40x128xf32, #tpu.memory_space<vmem>>) dst(%dma_wait3A_218 : memref<10240x128xf32, #tpu.memory_space<vmem_shared>>)
        %dma_wait3A_219 = arith.constant 40 : i32
        %dma_wait3A_220 = arith.constant 0 : i32
        %dma_wait3A_221 = tpu.memref_slice %arg21[%dma_wait3A_219, %dma_wait3A_220] : memref<80x128xf32, #tpu.memory_space<vmem>> -> memref<40x128xf32, #tpu.memory_space<vmem>>
        %dma_wait3A_222 = arith.constant 0 : i32
        %dma_wait3A_223 = arith.constant 0 : i32
        %dma_wait3A_224 = tpu.memref_slice %arg22[%dma_wait3A_222, %dma_wait3A_223] : memref<10240x128xf32, #tpu.memory_space<vmem_shared>> -> memref<10240x128xf32, #tpu.memory_space<vmem_shared>>
        tpu.wait_indirect_dma semaphore(%arg38 : memref<!tpu.dma_semaphore, #tpu.memory_space<semaphore_mem>>) src(%dma_wait3A_221 : memref<40x128xf32, #tpu.memory_space<vmem>>) dst(%dma_wait3A_224 : memref<10240x128xf32, #tpu.memory_space<vmem_shared>>)
        %add3A_225 = arith.constant 4 : i32
        %add3A_226 = arith.addi %add3A_173, %add3A_225 : i32
        %lt3A_227 = arith.constant 125 : i32
        %lt3A_228 = arith.cmpi slt, %add3A_226, %lt3A_227 : i32
        %convert_element_type3A_229 = arith.extui %lt3A_228 : i1 to i32
        %cond3A_230 = arith.constant 0 : i32
        %cond3A_231 = arith.cmpi ne, %convert_element_type3A_229, %cond3A_230 : i32
        scf.if %cond3A_231 {
          %add3A_232 = arith.constant 4 : i32
          %add3A_233 = arith.addi %add3A_173, %add3A_232 : i32
          %mul3A_234 = arith.constant 10000 : i32
          %mul3A_235 = arith.muli %add3A, %mul3A_234 : i32
          %mul3A_236 = arith.constant 80 : i32
          %mul3A_237 = arith.muli %add3A_233, %mul3A_236 : i32
          %add3A_238 = arith.addi %mul3A_235, %mul3A_237 : i32
          %dma_start3A_239 = tpu.memref_slice %arg4[%add3A_238] : memref<320000xi32, #tpu.memory_space<hbm>> -> memref<40xi32, #tpu.memory_space<hbm>>
          %dma_start3A_240 = tpu.memref_slice %arg4[%add3A_238] : memref<320000xi32, #tpu.memory_space<hbm>> -> memref<40xi32, #tpu.memory_space<hbm>>
          tpu.enqueue_dma source(%dma_start3A_240 : memref<40xi32, #tpu.memory_space<hbm>>) target(%arg13 : memref<40xi32, #tpu.memory_space<vmem>>) target_semaphore(%arg34 : memref<!tpu.dma_semaphore, #tpu.memory_space<semaphore_mem>>)
          %add3A_241 = arith.constant 40 : i32
          %add3A_242 = arith.addi %add3A_238, %add3A_241 : i32
          %dma_start3A_243 = tpu.memref_slice %arg4[%add3A_242] : memref<320000xi32, #tpu.memory_space<hbm>> -> memref<40xi32, #tpu.memory_space<hbm>>
          %dma_start3A_244 = tpu.memref_slice %arg4[%add3A_242] : memref<320000xi32, #tpu.memory_space<hbm>> -> memref<40xi32, #tpu.memory_space<hbm>>
          tpu.enqueue_dma source(%dma_start3A_244 : memref<40xi32, #tpu.memory_space<hbm>>) target(%arg17 : memref<40xi32, #tpu.memory_space<vmem>>) target_semaphore(%arg34 : memref<!tpu.dma_semaphore, #tpu.memory_space<semaphore_mem>>)
          %add3A_245 = arith.constant 4 : i32
          %add3A_246 = arith.addi %add3A_173, %add3A_245 : i32
          %mul3A_247 = arith.constant 10000 : i32
          %mul3A_248 = arith.muli %add3A, %mul3A_247 : i32
          %mul3A_249 = arith.constant 80 : i32
          %mul3A_250 = arith.muli %add3A_246, %mul3A_249 : i32
          %add3A_251 = arith.addi %mul3A_248, %mul3A_250 : i32
          %dma_wait3A_252 = tpu.memref_slice %arg3[%add3A_251] : memref<320000xi32, #tpu.memory_space<hbm>> -> memref<80xi32, #tpu.memory_space<hbm>>
          %dma_wait3A_253 = tpu.memref_slice %arg3[%add3A_251] : memref<320000xi32, #tpu.memory_space<hbm>> -> memref<80xi32, #tpu.memory_space<hbm>>
          tpu.wait_dma2 semaphore(%arg30 : memref<!tpu.dma_semaphore, #tpu.memory_space<semaphore_mem>>) src(%dma_wait3A_253 : memref<80xi32, #tpu.memory_space<hbm>>) dst(%arg9 : memref<80xi32, #tpu.memory_space<vmem>>)
          %dma_start3A_254 = arith.constant 0 : i32
          %dma_start3A_255 = arith.constant 0 : i32
          %dma_start3A_256 = tpu.memref_slice %arg2[%dma_start3A_254, %dma_start3A_255] : memref<10000x128xf32, #tpu.memory_space<hbm>> -> memref<10000x128xf32, #tpu.memory_space<hbm>>
          tpu.enqueue_indirect_dma source(%dma_start3A_256 : memref<10000x128xf32, #tpu.memory_space<hbm>>) target(%arg21 : memref<80x128xf32, #tpu.memory_space<vmem>>) offsets(%arg9 : memref<80xi32, #tpu.memory_space<vmem>>) semaphore(%arg26 : memref<!tpu.dma_semaphore, #tpu.memory_space<semaphore_mem>>)
        } else {
        }
      } else {
      }
      %scan3A_179 = arith.constant 0 : i32
      scf.yield %scan3A_179 : i32
    }
    %scan3A_144 = arith.constant 32 : i32
    %barrier3A_145 = arith.constant 0 : index
    tpu.barrier barrier_id(%barrier3A_145)
    %mul3A_146 = arith.constant 640 : i32
    %mul3A_147 = arith.muli %arg1, %mul3A_146 : i32
    %mul3A_148 = arith.constant 640 : i32
    %mul3A_149 = arith.muli %arg1, %mul3A_148 : i32
    "tpu.region"() ({
      %run_scoped3A = tpu.sem_alloc : memref<!tpu.dma_semaphore, #tpu.memory_space<semaphore_mem>>
      %dma_start3A_150 = arith.constant 0 : i32
      %dma_start3A_151 = tpu.memref_slice %arg5[%arg0, %mul3A_149, %dma_start3A_150] : memref<2x10240x128xf32, #tpu.memory_space<hbm>> -> memref<1x640x128xf32, #tpu.memory_space<hbm>>
      %dma_start3A_152 = tpu.memref_squeeze %dma_start3A_151 : memref<1x640x128xf32, #tpu.memory_space<hbm>> -> memref<640x128xf32, #tpu.memory_space<hbm>>
      %dma_start3A_153 = arith.constant 0 : i32
      %dma_start3A_154 = tpu.memref_slice %arg22[%mul3A_147, %dma_start3A_153] : memref<10240x128xf32, #tpu.memory_space<vmem_shared>> -> memref<640x128xf32, #tpu.memory_space<vmem_shared>>
      tpu.enqueue_dma source(%dma_start3A_154 : memref<640x128xf32, #tpu.memory_space<vmem_shared>>) target(%dma_start3A_152 : memref<640x128xf32, #tpu.memory_space<hbm>>) target_semaphore(%run_scoped3A : memref<!tpu.dma_semaphore, #tpu.memory_space<semaphore_mem>>)
      %dma_wait3A_155 = arith.constant 0 : i32
      %dma_wait3A_156 = tpu.memref_slice %arg5[%arg0, %mul3A_149, %dma_wait3A_155] : memref<2x10240x128xf32, #tpu.memory_space<hbm>> -> memref<1x640x128xf32, #tpu.memory_space<hbm>>
      %dma_wait3A_157 = tpu.memref_squeeze %dma_wait3A_156 : memref<1x640x128xf32, #tpu.memory_space<hbm>> -> memref<640x128xf32, #tpu.memory_space<hbm>>
      %dma_wait3A_158 = arith.constant 0 : i32
      %dma_wait3A_159 = tpu.memref_slice %arg22[%mul3A_147, %dma_wait3A_158] : memref<10240x128xf32, #tpu.memory_space<vmem_shared>> -> memref<640x128xf32, #tpu.memory_space<vmem_shared>>
      tpu.wait_dma2 semaphore(%run_scoped3A : memref<!tpu.dma_semaphore, #tpu.memory_space<semaphore_mem>>) src(%dma_wait3A_159 : memref<640x128xf32, #tpu.memory_space<vmem_shared>>) dst(%dma_wait3A_157 : memref<640x128xf32, #tpu.memory_space<hbm>>)
      tpu.yield
    }) : () -> ()
    return
  }
}

module attributes {stable_mosaic.version = 14 : i64} {
  func.func @_layer1_body(%arg0: i32, %arg1: memref<5000x128xf32, #tpu.memory_space<vmem>>, %arg2: memref<1x5000x128xf32, #tpu.memory_space<vmem>>, %arg3: memref<1x5000x128xf32, #tpu.memory_space<vmem>>, %arg4: memref<128x128xf32, #tpu.memory_space<vmem>>, %arg5: memref<1x128xf32, #tpu.memory_space<vmem>>, %arg6: memref<128x128xf32, #tpu.memory_space<vmem>>, %arg7: memref<1x128xf32, #tpu.memory_space<vmem>>, %arg8: memref<5000x128xf32, #tpu.memory_space<vmem>>) attributes {dimension_semantics = [#tpu.dimension_semantics<arbitrary>], iteration_bounds = array<i64: 2>, scalar_prefetch = 0 : i64, scratch_operands = 0 : i64, tpu.core_type = #tpu.core_type<tc>, window_params = [{transform_indices = @transform_0, window_bounds = array<i64: 5000, 128>}, {transform_indices = @transform_1, window_bounds = array<i64: 1, 5000, 128>}, {transform_indices = @transform_2, window_bounds = array<i64: 1, 5000, 128>}, {pipeline_mode = #tpu.pipeline_mode<synchronous>, transform_indices = @transform_3, window_bounds = array<i64: 128, 128>}, {pipeline_mode = #tpu.pipeline_mode<synchronous>, transform_indices = @transform_4, window_bounds = array<i64: 1, 128>}, {pipeline_mode = #tpu.pipeline_mode<synchronous>, transform_indices = @transform_5, window_bounds = array<i64: 128, 128>}, {pipeline_mode = #tpu.pipeline_mode<synchronous>, transform_indices = @transform_6, window_bounds = array<i64: 1, 128>}, {transform_indices = @transform_7, window_bounds = array<i64: 5000, 128>}]} {
    %get3A = arith.constant 0 : index
    %get3A_0 = arith.constant 0 : index
    %get3A_1 = vector.load %arg1[%get3A, %get3A_0] : memref<5000x128xf32, #tpu.memory_space<vmem>>, vector<5000x128xf32>
    %get3A_2 = arith.constant 0 : index
    %get3A_3 = arith.constant 0 : index
    %get3A_4 = arith.constant 0 : index
    %get3A_5 = vector.load %arg2[%get3A_2, %get3A_3, %get3A_4] : memref<1x5000x128xf32, #tpu.memory_space<vmem>>, vector<1x5000x128xf32>
    %get3A_6 = vector.shape_cast %get3A_5 : vector<1x5000x128xf32> to vector<5000x128xf32>
    %add3A = arith.addf %get3A_1, %get3A_6 : vector<5000x128xf32>
    %get3A_7 = arith.constant 0 : index
    %get3A_8 = arith.constant 0 : index
    %get3A_9 = arith.constant 0 : index
    %get3A_10 = vector.load %arg3[%get3A_7, %get3A_8, %get3A_9] : memref<1x5000x128xf32, #tpu.memory_space<vmem>>, vector<1x5000x128xf32>
    %get3A_11 = vector.shape_cast %get3A_10 : vector<1x5000x128xf32> to vector<5000x128xf32>
    %add3A_12 = arith.addf %add3A, %get3A_11 : vector<5000x128xf32>
    %get3A_13 = arith.constant 0 : index
    %get3A_14 = arith.constant 0 : index
    %get3A_15 = vector.load %arg4[%get3A_13, %get3A_14] : memref<128x128xf32, #tpu.memory_space<vmem>>, vector<128x128xf32>
    %dot_general3A = arith.constant dense<0.000000e+00> : vector<5000x128xf32>
    %dot_general3A_16 = tpu.matmul %add3A_12, %get3A_15, %dot_general3A {dimension_numbers = #tpu.dot_dimension_numbers<[1], [0], [0], [1], [0, 0, 1, 1], [], []>, transpose_lhs_hint = false} : vector<5000x128xf32>, vector<128x128xf32>, vector<5000x128xf32> -> vector<5000x128xf32>
    %get3A_17 = arith.constant 0 : index
    %get3A_18 = arith.constant 0 : index
    %get3A_19 = vector.load %arg5[%get3A_17, %get3A_18] : memref<1x128xf32, #tpu.memory_space<vmem>>, vector<1x128xf32>
    %add3A_20 = vector.broadcast %get3A_19 : vector<1x128xf32> to vector<5000x128xf32>
    %add3A_21 = arith.addf %dot_general3A_16, %add3A_20 : vector<5000x128xf32>
    %max3A = arith.constant 0.000000e+00 : f32
    %max3A_22 = vector.broadcast %max3A : f32 to vector<5000x128xf32>
    %max3A_23 = arith.maximumf %add3A_21, %max3A_22 : vector<5000x128xf32>
    %get3A_24 = arith.constant 0 : index
    %get3A_25 = arith.constant 0 : index
    %get3A_26 = vector.load %arg6[%get3A_24, %get3A_25] : memref<128x128xf32, #tpu.memory_space<vmem>>, vector<128x128xf32>
    %dot_general3A_27 = arith.constant dense<0.000000e+00> : vector<5000x128xf32>
    %dot_general3A_28 = tpu.matmul %max3A_23, %get3A_26, %dot_general3A_27 {dimension_numbers = #tpu.dot_dimension_numbers<[1], [0], [0], [1], [0, 0, 1, 1], [], []>, transpose_lhs_hint = false} : vector<5000x128xf32>, vector<128x128xf32>, vector<5000x128xf32> -> vector<5000x128xf32>
    %get3A_29 = arith.constant 0 : index
    %get3A_30 = arith.constant 0 : index
    %get3A_31 = vector.load %arg7[%get3A_29, %get3A_30] : memref<1x128xf32, #tpu.memory_space<vmem>>, vector<1x128xf32>
    %add3A_32 = vector.broadcast %get3A_31 : vector<1x128xf32> to vector<5000x128xf32>
    %add3A_33 = arith.addf %dot_general3A_28, %add3A_32 : vector<5000x128xf32>
    %max3A_34 = arith.constant 0.000000e+00 : f32
    %max3A_35 = vector.broadcast %max3A_34 : f32 to vector<5000x128xf32>
    %max3A_36 = arith.maximumf %add3A_33, %max3A_35 : vector<5000x128xf32>
    %swap3A = arith.constant 0 : index
    %swap3A_37 = arith.constant 0 : index
    %swap3A_38 = vector.load %arg8[%swap3A, %swap3A_37] : memref<5000x128xf32, #tpu.memory_space<vmem>>, vector<5000x128xf32>
    tpu.vector_store %arg8[%swap3A, %swap3A_37], %max3A_36 {strides = array<i32>} : memref<5000x128xf32, #tpu.memory_space<vmem>>, vector<5000x128xf32>,
    return
  }
  func.func @transform_0(%arg0: i32) -> (i32, i32) {
    %c0_i32 = arith.constant 0 : i32
    %c0_i32_0 = arith.constant 0 : i32
    return %arg0, %c0_i32 : i32, i32
  }
  func.func @transform_1(%arg0: i32) -> (i32, i32, i32) {
    %c0_i32 = arith.constant 0 : i32
    %c0_i32_0 = arith.constant 0 : i32
    %c0_i32_1 = arith.constant 0 : i32
    return %c0_i32, %arg0, %c0_i32_0 : i32, i32, i32
  }
  func.func @transform_2(%arg0: i32) -> (i32, i32, i32) {
    %c1_i32 = arith.constant 1 : i32
    %c0_i32 = arith.constant 0 : i32
    %c0_i32_0 = arith.constant 0 : i32
    return %c1_i32, %arg0, %c0_i32 : i32, i32, i32
  }
  func.func @transform_3(%arg0: i32) -> (i32, i32) {
    %c0_i32 = arith.constant 0 : i32
    %c0_i32_0 = arith.constant 0 : i32
    %c0_i32_1 = arith.constant 0 : i32
    return %c0_i32, %c0_i32_0 : i32, i32
  }
  func.func @transform_4(%arg0: i32) -> (i32, i32) {
    %c0_i32 = arith.constant 0 : i32
    %c0_i32_0 = arith.constant 0 : i32
    %c0_i32_1 = arith.constant 0 : i32
    return %c0_i32, %c0_i32_0 : i32, i32
  }
  func.func @transform_5(%arg0: i32) -> (i32, i32) {
    %c0_i32 = arith.constant 0 : i32
    %c0_i32_0 = arith.constant 0 : i32
    %c0_i32_1 = arith.constant 0 : i32
    return %c0_i32, %c0_i32_0 : i32, i32
  }
  func.func @transform_6(%arg0: i32) -> (i32, i32) {
    %c0_i32 = arith.constant 0 : i32
    %c0_i32_0 = arith.constant 0 : i32
    %c0_i32_1 = arith.constant 0 : i32
    return %c0_i32, %c0_i32_0 : i32, i32
  }
  func.func @transform_7(%arg0: i32) -> (i32, i32) {
    %c0_i32 = arith.constant 0 : i32
    %c0_i32_0 = arith.constant 0 : i32
    return %arg0, %c0_i32 : i32, i32
  }
}

module attributes {stable_mosaic.version = 14 : i64} {
  func.func @_layer2_body(%arg0: i32, %arg1: memref<5000x128xf32, #tpu.memory_space<vmem>>, %arg2: memref<1x5000x128xf32, #tpu.memory_space<vmem>>, %arg3: memref<1x5000x128xf32, #tpu.memory_space<vmem>>, %arg4: memref<1x1x5000xi32, #tpu.memory_space<vmem>>, %arg5: memref<128x128xf32, #tpu.memory_space<vmem>>, %arg6: memref<1x128xf32, #tpu.memory_space<vmem>>, %arg7: memref<128x128xf32, #tpu.memory_space<vmem>>, %arg8: memref<1x128xf32, #tpu.memory_space<vmem>>, %arg9: memref<128x128xf32, #tpu.memory_space<vmem>>, %arg10: memref<1x128xf32, #tpu.memory_space<vmem>>, %arg11: memref<128x128xf32, #tpu.memory_space<vmem>>, %arg12: memref<1x128xf32, #tpu.memory_space<vmem>>, %arg13: memref<128x128xf32, #tpu.memory_space<vmem>>, %arg14: memref<1x128xf32, #tpu.memory_space<vmem>>, %arg15: memref<128x128xf32, #tpu.memory_space<vmem>>, %arg16: memref<128x128xf32, #tpu.memory_space<vmem>>) attributes {dimension_semantics = [#tpu.dimension_semantics<arbitrary>], iteration_bounds = array<i64: 2>, scalar_prefetch = 0 : i64, scratch_operands = 1 : i64, tpu.core_type = #tpu.core_type<tc>, window_params = [{transform_indices = @transform_0, window_bounds = array<i64: 5000, 128>}, {transform_indices = @transform_1, window_bounds = array<i64: 1, 5000, 128>}, {transform_indices = @transform_2, window_bounds = array<i64: 1, 5000, 128>}, {transform_indices = @transform_3, window_bounds = array<i64: 1, 1, 5000>}, {pipeline_mode = #tpu.pipeline_mode<synchronous>, transform_indices = @transform_4, window_bounds = array<i64: 128, 128>}, {pipeline_mode = #tpu.pipeline_mode<synchronous>, transform_indices = @transform_5, window_bounds = array<i64: 1, 128>}, {pipeline_mode = #tpu.pipeline_mode<synchronous>, transform_indices = @transform_6, window_bounds = array<i64: 128, 128>}, {pipeline_mode = #tpu.pipeline_mode<synchronous>, transform_indices = @transform_7, window_bounds = array<i64: 1, 128>}, {pipeline_mode = #tpu.pipeline_mode<synchronous>, transform_indices = @transform_8, window_bounds = array<i64: 128, 128>}, {pipeline_mode = #tpu.pipeline_mode<synchronous>, transform_indices = @transform_9, window_bounds = array<i64: 1, 128>}, {pipeline_mode = #tpu.pipeline_mode<synchronous>, transform_indices = @transform_10, window_bounds = array<i64: 128, 128>}, {pipeline_mode = #tpu.pipeline_mode<synchronous>, transform_indices = @transform_11, window_bounds = array<i64: 1, 128>}, {pipeline_mode = #tpu.pipeline_mode<synchronous>, transform_indices = @transform_12, window_bounds = array<i64: 128, 128>}, {pipeline_mode = #tpu.pipeline_mode<synchronous>, transform_indices = @transform_13, window_bounds = array<i64: 1, 128>}, {pipeline_mode = #tpu.pipeline_mode<synchronous>, transform_indices = @transform_14, window_bounds = array<i64: 128, 128>}]} {
    %get3A = arith.constant 0 : index
    %get3A_0 = arith.constant 0 : index
    %get3A_1 = vector.load %arg1[%get3A, %get3A_0] : memref<5000x128xf32, #tpu.memory_space<vmem>>, vector<5000x128xf32>
    %get3A_2 = arith.constant 0 : index
    %get3A_3 = arith.constant 0 : index
    %get3A_4 = arith.constant 0 : index
    %get3A_5 = vector.load %arg2[%get3A_2, %get3A_3, %get3A_4] : memref<1x5000x128xf32, #tpu.memory_space<vmem>>, vector<1x5000x128xf32>
    %get3A_6 = vector.shape_cast %get3A_5 : vector<1x5000x128xf32> to vector<5000x128xf32>
    %add3A = arith.addf %get3A_1, %get3A_6 : vector<5000x128xf32>
    %get3A_7 = arith.constant 0 : index
    %get3A_8 = arith.constant 0 : index
    %get3A_9 = arith.constant 0 : index
    %get3A_10 = vector.load %arg3[%get3A_7, %get3A_8, %get3A_9] : memref<1x5000x128xf32, #tpu.memory_space<vmem>>, vector<1x5000x128xf32>
    %get3A_11 = vector.shape_cast %get3A_10 : vector<1x5000x128xf32> to vector<5000x128xf32>
    %add3A_12 = arith.addf %add3A, %get3A_11 : vector<5000x128xf32>
    %get3A_13 = arith.constant 0 : index
    %get3A_14 = arith.constant 0 : index
    %get3A_15 = vector.load %arg5[%get3A_13, %get3A_14] : memref<128x128xf32, #tpu.memory_space<vmem>>, vector<128x128xf32>
    %dot_general3A = arith.constant dense<0.000000e+00> : vector<5000x128xf32>
    %dot_general3A_16 = tpu.matmul %add3A_12, %get3A_15, %dot_general3A {dimension_numbers = #tpu.dot_dimension_numbers<[1], [0], [0], [1], [0, 0, 1, 1], [], []>, transpose_lhs_hint = false} : vector<5000x128xf32>, vector<128x128xf32>, vector<5000x128xf32> -> vector<5000x128xf32>
    %get3A_17 = arith.constant 0 : index
    %get3A_18 = arith.constant 0 : index
    %get3A_19 = vector.load %arg6[%get3A_17, %get3A_18] : memref<1x128xf32, #tpu.memory_space<vmem>>, vector<1x128xf32>
    %add3A_20 = vector.broadcast %get3A_19 : vector<1x128xf32> to vector<5000x128xf32>
    %add3A_21 = arith.addf %dot_general3A_16, %add3A_20 : vector<5000x128xf32>
    %max3A = arith.constant 0.000000e+00 : f32
    %max3A_22 = vector.broadcast %max3A : f32 to vector<5000x128xf32>
    %max3A_23 = arith.maximumf %add3A_21, %max3A_22 : vector<5000x128xf32>
    %get3A_24 = arith.constant 0 : index
    %get3A_25 = arith.constant 0 : index
    %get3A_26 = vector.load %arg7[%get3A_24, %get3A_25] : memref<128x128xf32, #tpu.memory_space<vmem>>, vector<128x128xf32>
    %dot_general3A_27 = arith.constant dense<0.000000e+00> : vector<5000x128xf32>
    %dot_general3A_28 = tpu.matmul %max3A_23, %get3A_26, %dot_general3A_27 {dimension_numbers = #tpu.dot_dimension_numbers<[1], [0], [0], [1], [0, 0, 1, 1], [], []>, transpose_lhs_hint = false} : vector<5000x128xf32>, vector<128x128xf32>, vector<5000x128xf32> -> vector<5000x128xf32>
    %get3A_29 = arith.constant 0 : index
    %get3A_30 = arith.constant 0 : index
    %get3A_31 = vector.load %arg8[%get3A_29, %get3A_30] : memref<1x128xf32, #tpu.memory_space<vmem>>, vector<1x128xf32>
    %add3A_32 = vector.broadcast %get3A_31 : vector<1x128xf32> to vector<5000x128xf32>
    %add3A_33 = arith.addf %dot_general3A_28, %add3A_32 : vector<5000x128xf32>
    %max3A_34 = arith.constant 0.000000e+00 : f32
    %max3A_35 = vector.broadcast %max3A_34 : f32 to vector<5000x128xf32>
    %max3A_36 = arith.maximumf %add3A_33, %max3A_35 : vector<5000x128xf32>
    %get3A_37 = arith.constant 0 : index
    %get3A_38 = arith.constant 0 : index
    %get3A_39 = arith.constant 0 : index
    %get3A_40 = vector.load %arg4[%get3A_37, %get3A_38, %get3A_39] : memref<1x1x5000xi32, #tpu.memory_space<vmem>>, vector<1x1x5000xi32>
    %get3A_41 = vector.shape_cast %get3A_40 : vector<1x1x5000xi32> to vector<5000xi32>
    %iota3A = tpu.iota {dimensions = array<i32: 0>} : vector<128x5000xi32>
    %broadcast_in_dim3A = vector.shape_cast %get3A_41 : vector<5000xi32> to vector<1x5000xi32>
    %eq3A = vector.broadcast %broadcast_in_dim3A : vector<1x5000xi32> to vector<128x5000xi32>
    %eq3A_42 = arith.cmpi eq, %eq3A, %iota3A : vector<128x5000xi32>
    %convert_element_type3A = arith.extui %eq3A_42 : vector<128x5000xi1> to vector<128x5000xi32>
    %convert_element_type3A_43 = arith.sitofp %convert_element_type3A : vector<128x5000xi32> to vector<128x5000xf32>
    %dot_general3A_44 = arith.constant dense<0.000000e+00> : vector<128x128xf32>
    %dot_general3A_45 = tpu.matmul %convert_element_type3A_43, %max3A_36, %dot_general3A_44 {dimension_numbers = #tpu.dot_dimension_numbers<[1], [0], [0], [1], [0, 0, 1, 1], [], []>, transpose_lhs_hint = false} : vector<128x5000xf32>, vector<5000x128xf32>, vector<128x128xf32> -> vector<128x128xf32>
    %eq3A_46 = arith.constant 0 : i32
    %eq3A_47 = arith.cmpi eq, %arg0, %eq3A_46 : i32
    %convert_element_type3A_48 = arith.extui %eq3A_47 : i1 to i32
    %cond3A = arith.constant 0 : i32
    %cond3A_49 = arith.cmpi ne, %convert_element_type3A_48, %cond3A : i32
    scf.if %cond3A_49 {
      %swap3A = arith.constant 0 : index
      %swap3A_59 = arith.constant 0 : index
      %swap3A_60 = vector.load %arg16[%swap3A, %swap3A_59] : memref<128x128xf32, #tpu.memory_space<vmem>>, vector<128x128xf32>
      tpu.vector_store %arg16[%swap3A, %swap3A_59], %dot_general3A_45 {strides = array<i32>} : memref<128x128xf32, #tpu.memory_space<vmem>>, vector<128x128xf32>,
    } else {
    }
    %gt3A = arith.constant 0 : i32
    %gt3A_50 = arith.cmpi sgt, %arg0, %gt3A : i32
    %convert_element_type3A_51 = arith.extui %gt3A_50 : i1 to i32
    %cond3A_52 = arith.constant 0 : i32
    %cond3A_53 = arith.cmpi ne, %convert_element_type3A_51, %cond3A_52 : i32
    scf.if %cond3A_53 {
      %get3A_59 = arith.constant 0 : index
      %get3A_60 = arith.constant 0 : index
      %get3A_61 = vector.load %arg16[%get3A_59, %get3A_60] : memref<128x128xf32, #tpu.memory_space<vmem>>, vector<128x128xf32>
      %add3A_62 = arith.addf %get3A_61, %dot_general3A_45 : vector<128x128xf32>
      %swap3A = arith.constant 0 : index
      %swap3A_63 = arith.constant 0 : index
      %swap3A_64 = vector.load %arg16[%swap3A, %swap3A_63] : memref<128x128xf32, #tpu.memory_space<vmem>>, vector<128x128xf32>
      tpu.vector_store %arg16[%swap3A, %swap3A_63], %add3A_62 {strides = array<i32>} : memref<128x128xf32, #tpu.memory_space<vmem>>, vector<128x128xf32>,
    } else {
    }
    %eq3A_54 = arith.constant 1 : i32
    %eq3A_55 = arith.cmpi eq, %arg0, %eq3A_54 : i32
    %convert_element_type3A_56 = arith.extui %eq3A_55 : i1 to i32
    %cond3A_57 = arith.constant 0 : i32
    %cond3A_58 = arith.cmpi ne, %convert_element_type3A_56, %cond3A_57 : i32
    scf.if %cond3A_58 {
      %get3A_59 = arith.constant 0 : index
      %get3A_60 = arith.constant 0 : index
      %get3A_61 = vector.load %arg16[%get3A_59, %get3A_60] : memref<128x128xf32, #tpu.memory_space<vmem>>, vector<128x128xf32>
      %get3A_62 = arith.constant 0 : index
      %get3A_63 = arith.constant 0 : index
      %get3A_64 = vector.load %arg9[%get3A_62, %get3A_63] : memref<128x128xf32, #tpu.memory_space<vmem>>, vector<128x128xf32>
      %dot_general3A_65 = arith.constant dense<0.000000e+00> : vector<128x128xf32>
      %dot_general3A_66 = tpu.matmul %get3A_61, %get3A_64, %dot_general3A_65 {dimension_numbers = #tpu.dot_dimension_numbers<[1], [0], [0], [1], [0, 0, 1, 1], [], []>, transpose_lhs_hint = false} : vector<128x128xf32>, vector<128x128xf32>, vector<128x128xf32> -> vector<128x128xf32>
      %get3A_67 = arith.constant 0 : index
      %get3A_68 = arith.constant 0 : index
      %get3A_69 = vector.load %arg10[%get3A_67, %get3A_68] : memref<1x128xf32, #tpu.memory_space<vmem>>, vector<1x128xf32>
      %add3A_70 = vector.broadcast %get3A_69 : vector<1x128xf32> to vector<128x128xf32>
      %add3A_71 = arith.addf %dot_general3A_66, %add3A_70 : vector<128x128xf32>
      %max3A_72 = arith.constant 0.000000e+00 : f32
      %max3A_73 = vector.broadcast %max3A_72 : f32 to vector<128x128xf32>
      %max3A_74 = arith.maximumf %add3A_71, %max3A_73 : vector<128x128xf32>
      %get3A_75 = arith.constant 0 : index
      %get3A_76 = arith.constant 0 : index
      %get3A_77 = vector.load %arg11[%get3A_75, %get3A_76] : memref<128x128xf32, #tpu.memory_space<vmem>>, vector<128x128xf32>
      %dot_general3A_78 = arith.constant dense<0.000000e+00> : vector<128x128xf32>
      %dot_general3A_79 = tpu.matmul %max3A_74, %get3A_77, %dot_general3A_78 {dimension_numbers = #tpu.dot_dimension_numbers<[1], [0], [0], [1], [0, 0, 1, 1], [], []>, transpose_lhs_hint = false} : vector<128x128xf32>, vector<128x128xf32>, vector<128x128xf32> -> vector<128x128xf32>
      %get3A_80 = arith.constant 0 : index
      %get3A_81 = arith.constant 0 : index
      %get3A_82 = vector.load %arg12[%get3A_80, %get3A_81] : memref<1x128xf32, #tpu.memory_space<vmem>>, vector<1x128xf32>
      %add3A_83 = vector.broadcast %get3A_82 : vector<1x128xf32> to vector<128x128xf32>
      %add3A_84 = arith.addf %dot_general3A_79, %add3A_83 : vector<128x128xf32>
      %max3A_85 = arith.constant 0.000000e+00 : f32
      %max3A_86 = vector.broadcast %max3A_85 : f32 to vector<128x128xf32>
      %max3A_87 = arith.maximumf %add3A_84, %max3A_86 : vector<128x128xf32>
      %get3A_88 = arith.constant 0 : index
      %get3A_89 = arith.constant 0 : index
      %get3A_90 = vector.load %arg13[%get3A_88, %get3A_89] : memref<128x128xf32, #tpu.memory_space<vmem>>, vector<128x128xf32>
      %dot_general3A_91 = arith.constant dense<0.000000e+00> : vector<128x128xf32>
      %dot_general3A_92 = tpu.matmul %max3A_87, %get3A_90, %dot_general3A_91 {dimension_numbers = #tpu.dot_dimension_numbers<[1], [0], [0], [1], [0, 0, 1, 1], [], []>, transpose_lhs_hint = false} : vector<128x128xf32>, vector<128x128xf32>, vector<128x128xf32> -> vector<128x128xf32>
      %get3A_93 = arith.constant 0 : index
      %get3A_94 = arith.constant 0 : index
      %get3A_95 = vector.load %arg14[%get3A_93, %get3A_94] : memref<1x128xf32, #tpu.memory_space<vmem>>, vector<1x128xf32>
      %add3A_96 = vector.broadcast %get3A_95 : vector<1x128xf32> to vector<128x128xf32>
      %add3A_97 = arith.addf %dot_general3A_92, %add3A_96 : vector<128x128xf32>
      %swap3A = arith.constant 0 : index
      %swap3A_98 = arith.constant 0 : index
      %swap3A_99 = vector.load %arg15[%swap3A, %swap3A_98] : memref<128x128xf32, #tpu.memory_space<vmem>>, vector<128x128xf32>
      tpu.vector_store %arg15[%swap3A, %swap3A_98], %add3A_97 {strides = array<i32>} : memref<128x128xf32, #tpu.memory_space<vmem>>, vector<128x128xf32>,
    } else {
    }
    return
  }
  func.func @transform_0(%arg0: i32) -> (i32, i32) {
    %c0_i32 = arith.constant 0 : i32
    %c0_i32_0 = arith.constant 0 : i32
    return %arg0, %c0_i32 : i32, i32
  }
  func.func @transform_1(%arg0: i32) -> (i32, i32, i32) {
    %c0_i32 = arith.constant 0 : i32
    %c0_i32_0 = arith.constant 0 : i32
    %c0_i32_1 = arith.constant 0 : i32
    return %c0_i32, %arg0, %c0_i32_0 : i32, i32, i32
  }
  func.func @transform_2(%arg0: i32) -> (i32, i32, i32) {
    %c1_i32 = arith.constant 1 : i32
    %c0_i32 = arith.constant 0 : i32
    %c0_i32_0 = arith.constant 0 : i32
    return %c1_i32, %arg0, %c0_i32 : i32, i32, i32
  }
  func.func @transform_3(%arg0: i32) -> (i32, i32, i32) {
    %c0_i32 = arith.constant 0 : i32
    %c0_i32_0 = arith.constant 0 : i32
    %c0_i32_1 = arith.constant 0 : i32
    return %arg0, %c0_i32, %c0_i32_0 : i32, i32, i32
  }
  func.func @transform_4(%arg0: i32) -> (i32, i32) {
    %c0_i32 = arith.constant 0 : i32
    %c0_i32_0 = arith.constant 0 : i32
    %c0_i32_1 = arith.constant 0 : i32
    return %c0_i32, %c0_i32_0 : i32, i32
  }
  func.func @transform_5(%arg0: i32) -> (i32, i32) {
    %c0_i32 = arith.constant 0 : i32
    %c0_i32_0 = arith.constant 0 : i32
    %c0_i32_1 = arith.constant 0 : i32
    return %c0_i32, %c0_i32_0 : i32, i32
  }
  func.func @transform_6(%arg0: i32) -> (i32, i32) {
    %c0_i32 = arith.constant 0 : i32
    %c0_i32_0 = arith.constant 0 : i32
    %c0_i32_1 = arith.constant 0 : i32
    return %c0_i32, %c0_i32_0 : i32, i32
  }
  func.func @transform_7(%arg0: i32) -> (i32, i32) {
    %c0_i32 = arith.constant 0 : i32
    %c0_i32_0 = arith.constant 0 : i32
    %c0_i32_1 = arith.constant 0 : i32
    return %c0_i32, %c0_i32_0 : i32, i32
  }
  func.func @transform_8(%arg0: i32) -> (i32, i32) {
    %c0_i32 = arith.constant 0 : i32
    %c0_i32_0 = arith.constant 0 : i32
    %c0_i32_1 = arith.constant 0 : i32
    return %c0_i32, %c0_i32_0 : i32, i32
  }
  func.func @transform_9(%arg0: i32) -> (i32, i32) {
    %c0_i32 = arith.constant 0 : i32
    %c0_i32_0 = arith.constant 0 : i32
    %c0_i32_1 = arith.constant 0 : i32
    return %c0_i32, %c0_i32_0 : i32, i32
  }
  func.func @transform_10(%arg0: i32) -> (i32, i32) {
    %c0_i32 = arith.constant 0 : i32
    %c0_i32_0 = arith.constant 0 : i32
    %c0_i32_1 = arith.constant 0 : i32
    return %c0_i32, %c0_i32_0 : i32, i32
  }
  func.func @transform_11(%arg0: i32) -> (i32, i32) {
    %c0_i32 = arith.constant 0 : i32
    %c0_i32_0 = arith.constant 0 : i32
    %c0_i32_1 = arith.constant 0 : i32
    return %c0_i32, %c0_i32_0 : i32, i32
  }
  func.func @transform_12(%arg0: i32) -> (i32, i32) {
    %c0_i32 = arith.constant 0 : i32
    %c0_i32_0 = arith.constant 0 : i32
    %c0_i32_1 = arith.constant 0 : i32
    return %c0_i32, %c0_i32_0 : i32, i32
  }
  func.func @transform_13(%arg0: i32) -> (i32, i32) {
    %c0_i32 = arith.constant 0 : i32
    %c0_i32_0 = arith.constant 0 : i32
    %c0_i32_1 = arith.constant 0 : i32
    return %c0_i32, %c0_i32_0 : i32, i32
  }
  func.func @transform_14(%arg0: i32) -> (i32, i32) {
    %c0_i32 = arith.constant 0 : i32
    %c0_i32_0 = arith.constant 0 : i32
    %c0_i32_1 = arith.constant 0 : i32
    return %c0_i32, %c0_i32_0 : i32, i32
  }
}

</mosaic_0001>

<sc_bundles>
// kernel: kernel.6.cloned.1.call-start
scs
__scs_entry_jumppad:
0x0: {  	(pc) =	sbr.rel $0x88, $3  }
0x1: {  	(tag) =	ssettag $0x0;
	lr =	simm.s32 $0x1  }
0x2: {  	[smem:$0x3F90] =	sst lr;
	_ =	strace $0xD0000000  }
0x3: {  	_ = 	snop  }
0x4: {  	_ = 	snop  }
0x5: {  	_ = 	snop  }
0x6: {  	_ = 	snop  }
0x7: {  	_ = 	snop  }
__scs_overlays_trampoline_lowered:
0x8: {  	[smem:$0x3F9F] =	sst s0  }
0x9: {  	[smem:$0x3FA0] =	sst s1  }
0xa: {  	[smem:$0x3FA1] =	sst s2  }
0xb: {  	[smem:$0x3FA2] =	sst s3  }
0xc: {  	[smem:$0x3FA3] =	sst s4  }
0xd: {  	[smem:$0x3FA4] =	sst s5  }
0xe: {  	[smem:$0x3FA5] =	sst s6  }
0xf: {  	[smem:$0x3FA6] =	sst s7  }
0x10: {  	[smem:$0x3FA7] =	sst s8  }
0x11: {  	[smem:$0x3FA8] =	sst s9;
	s0 =	simm.s32 @!p0 $0x0  }
0x12: {  	s1 =	sld [smem:$0x3F8E];
	s0 =	simm.s32 @p0 $0x1  }
0x13: {  	[smem:$0x3FA9] =	sst s0;
	s0 =	simm.s32 @!p1 $0x0  }
0x14: {  	s2 =	sld [smem:$0x3F8D];
	s0 =	simm.s32 @p1 $0x1  }
0x15: {  	[smem:$0x3FAA] =	sst s0;
	s0 =	simm.s32 @!p2 $0x0  }
0x16: {  	s3 =	sld [smem:$0x3FDB];
	s0 =	simm.s32 @p2 $0x1  }
0x17: {  	s4 =	simm.s32 $0x1BF5;
	[smem:$0x3FAC] =	sst s0  }
0x18: {  	s0 =	sld [smem:$0x3F8F];
	_ =	swait.ge [sflag:s4], $0x0  }
0x19: {  	s7 =	sld [smem:$0x3F90]  }
0x1a: {  	s8 =	sadd.s32 $0xFFFFE003, lr  }
0x1b: {  	s9 =	sadd.s32 $0xFFFFFEF7, lr;
	s5 =	simm.s32 $0xFFFFFFFF;
	p2 =	slt.u32 s8, $0xFFFFF086  }
0x1c: {  	p1 =	slt.u32 s9, $0xF7A;
	s5 =	simm.s32 @!p2 $0x0  }
0x1d: {  	s5 =	simm.s32 @p1 $0x1;
	p0 =	seq.s32 s7, s2  }
0x1e: {  	s7 =	smul.u32 @!p0 $0xF7A, s2;
	p2 =	seq.s32 @!p0 s5, $0x0  }
0x1f: {  	s9 =	smul.u32 $0xF7A, s1;
	s8 =	simm.s32 @!p0 $0x1BF5;
	p2 =	por !p2, p0  }
0x20: {  	[sflag:s8] =	ssyncset.s32 @!p0 $0xFFFFF086;
	s6 =	sadd.s32 @!p0 s3, s7;
	s7 =	simm.s32 @!p0 $0x108  }
0x21: {  	s3 =	sadd.s32 s3, s9;
	s6 =	sadd.s32 @!p0 $0x88, s6;
	s7 =	simm.s32 @p2 $0x1082  }
0x22: {  	[simem:s7], [sflag:s8] =	dma.local @!p0 [hbm:s6], $0xF7A  }
0x23: {  	s9 =	sor.u32 $0xD0000000, s2;
	s6 =	simm.s32 $0x108;
	_ =	swait.ge @!p0 [sflag:s8], $0x0  }
0x24: {  	s3 =	sadd.s32 $0x88, s3;
	s6 =	simm.s32 @!p1 $0x1082;
	[sflag:s4] =	ssyncset.s32 $0xFFFFF086  }
0x25: {  	[simem:s6], [sflag:s4] =	dma.local [hbm:s3], $0xF7A  }
0x26: {  	[smem:$0x3F90] =	sst s1;
	(tag) =	ssettag s2;
	_ =	strace s9  }
0x27: {  	s1 =	sld [smem:$0x3FA0]  }
0x28: {  	s2 =	sld [smem:$0x3FA1]  }
0x29: {  	s4 =	sld [smem:$0x3FA3]  }
0x2a: {  	p0 =	seq.s32 s5, $0x0;
	s5 =	sld [smem:$0x3FA4]  }
0x2b: {  	s6 =	sld [smem:$0x3FA5]  }
0x2c: {  	s7 =	sld [smem:$0x3FA6]  }
0x2d: {  	s3 =	simm.s32 $0x108;
	s8 =	sld [smem:$0x3FA7]  }
0x2e: {  	s3 =	simm.s32 @!p0 $0x1082;
	s9 =	sld [smem:$0x3FA8]  }
0x2f: {  	lr =	sadd.s32 s0, s3;
	s0 =	sld [smem:$0x3F9F]  }
0x30: {  	s3 =	sld [smem:$0x3FA2]  }
0x31: {  	[smem:$0x3FAB] =	sst s10  }
0x32: {  	s10 =	sld [smem:$0x3FA9];
	_ =	sdelay $0x3  }
0x33: {  	p0 =	seq.s32 s10, $0x1;
	s10 =	sld [smem:$0x3FAB];
	_ =	sdelay $0x3  }
0x34: {  	[smem:$0x3FAB] =	sst s10  }
0x35: {  	s10 =	sld [smem:$0x3FAA];
	_ =	sdelay $0x3  }
0x36: {  	p1 =	seq.s32 s10, $0x1;
	s10 =	sld [smem:$0x3FAB];
	_ =	sdelay $0x3  }
0x37: {  	[smem:$0x3FAB] =	sst s10  }
0x38: {  	s10 =	sld [smem:$0x3FAC]  }
0x39: {  	_ = 	snop;
	(pc) =	sbr.ind lr, $3  }
0x3a: {  	_ = 	snop  }
0x3b: {  	_ = 	snop  }
0x3c: {  	p2 =	seq.s32 s10, $0x1;
	s10 =	sld [smem:$0x3FAB]  }
0x3d: {  	_ =	shalt  }
0x3e: {  	_ =	shalt  }
0x3f: {  	_ =	shalt  }
0x40: {  	_ =	shalt  }
0x41: {  	_ =	shalt  }
0x42: {  	_ =	shalt  }
0x43: {  	_ =	shalt  }
0x44: {  	_ =	shalt  }
0x45: {  	_ =	shalt  }
0x46: {  	_ =	shalt  }
0x47: {  	_ =	shalt  }
0x48: {  	_ =	shalt  }
0x49: {  	_ =	shalt  }
0x4a: {  	_ =	shalt  }
0x4b: {  	_ =	shalt  }
0x4c: {  	_ =	shalt  }
0x4d: {  	_ =	shalt  }
0x4e: {  	_ =	shalt  }
0x4f: {  	_ =	shalt  }
0x50: {  	_ =	shalt  }
0x51: {  	_ =	shalt  }
0x52: {  	_ =	shalt  }
0x53: {  	_ =	shalt  }
0x54: {  	_ =	shalt  }
0x55: {  	_ =	shalt  }
0x56: {  	_ =	shalt  }
0x57: {  	_ =	shalt  }
0x58: {  	_ =	shalt  }
0x59: {  	_ =	shalt  }
0x5a: {  	_ =	shalt  }
0x5b: {  	_ =	shalt  }
0x5c: {  	_ =	shalt  }
0x5d: {  	_ =	shalt  }
0x5e: {  	_ =	shalt  }
0x5f: {  	_ =	shalt  }
0x60: {  	_ =	shalt  }
0x61: {  	_ =	shalt  }
0x62: {  	_ =	shalt  }
0x63: {  	_ =	shalt  }
0x64: {  	_ =	shalt  }
0x65: {  	_ =	shalt  }
0x66: {  	_ =	shalt  }
0x67: {  	_ =	shalt  }
0x68: {  	_ =	shalt  }
0x69: {  	_ =	shalt  }
0x6a: {  	_ =	shalt  }
0x6b: {  	_ =	shalt  }
0x6c: {  	_ =	shalt  }
0x6d: {  	_ =	shalt  }
0x6e: {  	_ =	shalt  }
0x6f: {  	_ =	shalt  }
0x70: {  	_ =	shalt  }
0x71: {  	_ =	shalt  }
0x72: {  	_ =	shalt  }
0x73: {  	_ =	shalt  }
0x74: {  	_ =	shalt  }
0x75: {  	_ =	shalt  }
0x76: {  	_ =	shalt  }
0x77: {  	_ =	shalt  }
0x78: {  	_ =	shalt  }
0x79: {  	_ =	shalt  }
0x7a: {  	_ =	shalt  }
0x7b: {  	_ =	shalt  }
0x7c: {  	_ =	shalt  }
0x7d: {  	_ =	shalt  }
0x7e: {  	_ =	shalt  }
0x7f: {  	_ =	shalt  }
0x80: {  	_ =	shalt  }
0x81: {  	_ =	shalt  }
0x82: {  	_ =	shalt  }
0x83: {  	_ =	shalt  }
0x84: {  	_ =	shalt  }
0x85: {  	_ =	shalt  }
0x86: {  	_ =	shalt  }
0x87: {  	_ =	shalt  }
.Lfunc_end0:
.L_simem_size_0:
called_computation_lowered:
.L_overlay_start_0:
0x88: {  	s2 =	sld [smem:$0x3FD9]  }
0x89: {  	s3 =	sld [smem:$0x3FFE];
	_ =	sdelay $0x1  }
0x8a: {  	s1 =	srdreg.scid  }
0x8b: {  	s0 =	sand.u32 $0x1, s1  }
0x8c: {  	s17 =	sshll.u32 s0, $0xA;
	s2 =	sadd.s32 s3, s2  }
0x8d: {  	s2 =	sadd.s32 s2, s17  }
0x8e: {  	[smem:$0x3FB7] =	sst s2  }
0x8f: {  	_ = 	snop  }
0x90: {  	s2 =	sld [smem:$0x3FC9];
	(tm) =	ssettm $0x1  }
0x91: {  	s18 =	sld [smem:$0x3FFB];
	_ =	sdelay $0x3  }
0x92: {  	_ =	strace s18  }
0x93: {  	s3 =	sld [smem:$0x3FFC];
	_ =	sdelay $0x3  }
0x94: {  	_ =	strace s3  }
0x95: {  	s3 =	sld [smem:$0x3FFD];
	_ =	sdelay $0x3  }
0x96: {  	_ =	strace s3  }
0x97: {  	_ =	strace $0x8FFFFFFF  }
0x98: {  	s19 =	sld [smem:$0x3FDB];
	_ =	sdelay $0x1  }
0x99: {  	s4 =	simm.s32 $_scs_section_size  }
0x9a: {  	s5 =	simm.s32 $_size__tile_overlayer_lowered;
	s6 =	simm.s32 $_tile_overlayer_lowered  }
0x9b: {  	s22 =	simm.s32 $0x1BFF;
	s21 =	sshll.u32 s6, $0x1;
	s3 =	sadd.s32 s4, s19  }
0x9c: {  	s7 =	simm.s32 $0x0;
	s20 =	sshll.u32 s5, $0x1;
	s5 =	sadd.s32 s21, s3  }
0x9d: {  	[timem:s7], [sflag:s22] =	dma.local [hbm:s5], s20  }
0x9e: {  	_ =	swait.ge [sflag:s22], s20  }
0x9f: {  	s4 =	ssub.s32 $0x0, s20;
	[sflag:s22] =	ssyncset.done $0x0  }
0xa0: {  	[sflag:s22] =	ssyncadd.s32 s4;
	_ =	sdelay $0x1  }
0xa1: {  	s23 =	simm.s32 $0x1B8B  }
0xa2: {  	_ =	swait.ge [sflag:s23], $0x1  }
0xa3: {  	[sflag:s23] =	ssyncset.done $0x0  }
0xa4: {  	s25 =	simm.s32 $0x1B8E;
	s24 =	sld [smem:$0x3FFE];
	[sflag:s23] =	ssyncadd.s32 $0xFFFFFFFF  }
0xa5: {  	s26 =	simm.s32 $execute0_lowered;
	[smem:$0x3FD2] =	sst s25  }
0xa6: {  	s5 =	sshll.u32 s26, $0x1;
	_ =	strace $0x80000046;
	[dreg:$0x1] =	wrdreg $0xFFFFFFFF  }
0xa7: {  	s28 =	simm.s32 $_size_execute0_lowered;
	s3 =	sadd.s32 s3, s5;
	[dreg:$0x0] =	wrdreg $0x0  }
0xa8: {  	s5 =	sshll.u32 s28, $0x1;
	[dreg:$0x2] =	wrdreg s3  }
0xa9: {  	[dreg:$0x3] =	wrdreg s5  }
0xaa: {  	[dreg:$0x4] =	wrdreg $0xC0  }
0xab: {  	_ =	task [dreg:s7], $0x5FFFF  }
0xac: {  	[dreg:$0x1] =	wrdreg $0xFFFFFFFF  }
0xad: {  	[dreg:$0x0] =	wrdreg $0x60  }
0xae: {  	[dreg:$0x2] =	wrdreg s2  }
0xaf: {  	[dreg:$0x3] =	wrdreg s24  }
0xb0: {  	[dreg:$0x4] =	wrdreg $0xA6000  }
0xb1: {  	[dreg:$0x5] =	wrdreg $0x9  }
0xb2: {  	_ =	task.clear_ibuf [dreg:s7], $0x6FFFF;
	_ =	strace $0x90000046  }
0xb3: {  	s29 =	simm.s32 $0x9;
	_ =	strace $0x80000048  }
0xb4: {  	_ =	swait.ge [sflag:s29], $0x1  }
0xb5: {  	[sflag:s29] =	ssyncadd.s32 $0xFFFFFFFF  }
0xb6: {  	_ =	strace $0x90000048  }
0xb7: {  	_ =	sfence  }
0xb8: {  	s30 =	sld [smem:$0x0];
	_ =	sdelay $0x2  }
0xb9: {  	s31 =	sshll.u32 s1, $0xD;
	s1 =	sshrl.u32 s1, $0x2  }
0xba: {  	s3 =	sand.u32 $0x4000, s31;
	s1 =	sadd.s32 s1, s30  }
0xbb: {  	s0 =	sor.u32 s3, s0;
	s1 =	sshll.u32 s1, $0x11  }
0xbc: {  	s0 =	sor.u32 s1, s0  }
0xbd: {  	s0 =	sadd.s32 $0x8F2B, s0  }
0xbe: {  	[sflag:s0] =	ssyncadd.remote.s32 $0x1  }
0xbf: {  	_ =	sfence.sel $0xFFFF  }
0xc0: {  	[dreg:$0x0] =	wrdreg $0xFFFFFFFF;
	(pc) =	sbr.abs _section_cstart, $3  }
0xc1: {  	[dreg:$0x1] =	wrdreg $0xFFFFFFFF  }
0xc2: {  	_ =	task.clear_ibuf [dreg:s7], $0x2FFFF;
	_ =	strace $0x9FFFFFFF  }
0xc3: {  	(tm) =	ssettm $0x7FFFFFFF  }
tec
execute0_lowered:
.L_overlay_start_1:
0x0: {  	(tag) =	ssettag $0x1  }
0x1: {  	s0 =	rddreg [dreg:$0x0]  }
0x2: {  	s1 =	rddreg [dreg:$0x1];
	s2 =	srdreg.scid  }
0x3: {  	s3 =	rddreg [dreg:$0x2];
	s11 =	stileid.u32  }
0x4: {  	s4 =	simm.s32 $0x0;
	s28 =	simm.s32 $0x2;
	s6 =	smul.u32 $0x14000, s11  }
0x5: {  	s2 =	sand.u32 $0x1, s2;
	[smem:$0x7FF] =	sst s4;
	s18 =	smul.u32 $0x50000, s11  }
0x6: {  	s7 =	sshll.u32 s11, $0x1;
	s12 =	sadd.s32 $0xCC00, s1;
	s19 =	smul.u32 $0x4E20, s11  }
0x7: {  	s13 =	sadd.s32 $0x2E00, s1;
	s5 =	smul.u32 $0x140000, s2;
	_ =	strace $0x80000047  }
0x8: {  	s21 =	sor.u32 s2, s7;
	s22 =	ssub.s32 $0x2, s2;
	s2 =	smul.u32 $0x2710, s2  }
0x9: {  	s31 =	smov.u32 s13;
	s5 =	sadd.s32 s6, s5;
	s6 =	smul.u32 $0x2710, s21  }
0xa: {  	s30 =	smov.u32 s12;
	s23 =	sshrl.u32 s22, $0x1;
	s5 =	sshrl.u32 s5, $0x3  }
0xb: {  	s21 =	sshrl.u32 s18, $0x2;
	s1 =	sadd.s32 s5, s1;
	s8 =	sshrl.u32 s6, $0x3  }
0xc: {  	s9 =	sadd.s32 $0x28, s6;
	s5 =	ssub.s32 s22, s23;
	s14 =	sadd.s32 $0x78, s6  }
0xd: {  	s23 =	sadd.s32 s21, s3;
	s22 =	sadd.s32 s2, s19;
	s24 =	sadd.s32 s12, s8  }
0xe: {  	s25 =	sshrl.u32 s9, $0x3;
	s26 =	sadd.s32 s13, s8;
	[dreg:$0x10] =	wrdreg s23  }
0xf: {  	s29 =	sadd.s32 $0xA, s8;
	s15 =	sadd.s32 $0x14, s8;
	[dreg:$0x4] =	wrdreg s24  }
0x10: {  	s8 =	sadd.s32 $0x1E, s8;
	s1 =	sadd.s32 $0x16A00, s1;
	[dreg:$0x5] =	wrdreg s26  }
0x11: {  	s21 =	sadd.s32 $0x5000, s23;
	s7 =	sadd.s32 s13, s25;
	[dreg:$0x11] =	wrdreg s1  }
0x12: {  	s10 =	sadd.s32 s12, s29;
	s16 =	sadd.s32 s12, s15;
	[dreg:$0x1d] =	wrdreg s21  }
0x13: {  	s9 =	sadd.s32 s13, s15;
	s20 =	sadd.s32 s12, s8;
	[dreg:$0x6] =	wrdreg s7  }
0x14: {  	s8 =	sadd.s32 s13, s8;
	s24 =	smax.u32 s5, $0x1;
	[dreg:$0x7] =	wrdreg s10  }
0x15: {  	s25 =	sadd.s32 $0x168, s22;
	s26 =	sadd.s32 $0x1B8, s22;
	[dreg:$0xa] =	wrdreg s16  }
0x16: {  	s15 =	sadd.s32 $0x258, s22;
	s1 =	sadd.s32 $0x230, s22;
	[dreg:$0xb] =	wrdreg s9  }
0x17: {  	s21 =	simm.s32 $0xD;
	s7 =	sadd.s32 s13, s29;
	[dreg:$0xd] =	wrdreg s20  }
0x18: {  	s10 =	sadd.s32 $0xC8, s6;
	s6 =	sadd.s32 $0x118, s6;
	[dreg:$0xe] =	wrdreg s8  }
0x19: {  	[dreg:$0x12] =	wrdreg s24;
	s2 =	sshrl.u32 s25, $0x3;
	s29 =	sadd.s32 $0x190, s22  }
0x1a: {  	s5 =	sshrl.u32 s26, $0x3;
	s8 =	sadd.s32 $0x1E0, s22;
	s9 =	sadd.s32 $0x208, s22  }
0x1b: {  	s20 =	sadd.s32 $0x2800, s23;
	s24 =	sadd.s32 $0xA000, s23;
	[dreg:$0x8] =	wrdreg s7  }
0x1c: {  	s25 =	sadd.s32 $0xC800, s23;
	s26 =	sadd.s32 $0xF000, s23;
	[dreg:$0x1c] =	wrdreg s20  }
0x1d: {  	s7 =	sshrl.u32 s14, $0x3;
	s17 =	sshrl.u32 s10, $0x3;
	[dreg:$0x1f] =	wrdreg s24  }
0x1e: {  	s6 =	sshrl.u32 s6, $0x3;
	s2 =	sadd.s32 s2, s13;
	[smem:$0x7FB] =	sst s25  }
0x1f: {  	s5 =	sadd.s32 s5, s13;
	s10 =	sshrl.u32 s8, $0x3;
	[smem:$0x7FC] =	sst s26  }
0x20: {  	s11 =	sshrl.u32 s9, $0x3;
	s14 =	sadd.s32 $0x140, s22;
	[dreg:$0x13] =	wrdreg s2  }
0x21: {  	s22 =	sadd.s32 $0x7800, s23;
	s24 =	simm.s32 $0x80;
	[dreg:$0x14] =	wrdreg s5  }
0x22: {  	s8 =	simm.s32 $0xA;
	s20 =	simm.s32 $0xE;
	[dreg:$0x18] =	wrdreg s14  }
0x23: {  	s9 =	simm.s32 $0xB;
	s7 =	sadd.s32 s13, s7;
	[dreg:$0x1e] =	wrdreg s22  }
0x24: {  	s6 =	sadd.s32 s13, s6;
	s5 =	sadd.s32 s11, s13;
	[dreg:$0x9] =	wrdreg s7  }
0x25: {  	s16 =	sadd.s32 s10, s13;
	s14 =	simm.s32 $0x200;
	[dreg:$0xf] =	wrdreg s6  }
0x26: {  	s11 =	simm.s32 $0x9;
	s7 =	sadd.s32 s13, s17;
	[dreg:$0x17] =	wrdreg s5  }
0x27: {  	s6 =	sshrl.u32 s29, $0x3;
	s5 =	sshrl.u32 s15, $0x3;
	[dreg:$0x19] =	wrdreg s16  }
0x28: {  	s17 =	sshrl.u32 s1, $0x3;
	s29 =	sadd.s32 $0x11800, s23;
	s15 =	simm.s32 $0x400  }
0x29: {  	s16 =	simm.s32 $0x5;
	s1 =	simm.s32 $0x0;
	[dreg:$0xc] =	wrdreg s7  }
0x2a: {  	s7 =	sadd.s32 s6, s13;
	s2 =	sadd.s32 s6, s12;
	[smem:$0x7FD] =	sst s29  }
0x2b: {  	s18 =	sadd.s32 s5, s13;
	s19 =	sadd.s32 s17, s13;
	[dreg:$0x15] =	wrdreg s7  }
.Ltmp0:
0x2c: {  	s13 =	simm.s32 $0x3;
	[dreg:$0x16] =	wrdreg s2;
	(pc) =	sbr.rel .LBB2_1-.Ltmp0, $4  }
0x2d: {  	s6 =	simm.s32 $0x10;
	s2 =	sadd.s32 s10, s12;
	[dreg:$0x1b] =	wrdreg s18  }
0x2e: {  	[smem:$0x7FA] =	sst s19;
	s10 =	simm.s32 $0x600;
	s19 =	simm.s32 $0x1  }
0x2f: {  	s7 =	simm.s32 $0xF;
	s18 =	simm.s32 $0x4;
	[dreg:$0x1a] =	wrdreg s2  }
0x30: {  	v0 =	vimm.f32 $0.0e+00;
	s2 =	sadd.s32 s17, s12;
	s17 =	simm.s32 $0x28;
	s12 =	simm.s32 $0xC  }
.LBB2_6:
0x31: {  	s5 =	stileid.u32;
	[bflag:$0x0] =	sbarrier.arrive $0xFFFF  }
0x32: {  	s26 =	simm.s32 $0x11;
	s5 =	sshll.u32 s5, $0x6;
	s23 =	rddreg [dreg:$0x10]  }
0x33: {  	s24 =	rddreg [dreg:$0x11];
	s5 =	sor.u32 $0x1C11, s5;
	s22 =	sshrl.u32 s23, $0x3  }
0x34: {  	[hbm:s24], [sflag:s5] =	dma.local [spmem:s22], $0x2800  }
0x35: {  	_ =	swait.ge [sflag:s26], $0x2800  }
0x36: {  	s1 =	sld [smem:$0x7F9];
	_ =	sdelay $0x2  }
0x37: {  	s29 =	rddreg [dreg:$0x12];
	s1 =	sadd.s32 $0x1, s1  }
0x38: {  	p0 =	sne.s32 s1, s29  }
.Ltmp1:
0x39: {  	_ = 	snop;
	(pc) =	sbr.rel @!p0 .LBB2_7-.Ltmp1, $3  }
0x3a: {  	_ =	sdelay $0x1  }
0x3b: {  	[sflag:s26] =	ssyncset.done $0x0  }
0x3c: {  	s24 =	simm.s32 $0x80;
	[sflag:s26] =	ssyncadd.s32 $0xFFFFD800  }
.LBB2_1:
0x3d: {  	[smem:$0x7F9] =	sst s1  }
0x3e: {  	s5 =	rddreg [dreg:$0x4]  }
0x3f: {  	[tilespmem:s4], [sflag:$0x5] =	stream.linear.gather [hbm4b:s5+s4], $0x50, $0x38;
	[tilespmem:$0x1E600] =	vst v63  }
0x40: {  	s1 =	rddreg [dreg:$0x5]  }
0x41: {  	[tilespmem:s14], [sflag:$0x9] =	stream.linear.gather [hbm4b:s1+s4], $0x28, $0x38;
	[tilespmem:$0x1E600] =	vst v63  }
0x42: {  	s22 =	rddreg [dreg:$0x6]  }
0x43: {  	[tilespmem:s15], [sflag:$0x9] =	stream.linear.gather [hbm4b:s22+s4], $0x28, $0x38;
	[tilespmem:$0x1E600] =	vst v63  }
0x44: {  	s25 =	rddreg [dreg:$0x7]  }
0x45: {  	[tilespmem:s24], [sflag:$0x6] =	stream.linear.gather [hbm4b:s25+s4], $0x50, $0x38;
	[tilespmem:$0x1E600] =	vst v63  }
0x46: {  	s26 =	rddreg [dreg:$0x8];
	s22 =	simm.s32 $0x280  }
0x47: {  	[tilespmem:s22], [sflag:$0xA] =	stream.linear.gather [hbm4b:s26+s4], $0x28, $0x38;
	[tilespmem:$0x1E600] =	vst v63  }
0x48: {  	s29 =	rddreg [dreg:$0x9];
	s1 =	simm.s32 $0x480  }
0x49: {  	[tilespmem:s1], [sflag:$0xA] =	stream.linear.gather [hbm4b:s29+s4], $0x28, $0x38;
	[tilespmem:$0x1E600] =	vst v63  }
0x4a: {  	s25 =	rddreg [dreg:$0xa];
	s26 =	simm.s32 $0x100  }
0x4b: {  	[tilespmem:s26], [sflag:$0x7] =	stream.linear.gather [hbm4b:s25+s4], $0x50, $0x38;
	[tilespmem:$0x1E600] =	vst v63  }
0x4c: {  	s29 =	rddreg [dreg:$0xb];
	s1 =	simm.s32 $0x300  }
0x4d: {  	[tilespmem:s1], [sflag:$0xB] =	stream.linear.gather [hbm4b:s29+s4], $0x28, $0x38;
	[tilespmem:$0x1E600] =	vst v63  }
0x4e: {  	s25 =	rddreg [dreg:$0xc];
	s26 =	simm.s32 $0x500  }
0x4f: {  	[tilespmem:s26], [sflag:$0xB] =	stream.linear.gather [hbm4b:s25+s4], $0x28, $0x38;
	[tilespmem:$0x1E600] =	vst v63  }
0x50: {  	s29 =	rddreg [dreg:$0xd];
	s1 =	simm.s32 $0x180  }
0x51: {  	[tilespmem:s1], [sflag:$0x8] =	stream.linear.gather [hbm4b:s29+s4], $0x50, $0x38;
	[tilespmem:$0x1E600] =	vst v63  }
0x52: {  	s5 =	simm.s32 $0x0;
	s22 =	rddreg [dreg:$0xe];
	s25 =	simm.s32 $0x380  }
0x53: {  	[tilespmem:s25], [sflag:$0xC] =	stream.linear.gather [hbm4b:s22+s4], $0x28, $0x38;
	[tilespmem:$0x1E600] =	vst v63  }
0x54: {  	s26 =	rddreg [dreg:$0xf];
	s29 =	simm.s32 $0x580;
	s22 =	simm.s32 $0x200  }
0x55: {  	[tilespmem:s29], [sflag:$0xC] =	stream.linear.gather [hbm4b:s26+s4], $0x28, $0x38;
	[tilespmem:$0x1E600] =	vst v63  }
.LBB2_2:
0x56: {  	p0 =	sne.s32 s22, $0x9E00;
	[tilespmem:s5+$0x670] =	vst v0  }
0x57: {  	[tilespmem:s5+$0x600] =	vst v0  }
0x58: {  	[tilespmem:s5+$0x610] =	vst v0  }
.Ltmp2:
0x59: {  	[tilespmem:s5+$0x620] =	vst v0;
	(pc) =	sbr.rel @p0 .LBB2_2-.Ltmp2, $4  }
0x5a: {  	[tilespmem:s5+$0x630] =	vst v0  }
0x5b: {  	[tilespmem:s5+$0x640] =	vst v0  }
0x5c: {  	[tilespmem:s5+$0x650] =	vst v0  }
0x5d: {  	[tilespmem:s5+$0x660] =	vst v0;
	s5 =	sshra.s32 s22, $0x2;
	s22 =	sadd.s32 $0x200, s22  }
0x5e: {  	[tilespmem:s5+$0x670] =	vst v0  }
0x5f: {  	[tilespmem:s5+$0x600] =	vst v0  }
0x60: {  	[tilespmem:s5+$0x610] =	vst v0  }
0x61: {  	[tilespmem:s5+$0x620] =	vst v0  }
0x62: {  	[tilespmem:s5+$0x630] =	vst v0  }
0x63: {  	[tilespmem:s5+$0x640] =	vst v0  }
0x64: {  	[tilespmem:s5+$0x650] =	vst v0  }
0x65: {  	[tilespmem:s5+$0x660] =	vst v0;
	s22 =	simm.s32 $0x11  }
0x66: {  	[spmem:s23] =	stream.linear.scatter [tilespmem:s10], [sflag:$0x11], $0x2800, $0x38;
	[tilespmem:$0x1E600] =	vst v63  }
0x67: {  	_ =	swait.ge [sflag:s22], $0x2800  }
0x68: {  	[sflag:s22] =	ssyncset.done $0x0  }
0x69: {  	s23 =	rddreg [dreg:$0x1c];
	[sflag:s22] =	ssyncadd.s32 $0xFFFFD800  }
0x6a: {  	[spmem:s23] =	stream.linear.scatter [tilespmem:s10], [sflag:$0x11], $0x2800, $0x38;
	[tilespmem:$0x1E600] =	vst v63  }
0x6b: {  	_ =	swait.ge [sflag:s22], $0x2800  }
0x6c: {  	[sflag:s22] =	ssyncset.done $0x0  }
0x6d: {  	s25 =	rddreg [dreg:$0x1d];
	[sflag:s22] =	ssyncadd.s32 $0xFFFFD800  }
0x6e: {  	[spmem:s25] =	stream.linear.scatter [tilespmem:s10], [sflag:$0x11], $0x2800, $0x38;
	[tilespmem:$0x1E600] =	vst v63  }
0x6f: {  	_ =	swait.ge [sflag:s22], $0x2800  }
0x70: {  	[sflag:s22] =	ssyncset.done $0x0  }
0x71: {  	s26 =	rddreg [dreg:$0x1e];
	[sflag:s22] =	ssyncadd.s32 $0xFFFFD800  }
0x72: {  	[spmem:s26] =	stream.linear.scatter [tilespmem:s10], [sflag:$0x11], $0x2800, $0x38;
	[tilespmem:$0x1E600] =	vst v63  }
0x73: {  	_ =	swait.ge [sflag:s22], $0x2800  }
0x74: {  	[sflag:s22] =	ssyncset.done $0x0  }
0x75: {  	s29 =	rddreg [dreg:$0x1f];
	[sflag:s22] =	ssyncadd.s32 $0xFFFFD800  }
0x76: {  	[spmem:s29] =	stream.linear.scatter [tilespmem:s10], [sflag:$0x11], $0x2800, $0x38;
	[tilespmem:$0x1E600] =	vst v63  }
0x77: {  	_ =	swait.ge [sflag:s22], $0x2800  }
0x78: {  	s1 =	sld [smem:$0x7FB]  }
0x79: {  	[sflag:s22] =	ssyncset.done $0x0  }
0x7a: {  	[sflag:s22] =	ssyncadd.s32 $0xFFFFD800  }
0x7b: {  	[spmem:s1] =	stream.linear.scatter [tilespmem:s10], [sflag:$0x11], $0x2800, $0x38;
	[tilespmem:$0x1E600] =	vst v63  }
0x7c: {  	_ =	swait.ge [sflag:s22], $0x2800  }
0x7d: {  	s23 =	sld [smem:$0x7FC]  }
0x7e: {  	[sflag:s22] =	ssyncset.done $0x0  }
0x7f: {  	[sflag:s22] =	ssyncadd.s32 $0xFFFFD800  }
0x80: {  	[spmem:s23] =	stream.linear.scatter [tilespmem:s10], [sflag:$0x11], $0x2800, $0x38;
	[tilespmem:$0x1E600] =	vst v63  }
0x81: {  	_ =	swait.ge [sflag:s22], $0x2800  }
0x82: {  	s25 =	sld [smem:$0x7FD]  }
0x83: {  	[sflag:s22] =	ssyncset.done $0x0  }
0x84: {  	[sflag:s22] =	ssyncadd.s32 $0xFFFFD800  }
0x85: {  	[spmem:s25] =	stream.linear.scatter [tilespmem:s10], [sflag:$0x11], $0x2800, $0x38;
	[tilespmem:$0x1E600] =	vst v63  }
0x86: {  	_ =	swait.ge [sflag:s22], $0x2800  }
0x87: {  	[sflag:s22] =	ssyncset.done $0x0  }
0x88: {  	[sflag:s22] =	ssyncadd.s32 $0xFFFFD800  }
0x89: {  	_ =	swait.ge [sflag:s16], $0x50  }
0x8a: {  	s5 =	simm.s32 $0x0;
	[sflag:s16] =	ssyncset.done $0x0  }
0x8b: {  	s1 =	simm.s32 $0x6;
	s23 =	simm.s32 $0x50;
	[sflag:s16] =	ssyncadd.s32 $0xFFFFFFB0  }
0x8c: {  	[tilespmem:s10], [sflag:$0x1] =	stream.indirect.gather [hbm4b:s0+s23], $0x80, s5, s23, $0xb8;
	[tilespmem:$0x1E600] =	vst v63  }
0x8d: {  	_ =	swait.ge [sflag:s1], $0x50  }
0x8e: {  	[sflag:s1] =	ssyncset.done $0x0  }
0x8f: {  	s26 =	simm.s32 $0x2E00;
	s29 =	simm.s32 $0x7;
	[sflag:s1] =	ssyncadd.s32 $0xFFFFFFB0  }
0x90: {  	[tilespmem:s26], [sflag:$0x2] =	stream.indirect.gather [hbm4b:s0+s23], $0x80, s24, s23, $0xb8;
	[tilespmem:$0x1E600] =	vst v63  }
0x91: {  	_ =	swait.ge [sflag:s29], $0x50  }
0x92: {  	s25 =	simm.s32 $0x8;
	[sflag:s29] =	ssyncset.done $0x0  }
0x93: {  	s1 =	simm.s32 $0x100;
	s24 =	simm.s32 $0x5600;
	[sflag:s29] =	ssyncadd.s32 $0xFFFFFFB0  }
0x94: {  	[tilespmem:s24], [sflag:$0x3] =	stream.indirect.gather [hbm4b:s0+s23], $0x80, s1, s23, $0xb8;
	[tilespmem:$0x1E600] =	vst v63  }
0x95: {  	_ =	swait.ge [sflag:s25], $0x50  }
0x96: {  	[sflag:s25] =	ssyncset.done $0x0  }
0x97: {  	s26 =	simm.s32 $0x180;
	s29 =	simm.s32 $0x7E00;
	[sflag:s25] =	ssyncadd.s32 $0xFFFFFFB0  }
0x98: {  	[tilespmem:s29], [sflag:$0x4] =	stream.indirect.gather [hbm4b:s0+s23], $0x80, s26, s23, $0xb8;
	[tilespmem:$0x1E600] =	vst v63  }
0x99: {  	[bflag:$0x0] =	sbarrier.arrive $0xFFFF  }
0x9a: {  	s1 =	simm.s32 $0x50;
	s22 =	rddreg [dreg:$0x18]  }
.LBB2_4:
0x9b: {  	_ =	swait.ge [sflag:s19], $0x2800;
	p0 =	seq.s32 s5, $0x4D8  }
0x9c: {  	[sflag:s19] =	ssyncset.done $0x0;
	s23 =	sshrl.u32 @!p0 s22, $0x3  }
0x9d: {  	s24 =	simm.s32 @!p0 $0x0;
	[sflag:s19] =	ssyncadd.s32 $0xFFFFD800;
	s23 =	sadd.s32 @!p0 s30, s23  }
0x9e: {  	[tilespmem:s24], [sflag:$0x5] =	stream.linear.gather @!p0 [hbm4b:s23+s24], $0x50, $0x38;
	[tilespmem:$0x1E600] =	vst v63  }
0x9f: {  	_ =	swait.ge [sflag:s11], $0x28  }
0xa0: {  	[sflag:s11] =	ssyncset.done $0x0  }
0xa1: {  	[sflag:s11] =	ssyncadd.s32 $0xFFFFFFD8  }
0xa2: {  	_ =	swait.ge [sflag:s11], $0x28  }
0xa3: {  	[sflag:s11] =	ssyncset.done $0x0  }
0xa4: {  	[sflag:s11] =	ssyncadd.s32 $0xFFFFFFD8  }
0xa5: {  	[spmem:s3] =	stream.indirect.scatter.add.f32 [tilespmem:s10], [sflag:$0xD], $0x80, s14, s17, $0xb8;
	[tilespmem:$0x1E600] =	vst v63  }
0xa6: {  	s29 =	simm.s32 $0x1A00  }
0xa7: {  	[spmem:s3] =	stream.indirect.scatter.add.f32 [tilespmem:s29], [sflag:$0xD], $0x80, s15, s17, $0xb8;
	[tilespmem:$0x1E600] =	vst v63  }
0xa8: {  	_ =	swait.ge [sflag:s21], $0x1400  }
.Ltmp3:
0xa9: {  	[sflag:s21] =	ssyncset.done $0x0;
	(pc) =	sbr.rel @p0 .LBB2_6-.Ltmp3, $4  }
0xaa: {  	[sflag:s21] =	ssyncadd.s32 $0xFFFFEC00  }
0xab: {  	_ =	swait.ge [sflag:s21], $0x1400  }
0xac: {  	[sflag:s21] =	ssyncset.done $0x0  }
0xad: {  	[sflag:s21] =	ssyncadd.s32 $0xFFFFEC00  }
0xae: {  	s23 =	sshrl.u32 s22, $0x3  }
0xaf: {  	s26 =	rddreg [dreg:$0x13];
	s23 =	sadd.s32 s31, s23  }
0xb0: {  	[tilespmem:s14], [sflag:$0x9] =	stream.linear.gather [hbm4b:s23+s4], $0x28, $0x38;
	[tilespmem:$0x1E600] =	vst v63  }
0xb1: {  	s23 =	sadd.s32 s5, s26  }
0xb2: {  	[tilespmem:s15], [sflag:$0x9] =	stream.linear.gather [hbm4b:s23+s4], $0x28, $0x38;
	[tilespmem:$0x1E600] =	vst v63  }
0xb3: {  	_ =	swait.ge [sflag:s16], $0x50  }
0xb4: {  	[sflag:s16] =	ssyncset.done $0x0  }
0xb5: {  	[sflag:s16] =	ssyncadd.s32 $0xFFFFFFB0  }
0xb6: {  	[tilespmem:s10], [sflag:$0x1] =	stream.indirect.gather [hbm4b:s0+s1], $0x80, s4, s1, $0xb8;
	[tilespmem:$0x1E600] =	vst v63  }
0xb7: {  	p0 =	seq.s32 s5, $0x4B0;
	_ =	swait.ge [sflag:s28], $0x2800  }
0xb8: {  	s25 =	simm.s32 @!p0 $0x80;
	[sflag:s28] =	ssyncset.done $0x0;
	s23 =	rddreg [dreg:$0x16]  }
0xb9: {  	[sflag:s28] =	ssyncadd.s32 $0xFFFFD800;
	s24 =	sadd.s32 @!p0 s5, s23;
	s23 =	simm.s32 @!p0 $0x0  }
0xba: {  	[tilespmem:s25], [sflag:$0x6] =	stream.linear.gather @!p0 [hbm4b:s24+s23], $0x50, $0x38;
	[tilespmem:$0x1E600] =	vst v63  }
0xbb: {  	_ =	swait.ge [sflag:s8], $0x28  }
0xbc: {  	[sflag:s8] =	ssyncset.done $0x0  }
0xbd: {  	[sflag:s8] =	ssyncadd.s32 $0xFFFFFFD8  }
0xbe: {  	_ =	swait.ge [sflag:s8], $0x28  }
0xbf: {  	[sflag:s8] =	ssyncset.done $0x0  }
0xc0: {  	s29 =	simm.s32 $0x280;
	s26 =	simm.s32 $0x2E00;
	[sflag:s8] =	ssyncadd.s32 $0xFFFFFFD8  }
0xc1: {  	[spmem:s3] =	stream.indirect.scatter.add.f32 [tilespmem:s26], [sflag:$0xE], $0x80, s29, s17, $0xb8;
	[tilespmem:$0x1E600] =	vst v63  }
0xc2: {  	s26 =	simm.s32 $0x480;
	s29 =	simm.s32 $0x4200  }
0xc3: {  	[spmem:s3] =	stream.indirect.scatter.add.f32 [tilespmem:s29], [sflag:$0xE], $0x80, s26, s17, $0xb8;
	[tilespmem:$0x1E600] =	vst v63  }
0xc4: {  	_ =	swait.ge [sflag:s20], $0x1400  }
0xc5: {  	[sflag:s20] =	ssyncset.done $0x0  }
0xc6: {  	[sflag:s20] =	ssyncadd.s32 $0xFFFFEC00  }
0xc7: {  	_ =	swait.ge [sflag:s20], $0x1400  }
0xc8: {  	[sflag:s20] =	ssyncset.done $0x0;
	s24 =	rddreg [dreg:$0x15]  }
0xc9: {  	s26 =	simm.s32 @!p0 $0x280;
	[sflag:s20] =	ssyncadd.s32 $0xFFFFEC00;
	s24 =	sadd.s32 @!p0 s5, s24  }
0xca: {  	[tilespmem:s26], [sflag:$0xA] =	stream.linear.gather @!p0 [hbm4b:s24+s23], $0x28, $0x38;
	[tilespmem:$0x1E600] =	vst v63  }
0xcb: {  	s24 =	rddreg [dreg:$0x14]  }
0xcc: {  	s26 =	simm.s32 @!p0 $0x480;
	s24 =	sadd.s32 @!p0 s5, s24  }
0xcd: {  	[tilespmem:s26], [sflag:$0xA] =	stream.linear.gather @!p0 [hbm4b:s24+s23], $0x28, $0x38;
	[tilespmem:$0x1E600] =	vst v63  }
0xce: {  	s24 =	simm.s32 @!p0 $0x6  }
0xcf: {  	_ =	swait.ge @!p0 [sflag:s24], $0x50  }
0xd0: {  	[sflag:s24] =	ssyncset.done @!p0 $0x0  }
0xd1: {  	s26 =	simm.s32 @!p0 $0x2E00;
	[sflag:s24] =	ssyncadd.s32 @!p0 $0xFFFFFFB0;
	s24 =	simm.s32 @!p0 $0x50  }
0xd2: {  	[tilespmem:s26], [sflag:$0x2] =	stream.indirect.gather @!p0 [hbm4b:s0+s24], $0x80, s25, s24, $0xb8;
	[tilespmem:$0x1E600] =	vst v63  }
0xd3: {  	_ =	swait.ge [sflag:s13], $0x2800  }
0xd4: {  	[sflag:s13] =	ssyncset.done $0x0;
	s25 =	rddreg [dreg:$0x1a]  }
0xd5: {  	s26 =	simm.s32 @!p0 $0x100;
	[sflag:s13] =	ssyncadd.s32 $0xFFFFD800;
	s25 =	sadd.s32 @!p0 s5, s25  }
0xd6: {  	[tilespmem:s26], [sflag:$0x7] =	stream.linear.gather @!p0 [hbm4b:s25+s23], $0x50, $0x38;
	[tilespmem:$0x1E600] =	vst v63  }
0xd7: {  	_ =	swait.ge [sflag:s9], $0x28  }
0xd8: {  	[sflag:s9] =	ssyncset.done $0x0  }
0xd9: {  	[sflag:s9] =	ssyncadd.s32 $0xFFFFFFD8  }
0xda: {  	_ =	swait.ge [sflag:s9], $0x28  }
0xdb: {  	[sflag:s9] =	ssyncset.done $0x0  }
0xdc: {  	s29 =	simm.s32 $0x5600;
	s25 =	simm.s32 $0x300;
	[sflag:s9] =	ssyncadd.s32 $0xFFFFFFD8  }
0xdd: {  	[spmem:s3] =	stream.indirect.scatter.add.f32 [tilespmem:s29], [sflag:$0xF], $0x80, s25, s17, $0xb8;
	[tilespmem:$0x1E600] =	vst v63  }
0xde: {  	s25 =	simm.s32 $0x500;
	s29 =	simm.s32 $0x6A00  }
0xdf: {  	[spmem:s3] =	stream.indirect.scatter.add.f32 [tilespmem:s29], [sflag:$0xF], $0x80, s25, s17, $0xb8;
	[tilespmem:$0x1E600] =	vst v63  }
0xe0: {  	_ =	swait.ge [sflag:s7], $0x1400  }
0xe1: {  	[sflag:s7] =	ssyncset.done $0x0  }
0xe2: {  	[sflag:s7] =	ssyncadd.s32 $0xFFFFEC00  }
0xe3: {  	_ =	swait.ge [sflag:s7], $0x1400  }
0xe4: {  	[sflag:s7] =	ssyncset.done $0x0;
	s25 =	rddreg [dreg:$0x19]  }
0xe5: {  	s29 =	simm.s32 @!p0 $0x300;
	[sflag:s7] =	ssyncadd.s32 $0xFFFFEC00;
	s25 =	sadd.s32 @!p0 s5, s25  }
0xe6: {  	[tilespmem:s29], [sflag:$0xB] =	stream.linear.gather @!p0 [hbm4b:s25+s23], $0x28, $0x38;
	[tilespmem:$0x1E600] =	vst v63  }
0xe7: {  	s25 =	rddreg [dreg:$0x17]  }
0xe8: {  	s29 =	simm.s32 @!p0 $0x500;
	s25 =	sadd.s32 @!p0 s5, s25  }
0xe9: {  	[tilespmem:s29], [sflag:$0xB] =	stream.linear.gather @!p0 [hbm4b:s25+s23], $0x28, $0x38;
	[tilespmem:$0x1E600] =	vst v63  }
0xea: {  	s25 =	simm.s32 @!p0 $0x7  }
0xeb: {  	_ =	swait.ge @!p0 [sflag:s25], $0x50  }
0xec: {  	[sflag:s25] =	ssyncset.done @!p0 $0x0  }
0xed: {  	[sflag:s25] =	ssyncadd.s32 @!p0 $0xFFFFFFB0;
	s25 =	simm.s32 @!p0 $0x5600  }
0xee: {  	[tilespmem:s25], [sflag:$0x3] =	stream.indirect.gather @!p0 [hbm4b:s0+s24], $0x80, s26, s24, $0xb8;
	[tilespmem:$0x1E600] =	vst v63  }
0xef: {  	_ =	swait.ge [sflag:s18], $0x2800  }
0xf0: {  	[sflag:s18] =	ssyncset.done $0x0  }
0xf1: {  	s25 =	sadd.s32 @!p0 s5, s2;
	s26 =	simm.s32 @!p0 $0x180;
	[sflag:s18] =	ssyncadd.s32 $0xFFFFD800  }
0xf2: {  	[tilespmem:s26], [sflag:$0x8] =	stream.linear.gather @!p0 [hbm4b:s25+s23], $0x50, $0x38;
	[tilespmem:$0x1E600] =	vst v63  }
0xf3: {  	_ =	swait.ge [sflag:s12], $0x28  }
0xf4: {  	[sflag:s12] =	ssyncset.done $0x0  }
0xf5: {  	[sflag:s12] =	ssyncadd.s32 $0xFFFFFFD8  }
0xf6: {  	_ =	swait.ge [sflag:s12], $0x28  }
0xf7: {  	[sflag:s12] =	ssyncset.done $0x0  }
0xf8: {  	s29 =	simm.s32 $0x7E00;
	s25 =	simm.s32 $0x380;
	[sflag:s12] =	ssyncadd.s32 $0xFFFFFFD8  }
0xf9: {  	[spmem:s3] =	stream.indirect.scatter.add.f32 [tilespmem:s29], [sflag:$0x10], $0x80, s25, s17, $0xb8;
	[tilespmem:$0x1E600] =	vst v63  }
0xfa: {  	s25 =	simm.s32 $0x580;
	s29 =	simm.s32 $0x9200  }
0xfb: {  	[spmem:s3] =	stream.indirect.scatter.add.f32 [tilespmem:s29], [sflag:$0x10], $0x80, s25, s17, $0xb8;
	[tilespmem:$0x1E600] =	vst v63  }
0xfc: {  	_ =	swait.ge [sflag:s6], $0x1400  }
0xfd: {  	[sflag:s6] =	ssyncset.done $0x0  }
0xfe: {  	[sflag:s6] =	ssyncadd.s32 $0xFFFFEC00  }
0xff: {  	_ =	swait.ge [sflag:s6], $0x1400  }
0x100: {  	s25 =	sld [smem:$0x7FA];
	_ =	sdelay $0x1  }
0x101: {  	[sflag:s6] =	ssyncset.done $0x0  }
0x102: {  	s29 =	simm.s32 @!p0 $0x380;
	[sflag:s6] =	ssyncadd.s32 $0xFFFFEC00;
	s25 =	sadd.s32 @!p0 s5, s25  }
0x103: {  	[tilespmem:s29], [sflag:$0xC] =	stream.linear.gather @!p0 [hbm4b:s25+s23], $0x28, $0x38;
	[tilespmem:$0x1E600] =	vst v63  }
0x104: {  	s25 =	rddreg [dreg:$0x1b]  }
0x105: {  	s29 =	simm.s32 @!p0 $0x580;
	s25 =	sadd.s32 @!p0 s5, s25  }
0x106: {  	[tilespmem:s29], [sflag:$0xC] =	stream.linear.gather @!p0 [hbm4b:s25+s23], $0x28, $0x38;
	[tilespmem:$0x1E600] =	vst v63  }
.Ltmp4:
0x107: {  	s23 =	simm.s32 @!p0 $0x8;
	(pc) =	sbr.rel .LBB2_4-.Ltmp4, $4  }
0x108: {  	_ =	swait.ge @!p0 [sflag:s23], $0x50  }
0x109: {  	s22 =	sadd.s32 $0x140, s22;
	[sflag:s23] =	ssyncset.done @!p0 $0x0  }
0x10a: {  	s5 =	sadd.s32 $0x28, s5;
	[sflag:s23] =	ssyncadd.s32 @!p0 $0xFFFFFFB0;
	s23 =	simm.s32 @!p0 $0x7E00  }
0x10b: {  	[tilespmem:s23], [sflag:$0x4] =	stream.indirect.gather @!p0 [hbm4b:s0+s24], $0x80, s26, s24, $0xb8;
	[tilespmem:$0x1E600] =	vst v63  }
.LBB2_7:
0x10c: {  	_ =	sfence.sel $0x180000  }
0x10d: {  	[bflag:$0x0] =	sbarrier.arrive $0xFFFF  }
0x10e: {  	_ =	strace $0x90000047  }
0x10f: {  	s0 =	stileid.u32;
	[bflag:$0x2] =	sbarrier.arrive $0xFFFF  }
0x110: {  	p0 =	sne.s32 s0, $0x0;
	s0 =	rddreg [dreg:$0x3]  }
0x111: {  	s0 =	sadd.s32 @!p0 $0x100000, s0  }
0x112: {  	[sflag:s0] =	ssyncadd.tile.s32 @!p0 $0x1;
	_ =	shalt  }
.Lfunc_end2:
_tile_overlayer_lowered:
.L_overlay_start_2:
0x113: {  	(tag) =	ssettag $0x2  }
0x114: {  	s0 =	rddreg [dreg:$0x0];
	s2 =	stileid.u32  }
0x115: {  	s1 =	rddreg [dreg:$0x1];
	p0 =	sne.s32 s2, $0x0  }
0x116: {  	s3 =	rddreg [dreg:$0x2];
	[bflag:$0x3] =	sbarrier.arrive $0xFFFF;
	s2 =	simm.s32 @!p0 $0x1C11  }
0x117: {  	[timem:s3], [sflag:s2] =	dma.local @!p0 [hbm:s0], s1  }
0x118: {  	s0 =	simm.s32 @!p0 $0x11  }
0x119: {  	_ =	swait.ge @!p0 [sflag:s0], s1  }
0x11a: {  	s1 =	ssub.s32 @!p0 $0x0, s1;
	[sflag:s0] =	ssyncset.done @!p0 $0x0  }
0x11b: {  	[sflag:s0] =	ssyncadd.s32 @!p0 s1  }
0x11c: {  	[bflag:$0x3] =	sbarrier.arrive $0xFFFF  }
0x11d: {  	_ =	shalt  }

// kernel: kernel.9.cloned.1.call-start
scs
__scs_entry_jumppad:
0x0: {  	(pc) =	sbr.rel $0x88, $3  }
0x1: {  	(tag) =	ssettag $0x0;
	lr =	simm.s32 $0x1  }
0x2: {  	[smem:$0x3F90] =	sst lr;
	_ =	strace $0xD0000000  }
0x3: {  	_ = 	snop  }
0x4: {  	_ = 	snop  }
0x5: {  	_ = 	snop  }
0x6: {  	_ = 	snop  }
0x7: {  	_ = 	snop  }
__scs_overlays_trampoline_lowered:
0x8: {  	[smem:$0x3F9F] =	sst s0  }
0x9: {  	[smem:$0x3FA0] =	sst s1  }
0xa: {  	[smem:$0x3FA1] =	sst s2  }
0xb: {  	[smem:$0x3FA2] =	sst s3  }
0xc: {  	[smem:$0x3FA3] =	sst s4  }
0xd: {  	[smem:$0x3FA4] =	sst s5  }
0xe: {  	[smem:$0x3FA5] =	sst s6  }
0xf: {  	[smem:$0x3FA6] =	sst s7  }
0x10: {  	[smem:$0x3FA7] =	sst s8  }
0x11: {  	[smem:$0x3FA8] =	sst s9;
	s0 =	simm.s32 @!p0 $0x0  }
0x12: {  	s1 =	sld [smem:$0x3F8E];
	s0 =	simm.s32 @p0 $0x1  }
0x13: {  	[smem:$0x3FA9] =	sst s0;
	s0 =	simm.s32 @!p1 $0x0  }
0x14: {  	s2 =	sld [smem:$0x3F8D];
	s0 =	simm.s32 @p1 $0x1  }
0x15: {  	[smem:$0x3FAA] =	sst s0;
	s0 =	simm.s32 @!p2 $0x0  }
0x16: {  	s3 =	sld [smem:$0x3FDB];
	s0 =	simm.s32 @p2 $0x1  }
0x17: {  	s4 =	simm.s32 $0x1BF5;
	[smem:$0x3FAC] =	sst s0  }
0x18: {  	s0 =	sld [smem:$0x3F8F];
	_ =	swait.ge [sflag:s4], $0x0  }
0x19: {  	s7 =	sld [smem:$0x3F90]  }
0x1a: {  	s8 =	sadd.s32 $0xFFFFE003, lr  }
0x1b: {  	s9 =	sadd.s32 $0xFFFFFEF7, lr;
	s5 =	simm.s32 $0xFFFFFFFF;
	p2 =	slt.u32 s8, $0xFFFFF086  }
0x1c: {  	p1 =	slt.u32 s9, $0xF7A;
	s5 =	simm.s32 @!p2 $0x0  }
0x1d: {  	s5 =	simm.s32 @p1 $0x1;
	p0 =	seq.s32 s7, s2  }
0x1e: {  	s7 =	smul.u32 @!p0 $0xF7A, s2;
	p2 =	seq.s32 @!p0 s5, $0x0  }
0x1f: {  	s9 =	smul.u32 $0xF7A, s1;
	s8 =	simm.s32 @!p0 $0x1BF5;
	p2 =	por !p2, p0  }
0x20: {  	[sflag:s8] =	ssyncset.s32 @!p0 $0xFFFFF086;
	s6 =	sadd.s32 @!p0 s3, s7;
	s7 =	simm.s32 @!p0 $0x108  }
0x21: {  	s3 =	sadd.s32 s3, s9;
	s6 =	sadd.s32 @!p0 $0x88, s6;
	s7 =	simm.s32 @p2 $0x1082  }
0x22: {  	[simem:s7], [sflag:s8] =	dma.local @!p0 [hbm:s6], $0xF7A  }
0x23: {  	s9 =	sor.u32 $0xD0000000, s2;
	s6 =	simm.s32 $0x108;
	_ =	swait.ge @!p0 [sflag:s8], $0x0  }
0x24: {  	s3 =	sadd.s32 $0x88, s3;
	s6 =	simm.s32 @!p1 $0x1082;
	[sflag:s4] =	ssyncset.s32 $0xFFFFF086  }
0x25: {  	[simem:s6], [sflag:s4] =	dma.local [hbm:s3], $0xF7A  }
0x26: {  	[smem:$0x3F90] =	sst s1;
	(tag) =	ssettag s2;
	_ =	strace s9  }
0x27: {  	s1 =	sld [smem:$0x3FA0]  }
0x28: {  	s2 =	sld [smem:$0x3FA1]  }
0x29: {  	s4 =	sld [smem:$0x3FA3]  }
0x2a: {  	p0 =	seq.s32 s5, $0x0;
	s5 =	sld [smem:$0x3FA4]  }
0x2b: {  	s6 =	sld [smem:$0x3FA5]  }
0x2c: {  	s7 =	sld [smem:$0x3FA6]  }
0x2d: {  	s3 =	simm.s32 $0x108;
	s8 =	sld [smem:$0x3FA7]  }
0x2e: {  	s3 =	simm.s32 @!p0 $0x1082;
	s9 =	sld [smem:$0x3FA8]  }
0x2f: {  	lr =	sadd.s32 s0, s3;
	s0 =	sld [smem:$0x3F9F]  }
0x30: {  	s3 =	sld [smem:$0x3FA2]  }
0x31: {  	[smem:$0x3FAB] =	sst s10  }
0x32: {  	s10 =	sld [smem:$0x3FA9];
	_ =	sdelay $0x3  }
0x33: {  	p0 =	seq.s32 s10, $0x1;
	s10 =	sld [smem:$0x3FAB];
	_ =	sdelay $0x3  }
0x34: {  	[smem:$0x3FAB] =	sst s10  }
0x35: {  	s10 =	sld [smem:$0x3FAA];
	_ =	sdelay $0x3  }
0x36: {  	p1 =	seq.s32 s10, $0x1;
	s10 =	sld [smem:$0x3FAB];
	_ =	sdelay $0x3  }
0x37: {  	[smem:$0x3FAB] =	sst s10  }
0x38: {  	s10 =	sld [smem:$0x3FAC]  }
0x39: {  	_ = 	snop;
	(pc) =	sbr.ind lr, $3  }
0x3a: {  	_ = 	snop  }
0x3b: {  	_ = 	snop  }
0x3c: {  	p2 =	seq.s32 s10, $0x1;
	s10 =	sld [smem:$0x3FAB]  }
0x3d: {  	_ =	shalt  }
0x3e: {  	_ =	shalt  }
0x3f: {  	_ =	shalt  }
0x40: {  	_ =	shalt  }
0x41: {  	_ =	shalt  }
0x42: {  	_ =	shalt  }
0x43: {  	_ =	shalt  }
0x44: {  	_ =	shalt  }
0x45: {  	_ =	shalt  }
0x46: {  	_ =	shalt  }
0x47: {  	_ =	shalt  }
0x48: {  	_ =	shalt  }
0x49: {  	_ =	shalt  }
0x4a: {  	_ =	shalt  }
0x4b: {  	_ =	shalt  }
0x4c: {  	_ =	shalt  }
0x4d: {  	_ =	shalt  }
0x4e: {  	_ =	shalt  }
0x4f: {  	_ =	shalt  }
0x50: {  	_ =	shalt  }
0x51: {  	_ =	shalt  }
0x52: {  	_ =	shalt  }
0x53: {  	_ =	shalt  }
0x54: {  	_ =	shalt  }
0x55: {  	_ =	shalt  }
0x56: {  	_ =	shalt  }
0x57: {  	_ =	shalt  }
0x58: {  	_ =	shalt  }
0x59: {  	_ =	shalt  }
0x5a: {  	_ =	shalt  }
0x5b: {  	_ =	shalt  }
0x5c: {  	_ =	shalt  }
0x5d: {  	_ =	shalt  }
0x5e: {  	_ =	shalt  }
0x5f: {  	_ =	shalt  }
0x60: {  	_ =	shalt  }
0x61: {  	_ =	shalt  }
0x62: {  	_ =	shalt  }
0x63: {  	_ =	shalt  }
0x64: {  	_ =	shalt  }
0x65: {  	_ =	shalt  }
0x66: {  	_ =	shalt  }
0x67: {  	_ =	shalt  }
0x68: {  	_ =	shalt  }
0x69: {  	_ =	shalt  }
0x6a: {  	_ =	shalt  }
0x6b: {  	_ =	shalt  }
0x6c: {  	_ =	shalt  }
0x6d: {  	_ =	shalt  }
0x6e: {  	_ =	shalt  }
0x6f: {  	_ =	shalt  }
0x70: {  	_ =	shalt  }
0x71: {  	_ =	shalt  }
0x72: {  	_ =	shalt  }
0x73: {  	_ =	shalt  }
0x74: {  	_ =	shalt  }
0x75: {  	_ =	shalt  }
0x76: {  	_ =	shalt  }
0x77: {  	_ =	shalt  }
0x78: {  	_ =	shalt  }
0x79: {  	_ =	shalt  }
0x7a: {  	_ =	shalt  }
0x7b: {  	_ =	shalt  }
0x7c: {  	_ =	shalt  }
0x7d: {  	_ =	shalt  }
0x7e: {  	_ =	shalt  }
0x7f: {  	_ =	shalt  }
0x80: {  	_ =	shalt  }
0x81: {  	_ =	shalt  }
0x82: {  	_ =	shalt  }
0x83: {  	_ =	shalt  }
0x84: {  	_ =	shalt  }
0x85: {  	_ =	shalt  }
0x86: {  	_ =	shalt  }
0x87: {  	_ =	shalt  }
.Lfunc_end0:
.L_simem_size_0:
called_computation.1_lowered:
.L_overlay_start_0:
0x88: {  	s2 =	sld [smem:$0x3FD9]  }
0x89: {  	s3 =	sld [smem:$0x3FFE];
	_ =	sdelay $0x1  }
0x8a: {  	s1 =	srdreg.scid  }
0x8b: {  	s0 =	sand.u32 $0x1, s1  }
0x8c: {  	s16 =	sshll.u32 s0, $0xA;
	s2 =	sadd.s32 s3, s2  }
0x8d: {  	s2 =	sadd.s32 s2, s16  }
0x8e: {  	[smem:$0x3FB7] =	sst s2  }
0x8f: {  	_ = 	snop  }
0x90: {  	(tm) =	ssettm $0x1  }
0x91: {  	s17 =	sld [smem:$0x3FFB];
	_ =	sdelay $0x3  }
0x92: {  	_ =	strace s17  }
0x93: {  	s2 =	sld [smem:$0x3FFC];
	_ =	sdelay $0x3  }
0x94: {  	_ =	strace s2  }
0x95: {  	s2 =	sld [smem:$0x3FFD];
	_ =	sdelay $0x3  }
0x96: {  	_ =	strace s2  }
0x97: {  	_ =	strace $0x8FFFFFFF  }
0x98: {  	s18 =	sld [smem:$0x3FDB];
	_ =	sdelay $0x1  }
0x99: {  	s19 =	simm.s32 $_scs_section_size  }
0x9a: {  	s4 =	simm.s32 $_size__tile_overlayer_lowered;
	s5 =	simm.s32 $_tile_overlayer_lowered  }
0x9b: {  	s22 =	simm.s32 $0x1BFF;
	s21 =	sshll.u32 s5, $0x1;
	s2 =	sadd.s32 s19, s18  }
0x9c: {  	s6 =	simm.s32 $0x0;
	s20 =	sshll.u32 s4, $0x1;
	s4 =	sadd.s32 s21, s2  }
0x9d: {  	[timem:s6], [sflag:s22] =	dma.local [hbm:s4], s20  }
0x9e: {  	_ =	swait.ge [sflag:s22], s20  }
0x9f: {  	s3 =	ssub.s32 $0x0, s20;
	[sflag:s22] =	ssyncset.done $0x0  }
0xa0: {  	[sflag:s22] =	ssyncadd.s32 s3;
	_ =	sdelay $0x1  }
0xa1: {  	s23 =	simm.s32 $0x1B8B  }
0xa2: {  	_ =	swait.ge [sflag:s23], $0x1  }
0xa3: {  	[sflag:s23] =	ssyncset.done $0x0  }
0xa4: {  	s25 =	simm.s32 $0x1B8E;
	s24 =	sld [smem:$0x3FFE];
	[sflag:s23] =	ssyncadd.s32 $0xFFFFFFFF  }
0xa5: {  	s26 =	simm.s32 $execute0_lowered;
	[smem:$0x3FD2] =	sst s25  }
0xa6: {  	s4 =	sshll.u32 s26, $0x1;
	_ =	strace $0x80000049;
	[dreg:$0x1] =	wrdreg $0xFFFFFFFF  }
0xa7: {  	s28 =	simm.s32 $_size_execute0_lowered;
	s2 =	sadd.s32 s2, s4;
	[dreg:$0x0] =	wrdreg $0x0  }
0xa8: {  	s4 =	sshll.u32 s28, $0x1;
	[dreg:$0x2] =	wrdreg s2  }
0xa9: {  	[dreg:$0x3] =	wrdreg s4  }
0xaa: {  	[dreg:$0x4] =	wrdreg $0xC0  }
0xab: {  	_ =	task [dreg:s6], $0x5FFFF  }
0xac: {  	[dreg:$0x1] =	wrdreg $0xFFFFFFFF  }
0xad: {  	[dreg:$0x0] =	wrdreg $0x60  }
0xae: {  	[dreg:$0x2] =	wrdreg s24  }
0xaf: {  	[dreg:$0x3] =	wrdreg $0xA6000  }
0xb0: {  	[dreg:$0x4] =	wrdreg $0x9  }
0xb1: {  	_ =	task.clear_ibuf [dreg:s6], $0x5FFFF;
	_ =	strace $0x90000049  }
0xb2: {  	s29 =	simm.s32 $0x9;
	_ =	strace $0x8000004B  }
0xb3: {  	_ =	swait.ge [sflag:s29], $0x1  }
0xb4: {  	[sflag:s29] =	ssyncadd.s32 $0xFFFFFFFF  }
0xb5: {  	_ =	strace $0x9000004B  }
0xb6: {  	_ =	sfence  }
0xb7: {  	s30 =	sld [smem:$0x0];
	_ =	sdelay $0x2  }
0xb8: {  	s31 =	sshll.u32 s1, $0xD;
	s1 =	sshrl.u32 s1, $0x2  }
0xb9: {  	s3 =	sand.u32 $0x4000, s31;
	s1 =	sadd.s32 s1, s30  }
0xba: {  	s0 =	sor.u32 s3, s0;
	s1 =	sshll.u32 s1, $0x11  }
0xbb: {  	s0 =	sor.u32 s1, s0  }
0xbc: {  	s0 =	sadd.s32 $0x8F2B, s0  }
0xbd: {  	[sflag:s0] =	ssyncadd.remote.s32 $0x1  }
0xbe: {  	_ =	sfence.sel $0xFFFF  }
0xbf: {  	[dreg:$0x0] =	wrdreg $0xFFFFFFFF;
	(pc) =	sbr.abs _section_cstart, $3  }
0xc0: {  	[dreg:$0x1] =	wrdreg $0xFFFFFFFF  }
0xc1: {  	_ =	task.clear_ibuf [dreg:s6], $0x2FFFF;
	_ =	strace $0x9FFFFFFF  }
0xc2: {  	(tm) =	ssettm $0x7FFFFFFF  }
0xc3: {  	_ =	shalt  }
tec
execute0_lowered:
.L_overlay_start_1:
0x0: {  	(tag) =	ssettag $0x1  }
0x1: {  	s0 =	rddreg [dreg:$0x0]  }
0x2: {  	s1 =	rddreg [dreg:$0x1]  }
0x3: {  	s2 =	srdreg.scid;
	s3 =	simm.s32 $0x0;
	s11 =	stileid.u32  }
0x4: {  	s28 =	simm.s32 $0x2;
	s2 =	sand.u32 $0x1, s2;
	s6 =	smul.u32 $0x14000, s11  }
0x5: {  	[smem:$0x7FF] =	sst s3;
	s7 =	sshll.u32 s11, $0x1;
	s18 =	smul.u32 $0x50000, s11  }
0x6: {  	s4 =	sadd.s32 $0x16A00, s0;
	s12 =	sadd.s32 $0xCC00, s0;
	s19 =	smul.u32 $0x4E20, s11  }
0x7: {  	s13 =	sadd.s32 $0x2E00, s0;
	s5 =	smul.u32 $0x140000, s2;
	_ =	strace $0x8000004A  }
0x8: {  	s21 =	sor.u32 s2, s7;
	s22 =	ssub.s32 $0x2, s2;
	s2 =	smul.u32 $0x2710, s2  }
0x9: {  	s31 =	smov.u32 s13;
	s5 =	sadd.s32 s6, s5;
	s6 =	smul.u32 $0x2710, s21  }
0xa: {  	s30 =	smov.u32 s12;
	s23 =	sshrl.u32 s22, $0x1;
	s5 =	sshrl.u32 s5, $0x3  }
0xb: {  	s21 =	sshrl.u32 s18, $0x2;
	s0 =	sadd.s32 s5, s0;
	s8 =	sshrl.u32 s6, $0x3  }
0xc: {  	s9 =	sadd.s32 $0x28, s6;
	s5 =	ssub.s32 s22, s23;
	s14 =	sadd.s32 $0x78, s6  }
0xd: {  	s23 =	sadd.s32 s21, s1;
	s22 =	sadd.s32 s2, s19;
	s24 =	sadd.s32 s12, s8  }
0xe: {  	s25 =	sshrl.u32 s9, $0x3;
	s26 =	sadd.s32 s13, s8;
	[dreg:$0xf] =	wrdreg s23  }
0xf: {  	s29 =	sadd.s32 $0xA, s8;
	s15 =	sadd.s32 $0x14, s8;
	[dreg:$0x3] =	wrdreg s24  }
0x10: {  	s8 =	sadd.s32 $0x1E, s8;
	s0 =	sadd.s32 $0x3DC00, s0;
	[dreg:$0x4] =	wrdreg s26  }
0x11: {  	s21 =	sadd.s32 $0x5000, s23;
	s7 =	sadd.s32 s13, s25;
	[dreg:$0x10] =	wrdreg s0  }
0x12: {  	s10 =	sadd.s32 s12, s29;
	s16 =	sadd.s32 s12, s15;
	[dreg:$0x1c] =	wrdreg s21  }
0x13: {  	s9 =	sadd.s32 s13, s15;
	s20 =	sadd.s32 s12, s8;
	[dreg:$0x5] =	wrdreg s7  }
0x14: {  	s8 =	sadd.s32 s13, s8;
	s24 =	smax.u32 s5, $0x1;
	[dreg:$0x6] =	wrdreg s10  }
0x15: {  	s25 =	sadd.s32 $0x168, s22;
	s26 =	sadd.s32 $0x1B8, s22;
	[dreg:$0x9] =	wrdreg s16  }
0x16: {  	s15 =	sadd.s32 $0x258, s22;
	s0 =	sadd.s32 $0x230, s22;
	[dreg:$0xa] =	wrdreg s9  }
0x17: {  	s21 =	simm.s32 $0xD;
	s7 =	sadd.s32 s13, s29;
	[dreg:$0xc] =	wrdreg s20  }
0x18: {  	s10 =	sadd.s32 $0xC8, s6;
	s6 =	sadd.s32 $0x118, s6;
	[dreg:$0xd] =	wrdreg s8  }
0x19: {  	[dreg:$0x11] =	wrdreg s24;
	s2 =	sshrl.u32 s25, $0x3;
	s29 =	sadd.s32 $0x190, s22  }
0x1a: {  	s5 =	sshrl.u32 s26, $0x3;
	s8 =	sadd.s32 $0x1E0, s22;
	s9 =	sadd.s32 $0x208, s22  }
0x1b: {  	s20 =	sadd.s32 $0x2800, s23;
	s24 =	sadd.s32 $0xA000, s23;
	[dreg:$0x7] =	wrdreg s7  }
0x1c: {  	s25 =	sadd.s32 $0xC800, s23;
	s26 =	sadd.s32 $0xF000, s23;
	[dreg:$0x1b] =	wrdreg s20  }
0x1d: {  	s7 =	sshrl.u32 s14, $0x3;
	s17 =	sshrl.u32 s10, $0x3;
	[dreg:$0x1e] =	wrdreg s24  }
0x1e: {  	s6 =	sshrl.u32 s6, $0x3;
	s2 =	sadd.s32 s2, s13;
	[dreg:$0x1f] =	wrdreg s25  }
0x1f: {  	s5 =	sadd.s32 s5, s13;
	s10 =	sshrl.u32 s8, $0x3;
	[smem:$0x7FC] =	sst s26  }
0x20: {  	s11 =	sshrl.u32 s9, $0x3;
	s14 =	sadd.s32 $0x140, s22;
	[dreg:$0x12] =	wrdreg s2  }
0x21: {  	s22 =	sadd.s32 $0x7800, s23;
	s24 =	simm.s32 $0x80;
	[dreg:$0x13] =	wrdreg s5  }
0x22: {  	s8 =	simm.s32 $0xA;
	s20 =	simm.s32 $0xE;
	[dreg:$0x17] =	wrdreg s14  }
0x23: {  	s9 =	simm.s32 $0xB;
	s7 =	sadd.s32 s13, s7;
	[dreg:$0x1d] =	wrdreg s22  }
0x24: {  	s6 =	sadd.s32 s13, s6;
	s5 =	sadd.s32 s11, s13;
	[dreg:$0x8] =	wrdreg s7  }
0x25: {  	s16 =	sadd.s32 s10, s13;
	s14 =	simm.s32 $0x200;
	[dreg:$0xe] =	wrdreg s6  }
0x26: {  	s11 =	simm.s32 $0x9;
	s7 =	sadd.s32 s13, s17;
	[dreg:$0x16] =	wrdreg s5  }
0x27: {  	s6 =	sshrl.u32 s29, $0x3;
	s5 =	sshrl.u32 s15, $0x3;
	[dreg:$0x18] =	wrdreg s16  }
0x28: {  	s17 =	sshrl.u32 s0, $0x3;
	s29 =	sadd.s32 $0x11800, s23;
	s15 =	simm.s32 $0x400  }
0x29: {  	s16 =	simm.s32 $0x5;
	s0 =	simm.s32 $0x0;
	[dreg:$0xb] =	wrdreg s7  }
0x2a: {  	s7 =	sadd.s32 s6, s13;
	s2 =	sadd.s32 s6, s12;
	[smem:$0x7FD] =	sst s29  }
0x2b: {  	s18 =	sadd.s32 s5, s13;
	s19 =	sadd.s32 s17, s13;
	[dreg:$0x14] =	wrdreg s7  }
.Ltmp0:
0x2c: {  	s13 =	simm.s32 $0x3;
	[dreg:$0x15] =	wrdreg s2;
	(pc) =	sbr.rel .LBB2_1-.Ltmp0, $4  }
0x2d: {  	s6 =	simm.s32 $0x10;
	s2 =	sadd.s32 s10, s12;
	[dreg:$0x1a] =	wrdreg s18  }
0x2e: {  	[smem:$0x7FB] =	sst s19;
	s10 =	simm.s32 $0x600;
	s19 =	simm.s32 $0x1  }
0x2f: {  	s7 =	simm.s32 $0xF;
	s18 =	simm.s32 $0x4;
	[dreg:$0x19] =	wrdreg s2  }
0x30: {  	v0 =	vimm.f32 $0.0e+00;
	s2 =	sadd.s32 s17, s12;
	s17 =	simm.s32 $0x28;
	s12 =	simm.s32 $0xC  }
.LBB2_6:
0x31: {  	s5 =	stileid.u32;
	[bflag:$0x0] =	sbarrier.arrive $0xFFFF  }
0x32: {  	s26 =	simm.s32 $0x11;
	s5 =	sshll.u32 s5, $0x6;
	s23 =	rddreg [dreg:$0xf]  }
0x33: {  	s24 =	rddreg [dreg:$0x10];
	s5 =	sor.u32 $0x1C11, s5;
	s22 =	sshrl.u32 s23, $0x3  }
0x34: {  	[hbm:s24], [sflag:s5] =	dma.local [spmem:s22], $0x2800  }
0x35: {  	_ =	swait.ge [sflag:s26], $0x2800  }
0x36: {  	s0 =	sld [smem:$0x7FA];
	_ =	sdelay $0x2  }
0x37: {  	s29 =	rddreg [dreg:$0x11];
	s0 =	sadd.s32 $0x1, s0  }
0x38: {  	p0 =	sne.s32 s0, s29  }
.Ltmp1:
0x39: {  	_ = 	snop;
	(pc) =	sbr.rel @!p0 .LBB2_7-.Ltmp1, $3  }
0x3a: {  	_ =	sdelay $0x1  }
0x3b: {  	[sflag:s26] =	ssyncset.done $0x0  }
0x3c: {  	s24 =	simm.s32 $0x80;
	[sflag:s26] =	ssyncadd.s32 $0xFFFFD800  }
.LBB2_1:
0x3d: {  	[smem:$0x7FA] =	sst s0  }
0x3e: {  	s5 =	rddreg [dreg:$0x3]  }
0x3f: {  	[tilespmem:s3], [sflag:$0x5] =	stream.linear.gather [hbm4b:s5+s3], $0x50, $0x38;
	[tilespmem:$0x1E600] =	vst v63  }
0x40: {  	s0 =	rddreg [dreg:$0x4]  }
0x41: {  	[tilespmem:s14], [sflag:$0x9] =	stream.linear.gather [hbm4b:s0+s3], $0x28, $0x38;
	[tilespmem:$0x1E600] =	vst v63  }
0x42: {  	s22 =	rddreg [dreg:$0x5]  }
0x43: {  	[tilespmem:s15], [sflag:$0x9] =	stream.linear.gather [hbm4b:s22+s3], $0x28, $0x38;
	[tilespmem:$0x1E600] =	vst v63  }
0x44: {  	s25 =	rddreg [dreg:$0x6]  }
0x45: {  	[tilespmem:s24], [sflag:$0x6] =	stream.linear.gather [hbm4b:s25+s3], $0x50, $0x38;
	[tilespmem:$0x1E600] =	vst v63  }
0x46: {  	s26 =	rddreg [dreg:$0x7];
	s22 =	simm.s32 $0x280  }
0x47: {  	[tilespmem:s22], [sflag:$0xA] =	stream.linear.gather [hbm4b:s26+s3], $0x28, $0x38;
	[tilespmem:$0x1E600] =	vst v63  }
0x48: {  	s29 =	rddreg [dreg:$0x8];
	s0 =	simm.s32 $0x480  }
0x49: {  	[tilespmem:s0], [sflag:$0xA] =	stream.linear.gather [hbm4b:s29+s3], $0x28, $0x38;
	[tilespmem:$0x1E600] =	vst v63  }
0x4a: {  	s25 =	rddreg [dreg:$0x9];
	s26 =	simm.s32 $0x100  }
0x4b: {  	[tilespmem:s26], [sflag:$0x7] =	stream.linear.gather [hbm4b:s25+s3], $0x50, $0x38;
	[tilespmem:$0x1E600] =	vst v63  }
0x4c: {  	s29 =	rddreg [dreg:$0xa];
	s0 =	simm.s32 $0x300  }
0x4d: {  	[tilespmem:s0], [sflag:$0xB] =	stream.linear.gather [hbm4b:s29+s3], $0x28, $0x38;
	[tilespmem:$0x1E600] =	vst v63  }
0x4e: {  	s25 =	rddreg [dreg:$0xb];
	s26 =	simm.s32 $0x500  }
0x4f: {  	[tilespmem:s26], [sflag:$0xB] =	stream.linear.gather [hbm4b:s25+s3], $0x28, $0x38;
	[tilespmem:$0x1E600] =	vst v63  }
0x50: {  	s29 =	rddreg [dreg:$0xc];
	s0 =	simm.s32 $0x180  }
0x51: {  	[tilespmem:s0], [sflag:$0x8] =	stream.linear.gather [hbm4b:s29+s3], $0x50, $0x38;
	[tilespmem:$0x1E600] =	vst v63  }
0x52: {  	s5 =	simm.s32 $0x0;
	s22 =	rddreg [dreg:$0xd];
	s25 =	simm.s32 $0x380  }
0x53: {  	[tilespmem:s25], [sflag:$0xC] =	stream.linear.gather [hbm4b:s22+s3], $0x28, $0x38;
	[tilespmem:$0x1E600] =	vst v63  }
0x54: {  	s26 =	rddreg [dreg:$0xe];
	s29 =	simm.s32 $0x580;
	s22 =	simm.s32 $0x200  }
0x55: {  	[tilespmem:s29], [sflag:$0xC] =	stream.linear.gather [hbm4b:s26+s3], $0x28, $0x38;
	[tilespmem:$0x1E600] =	vst v63  }
.LBB2_2:
0x56: {  	p0 =	sne.s32 s22, $0x9E00;
	[tilespmem:s5+$0x670] =	vst v0  }
0x57: {  	[tilespmem:s5+$0x600] =	vst v0  }
0x58: {  	[tilespmem:s5+$0x610] =	vst v0  }
.Ltmp2:
0x59: {  	[tilespmem:s5+$0x620] =	vst v0;
	(pc) =	sbr.rel @p0 .LBB2_2-.Ltmp2, $4  }
0x5a: {  	[tilespmem:s5+$0x630] =	vst v0  }
0x5b: {  	[tilespmem:s5+$0x640] =	vst v0  }
0x5c: {  	[tilespmem:s5+$0x650] =	vst v0  }
0x5d: {  	[tilespmem:s5+$0x660] =	vst v0;
	s5 =	sshra.s32 s22, $0x2;
	s22 =	sadd.s32 $0x200, s22  }
0x5e: {  	[tilespmem:s5+$0x670] =	vst v0  }
0x5f: {  	[tilespmem:s5+$0x600] =	vst v0  }
0x60: {  	[tilespmem:s5+$0x610] =	vst v0  }
0x61: {  	[tilespmem:s5+$0x620] =	vst v0  }
0x62: {  	[tilespmem:s5+$0x630] =	vst v0  }
0x63: {  	[tilespmem:s5+$0x640] =	vst v0  }
0x64: {  	[tilespmem:s5+$0x650] =	vst v0  }
0x65: {  	[tilespmem:s5+$0x660] =	vst v0;
	s22 =	simm.s32 $0x11  }
0x66: {  	[spmem:s23] =	stream.linear.scatter [tilespmem:s10], [sflag:$0x11], $0x2800, $0x38;
	[tilespmem:$0x1E600] =	vst v63  }
0x67: {  	_ =	swait.ge [sflag:s22], $0x2800  }
0x68: {  	[sflag:s22] =	ssyncset.done $0x0  }
0x69: {  	s23 =	rddreg [dreg:$0x1b];
	[sflag:s22] =	ssyncadd.s32 $0xFFFFD800  }
0x6a: {  	[spmem:s23] =	stream.linear.scatter [tilespmem:s10], [sflag:$0x11], $0x2800, $0x38;
	[tilespmem:$0x1E600] =	vst v63  }
0x6b: {  	_ =	swait.ge [sflag:s22], $0x2800  }
0x6c: {  	[sflag:s22] =	ssyncset.done $0x0  }
0x6d: {  	s25 =	rddreg [dreg:$0x1c];
	[sflag:s22] =	ssyncadd.s32 $0xFFFFD800  }
0x6e: {  	[spmem:s25] =	stream.linear.scatter [tilespmem:s10], [sflag:$0x11], $0x2800, $0x38;
	[tilespmem:$0x1E600] =	vst v63  }
0x6f: {  	_ =	swait.ge [sflag:s22], $0x2800  }
0x70: {  	[sflag:s22] =	ssyncset.done $0x0  }
0x71: {  	s26 =	rddreg [dreg:$0x1d];
	[sflag:s22] =	ssyncadd.s32 $0xFFFFD800  }
0x72: {  	[spmem:s26] =	stream.linear.scatter [tilespmem:s10], [sflag:$0x11], $0x2800, $0x38;
	[tilespmem:$0x1E600] =	vst v63  }
0x73: {  	_ =	swait.ge [sflag:s22], $0x2800  }
0x74: {  	[sflag:s22] =	ssyncset.done $0x0  }
0x75: {  	s29 =	rddreg [dreg:$0x1e];
	[sflag:s22] =	ssyncadd.s32 $0xFFFFD800  }
0x76: {  	[spmem:s29] =	stream.linear.scatter [tilespmem:s10], [sflag:$0x11], $0x2800, $0x38;
	[tilespmem:$0x1E600] =	vst v63  }
0x77: {  	_ =	swait.ge [sflag:s22], $0x2800  }
0x78: {  	[sflag:s22] =	ssyncset.done $0x0  }
0x79: {  	s0 =	rddreg [dreg:$0x1f];
	[sflag:s22] =	ssyncadd.s32 $0xFFFFD800  }
0x7a: {  	[spmem:s0] =	stream.linear.scatter [tilespmem:s10], [sflag:$0x11], $0x2800, $0x38;
	[tilespmem:$0x1E600] =	vst v63  }
0x7b: {  	_ =	swait.ge [sflag:s22], $0x2800  }
0x7c: {  	s23 =	sld [smem:$0x7FC]  }
0x7d: {  	[sflag:s22] =	ssyncset.done $0x0  }
0x7e: {  	[sflag:s22] =	ssyncadd.s32 $0xFFFFD800  }
0x7f: {  	[spmem:s23] =	stream.linear.scatter [tilespmem:s10], [sflag:$0x11], $0x2800, $0x38;
	[tilespmem:$0x1E600] =	vst v63  }
0x80: {  	_ =	swait.ge [sflag:s22], $0x2800  }
0x81: {  	s25 =	sld [smem:$0x7FD]  }
0x82: {  	[sflag:s22] =	ssyncset.done $0x0  }
0x83: {  	[sflag:s22] =	ssyncadd.s32 $0xFFFFD800  }
0x84: {  	[spmem:s25] =	stream.linear.scatter [tilespmem:s10], [sflag:$0x11], $0x2800, $0x38;
	[tilespmem:$0x1E600] =	vst v63  }
0x85: {  	_ =	swait.ge [sflag:s22], $0x2800  }
0x86: {  	[sflag:s22] =	ssyncset.done $0x0  }
0x87: {  	[sflag:s22] =	ssyncadd.s32 $0xFFFFD800  }
0x88: {  	_ =	swait.ge [sflag:s16], $0x50  }
0x89: {  	s5 =	simm.s32 $0x0;
	[sflag:s16] =	ssyncset.done $0x0  }
0x8a: {  	s0 =	simm.s32 $0x6;
	s23 =	simm.s32 $0x50;
	[sflag:s16] =	ssyncadd.s32 $0xFFFFFFB0  }
0x8b: {  	[tilespmem:s10], [sflag:$0x1] =	stream.indirect.gather [hbm4b:s4+s23], $0x80, s5, s23, $0xb8;
	[tilespmem:$0x1E600] =	vst v63  }
0x8c: {  	_ =	swait.ge [sflag:s0], $0x50  }
0x8d: {  	[sflag:s0] =	ssyncset.done $0x0  }
0x8e: {  	s26 =	simm.s32 $0x2E00;
	s29 =	simm.s32 $0x7;
	[sflag:s0] =	ssyncadd.s32 $0xFFFFFFB0  }
0x8f: {  	[tilespmem:s26], [sflag:$0x2] =	stream.indirect.gather [hbm4b:s4+s23], $0x80, s24, s23, $0xb8;
	[tilespmem:$0x1E600] =	vst v63  }
0x90: {  	_ =	swait.ge [sflag:s29], $0x50  }
0x91: {  	s25 =	simm.s32 $0x8;
	[sflag:s29] =	ssyncset.done $0x0  }
0x92: {  	s0 =	simm.s32 $0x100;
	s24 =	simm.s32 $0x5600;
	[sflag:s29] =	ssyncadd.s32 $0xFFFFFFB0  }
0x93: {  	[tilespmem:s24], [sflag:$0x3] =	stream.indirect.gather [hbm4b:s4+s23], $0x80, s0, s23, $0xb8;
	[tilespmem:$0x1E600] =	vst v63  }
0x94: {  	_ =	swait.ge [sflag:s25], $0x50  }
0x95: {  	[sflag:s25] =	ssyncset.done $0x0  }
0x96: {  	s26 =	simm.s32 $0x180;
	s29 =	simm.s32 $0x7E00;
	[sflag:s25] =	ssyncadd.s32 $0xFFFFFFB0  }
0x97: {  	[tilespmem:s29], [sflag:$0x4] =	stream.indirect.gather [hbm4b:s4+s23], $0x80, s26, s23, $0xb8;
	[tilespmem:$0x1E600] =	vst v63  }
0x98: {  	[bflag:$0x0] =	sbarrier.arrive $0xFFFF  }
0x99: {  	s0 =	simm.s32 $0x50;
	s22 =	rddreg [dreg:$0x17]  }
.LBB2_4:
0x9a: {  	_ =	swait.ge [sflag:s19], $0x2800;
	p0 =	seq.s32 s5, $0x4D8  }
0x9b: {  	[sflag:s19] =	ssyncset.done $0x0;
	s23 =	sshrl.u32 @!p0 s22, $0x3  }
0x9c: {  	s24 =	simm.s32 @!p0 $0x0;
	[sflag:s19] =	ssyncadd.s32 $0xFFFFD800;
	s23 =	sadd.s32 @!p0 s30, s23  }
0x9d: {  	[tilespmem:s24], [sflag:$0x5] =	stream.linear.gather @!p0 [hbm4b:s23+s24], $0x50, $0x38;
	[tilespmem:$0x1E600] =	vst v63  }
0x9e: {  	_ =	swait.ge [sflag:s11], $0x28  }
0x9f: {  	[sflag:s11] =	ssyncset.done $0x0  }
0xa0: {  	[sflag:s11] =	ssyncadd.s32 $0xFFFFFFD8  }
0xa1: {  	_ =	swait.ge [sflag:s11], $0x28  }
0xa2: {  	[sflag:s11] =	ssyncset.done $0x0  }
0xa3: {  	[sflag:s11] =	ssyncadd.s32 $0xFFFFFFD8  }
0xa4: {  	[spmem:s1] =	stream.indirect.scatter.add.f32 [tilespmem:s10], [sflag:$0xD], $0x80, s14, s17, $0xb8;
	[tilespmem:$0x1E600] =	vst v63  }
0xa5: {  	s29 =	simm.s32 $0x1A00  }
0xa6: {  	[spmem:s1] =	stream.indirect.scatter.add.f32 [tilespmem:s29], [sflag:$0xD], $0x80, s15, s17, $0xb8;
	[tilespmem:$0x1E600] =	vst v63  }
0xa7: {  	_ =	swait.ge [sflag:s21], $0x1400  }
.Ltmp3:
0xa8: {  	[sflag:s21] =	ssyncset.done $0x0;
	(pc) =	sbr.rel @p0 .LBB2_6-.Ltmp3, $4  }
0xa9: {  	[sflag:s21] =	ssyncadd.s32 $0xFFFFEC00  }
0xaa: {  	_ =	swait.ge [sflag:s21], $0x1400  }
0xab: {  	[sflag:s21] =	ssyncset.done $0x0  }
0xac: {  	[sflag:s21] =	ssyncadd.s32 $0xFFFFEC00  }
0xad: {  	s23 =	sshrl.u32 s22, $0x3  }
0xae: {  	s26 =	rddreg [dreg:$0x12];
	s23 =	sadd.s32 s31, s23  }
0xaf: {  	[tilespmem:s14], [sflag:$0x9] =	stream.linear.gather [hbm4b:s23+s3], $0x28, $0x38;
	[tilespmem:$0x1E600] =	vst v63  }
0xb0: {  	s23 =	sadd.s32 s5, s26  }
0xb1: {  	[tilespmem:s15], [sflag:$0x9] =	stream.linear.gather [hbm4b:s23+s3], $0x28, $0x38;
	[tilespmem:$0x1E600] =	vst v63  }
0xb2: {  	_ =	swait.ge [sflag:s16], $0x50  }
0xb3: {  	[sflag:s16] =	ssyncset.done $0x0  }
0xb4: {  	[sflag:s16] =	ssyncadd.s32 $0xFFFFFFB0  }
0xb5: {  	[tilespmem:s10], [sflag:$0x1] =	stream.indirect.gather [hbm4b:s4+s0], $0x80, s3, s0, $0xb8;
	[tilespmem:$0x1E600] =	vst v63  }
0xb6: {  	p0 =	seq.s32 s5, $0x4B0;
	_ =	swait.ge [sflag:s28], $0x2800  }
0xb7: {  	s25 =	simm.s32 @!p0 $0x80;
	[sflag:s28] =	ssyncset.done $0x0;
	s23 =	rddreg [dreg:$0x15]  }
0xb8: {  	[sflag:s28] =	ssyncadd.s32 $0xFFFFD800;
	s24 =	sadd.s32 @!p0 s5, s23;
	s23 =	simm.s32 @!p0 $0x0  }
0xb9: {  	[tilespmem:s25], [sflag:$0x6] =	stream.linear.gather @!p0 [hbm4b:s24+s23], $0x50, $0x38;
	[tilespmem:$0x1E600] =	vst v63  }
0xba: {  	_ =	swait.ge [sflag:s8], $0x28  }
0xbb: {  	[sflag:s8] =	ssyncset.done $0x0  }
0xbc: {  	[sflag:s8] =	ssyncadd.s32 $0xFFFFFFD8  }
0xbd: {  	_ =	swait.ge [sflag:s8], $0x28  }
0xbe: {  	[sflag:s8] =	ssyncset.done $0x0  }
0xbf: {  	s29 =	simm.s32 $0x280;
	s26 =	simm.s32 $0x2E00;
	[sflag:s8] =	ssyncadd.s32 $0xFFFFFFD8  }
0xc0: {  	[spmem:s1] =	stream.indirect.scatter.add.f32 [tilespmem:s26], [sflag:$0xE], $0x80, s29, s17, $0xb8;
	[tilespmem:$0x1E600] =	vst v63  }
0xc1: {  	s26 =	simm.s32 $0x480;
	s29 =	simm.s32 $0x4200  }
0xc2: {  	[spmem:s1] =	stream.indirect.scatter.add.f32 [tilespmem:s29], [sflag:$0xE], $0x80, s26, s17, $0xb8;
	[tilespmem:$0x1E600] =	vst v63  }
0xc3: {  	_ =	swait.ge [sflag:s20], $0x1400  }
0xc4: {  	[sflag:s20] =	ssyncset.done $0x0  }
0xc5: {  	[sflag:s20] =	ssyncadd.s32 $0xFFFFEC00  }
0xc6: {  	_ =	swait.ge [sflag:s20], $0x1400  }
0xc7: {  	[sflag:s20] =	ssyncset.done $0x0;
	s24 =	rddreg [dreg:$0x14]  }
0xc8: {  	s26 =	simm.s32 @!p0 $0x280;
	[sflag:s20] =	ssyncadd.s32 $0xFFFFEC00;
	s24 =	sadd.s32 @!p0 s5, s24  }
0xc9: {  	[tilespmem:s26], [sflag:$0xA] =	stream.linear.gather @!p0 [hbm4b:s24+s23], $0x28, $0x38;
	[tilespmem:$0x1E600] =	vst v63  }
0xca: {  	s24 =	rddreg [dreg:$0x13]  }
0xcb: {  	s26 =	simm.s32 @!p0 $0x480;
	s24 =	sadd.s32 @!p0 s5, s24  }
0xcc: {  	[tilespmem:s26], [sflag:$0xA] =	stream.linear.gather @!p0 [hbm4b:s24+s23], $0x28, $0x38;
	[tilespmem:$0x1E600] =	vst v63  }
0xcd: {  	s24 =	simm.s32 @!p0 $0x6  }
0xce: {  	_ =	swait.ge @!p0 [sflag:s24], $0x50  }
0xcf: {  	[sflag:s24] =	ssyncset.done @!p0 $0x0  }
0xd0: {  	s26 =	simm.s32 @!p0 $0x2E00;
	[sflag:s24] =	ssyncadd.s32 @!p0 $0xFFFFFFB0;
	s24 =	simm.s32 @!p0 $0x50  }
0xd1: {  	[tilespmem:s26], [sflag:$0x2] =	stream.indirect.gather @!p0 [hbm4b:s4+s24], $0x80, s25, s24, $0xb8;
	[tilespmem:$0x1E600] =	vst v63  }
0xd2: {  	_ =	swait.ge [sflag:s13], $0x2800  }
0xd3: {  	[sflag:s13] =	ssyncset.done $0x0;
	s25 =	rddreg [dreg:$0x19]  }
0xd4: {  	s26 =	simm.s32 @!p0 $0x100;
	[sflag:s13] =	ssyncadd.s32 $0xFFFFD800;
	s25 =	sadd.s32 @!p0 s5, s25  }
0xd5: {  	[tilespmem:s26], [sflag:$0x7] =	stream.linear.gather @!p0 [hbm4b:s25+s23], $0x50, $0x38;
	[tilespmem:$0x1E600] =	vst v63  }
0xd6: {  	_ =	swait.ge [sflag:s9], $0x28  }
0xd7: {  	[sflag:s9] =	ssyncset.done $0x0  }
0xd8: {  	[sflag:s9] =	ssyncadd.s32 $0xFFFFFFD8  }
0xd9: {  	_ =	swait.ge [sflag:s9], $0x28  }
0xda: {  	[sflag:s9] =	ssyncset.done $0x0  }
0xdb: {  	s29 =	simm.s32 $0x5600;
	s25 =	simm.s32 $0x300;
	[sflag:s9] =	ssyncadd.s32 $0xFFFFFFD8  }
0xdc: {  	[spmem:s1] =	stream.indirect.scatter.add.f32 [tilespmem:s29], [sflag:$0xF], $0x80, s25, s17, $0xb8;
	[tilespmem:$0x1E600] =	vst v63  }
0xdd: {  	s25 =	simm.s32 $0x500;
	s29 =	simm.s32 $0x6A00  }
0xde: {  	[spmem:s1] =	stream.indirect.scatter.add.f32 [tilespmem:s29], [sflag:$0xF], $0x80, s25, s17, $0xb8;
	[tilespmem:$0x1E600] =	vst v63  }
0xdf: {  	_ =	swait.ge [sflag:s7], $0x1400  }
0xe0: {  	[sflag:s7] =	ssyncset.done $0x0  }
0xe1: {  	[sflag:s7] =	ssyncadd.s32 $0xFFFFEC00  }
0xe2: {  	_ =	swait.ge [sflag:s7], $0x1400  }
0xe3: {  	[sflag:s7] =	ssyncset.done $0x0;
	s25 =	rddreg [dreg:$0x18]  }
0xe4: {  	s29 =	simm.s32 @!p0 $0x300;
	[sflag:s7] =	ssyncadd.s32 $0xFFFFEC00;
	s25 =	sadd.s32 @!p0 s5, s25  }
0xe5: {  	[tilespmem:s29], [sflag:$0xB] =	stream.linear.gather @!p0 [hbm4b:s25+s23], $0x28, $0x38;
	[tilespmem:$0x1E600] =	vst v63  }
0xe6: {  	s25 =	rddreg [dreg:$0x16]  }
0xe7: {  	s29 =	simm.s32 @!p0 $0x500;
	s25 =	sadd.s32 @!p0 s5, s25  }
0xe8: {  	[tilespmem:s29], [sflag:$0xB] =	stream.linear.gather @!p0 [hbm4b:s25+s23], $0x28, $0x38;
	[tilespmem:$0x1E600] =	vst v63  }
0xe9: {  	s25 =	simm.s32 @!p0 $0x7  }
0xea: {  	_ =	swait.ge @!p0 [sflag:s25], $0x50  }
0xeb: {  	[sflag:s25] =	ssyncset.done @!p0 $0x0  }
0xec: {  	[sflag:s25] =	ssyncadd.s32 @!p0 $0xFFFFFFB0;
	s25 =	simm.s32 @!p0 $0x5600  }
0xed: {  	[tilespmem:s25], [sflag:$0x3] =	stream.indirect.gather @!p0 [hbm4b:s4+s24], $0x80, s26, s24, $0xb8;
	[tilespmem:$0x1E600] =	vst v63  }
0xee: {  	_ =	swait.ge [sflag:s18], $0x2800  }
0xef: {  	[sflag:s18] =	ssyncset.done $0x0  }
0xf0: {  	s25 =	sadd.s32 @!p0 s5, s2;
	s26 =	simm.s32 @!p0 $0x180;
	[sflag:s18] =	ssyncadd.s32 $0xFFFFD800  }
0xf1: {  	[tilespmem:s26], [sflag:$0x8] =	stream.linear.gather @!p0 [hbm4b:s25+s23], $0x50, $0x38;
	[tilespmem:$0x1E600] =	vst v63  }
0xf2: {  	_ =	swait.ge [sflag:s12], $0x28  }
0xf3: {  	[sflag:s12] =	ssyncset.done $0x0  }
0xf4: {  	[sflag:s12] =	ssyncadd.s32 $0xFFFFFFD8  }
0xf5: {  	_ =	swait.ge [sflag:s12], $0x28  }
0xf6: {  	[sflag:s12] =	ssyncset.done $0x0  }
0xf7: {  	s29 =	simm.s32 $0x7E00;
	s25 =	simm.s32 $0x380;
	[sflag:s12] =	ssyncadd.s32 $0xFFFFFFD8  }
0xf8: {  	[spmem:s1] =	stream.indirect.scatter.add.f32 [tilespmem:s29], [sflag:$0x10], $0x80, s25, s17, $0xb8;
	[tilespmem:$0x1E600] =	vst v63  }
0xf9: {  	s25 =	simm.s32 $0x580;
	s29 =	simm.s32 $0x9200  }
0xfa: {  	[spmem:s1] =	stream.indirect.scatter.add.f32 [tilespmem:s29], [sflag:$0x10], $0x80, s25, s17, $0xb8;
	[tilespmem:$0x1E600] =	vst v63  }
0xfb: {  	_ =	swait.ge [sflag:s6], $0x1400  }
0xfc: {  	[sflag:s6] =	ssyncset.done $0x0  }
0xfd: {  	[sflag:s6] =	ssyncadd.s32 $0xFFFFEC00  }
0xfe: {  	_ =	swait.ge [sflag:s6], $0x1400  }
0xff: {  	s25 =	sld [smem:$0x7FB];
	_ =	sdelay $0x1  }
0x100: {  	[sflag:s6] =	ssyncset.done $0x0  }
0x101: {  	s29 =	simm.s32 @!p0 $0x380;
	[sflag:s6] =	ssyncadd.s32 $0xFFFFEC00;
	s25 =	sadd.s32 @!p0 s5, s25  }
0x102: {  	[tilespmem:s29], [sflag:$0xC] =	stream.linear.gather @!p0 [hbm4b:s25+s23], $0x28, $0x38;
	[tilespmem:$0x1E600] =	vst v63  }
0x103: {  	s25 =	rddreg [dreg:$0x1a]  }
0x104: {  	s29 =	simm.s32 @!p0 $0x580;
	s25 =	sadd.s32 @!p0 s5, s25  }
0x105: {  	[tilespmem:s29], [sflag:$0xC] =	stream.linear.gather @!p0 [hbm4b:s25+s23], $0x28, $0x38;
	[tilespmem:$0x1E600] =	vst v63  }
.Ltmp4:
0x106: {  	s23 =	simm.s32 @!p0 $0x8;
	(pc) =	sbr.rel .LBB2_4-.Ltmp4, $4  }
0x107: {  	_ =	swait.ge @!p0 [sflag:s23], $0x50  }
0x108: {  	s22 =	sadd.s32 $0x140, s22;
	[sflag:s23] =	ssyncset.done @!p0 $0x0  }
0x109: {  	s5 =	sadd.s32 $0x28, s5;
	[sflag:s23] =	ssyncadd.s32 @!p0 $0xFFFFFFB0;
	s23 =	simm.s32 @!p0 $0x7E00  }
0x10a: {  	[tilespmem:s23], [sflag:$0x4] =	stream.indirect.gather @!p0 [hbm4b:s4+s24], $0x80, s26, s24, $0xb8;
	[tilespmem:$0x1E600] =	vst v63  }
.LBB2_7:
0x10b: {  	_ =	sfence.sel $0x180000  }
0x10c: {  	[bflag:$0x0] =	sbarrier.arrive $0xFFFF  }
0x10d: {  	_ =	strace $0x9000004A  }
0x10e: {  	s0 =	stileid.u32;
	[bflag:$0x2] =	sbarrier.arrive $0xFFFF  }
0x10f: {  	p0 =	sne.s32 s0, $0x0;
	s0 =	rddreg [dreg:$0x2]  }
0x110: {  	s0 =	sadd.s32 @!p0 $0x100000, s0  }
0x111: {  	[sflag:s0] =	ssyncadd.tile.s32 @!p0 $0x1;
	_ =	shalt  }
.Lfunc_end2:
_tile_overlayer_lowered:
.L_overlay_start_2:
0x112: {  	(tag) =	ssettag $0x2  }
0x113: {  	s0 =	rddreg [dreg:$0x0];
	s2 =	stileid.u32  }
0x114: {  	s1 =	rddreg [dreg:$0x1];
	p0 =	sne.s32 s2, $0x0  }
0x115: {  	s3 =	rddreg [dreg:$0x2];
	[bflag:$0x3] =	sbarrier.arrive $0xFFFF;
	s2 =	simm.s32 @!p0 $0x1C11  }
0x116: {  	[timem:s3], [sflag:s2] =	dma.local @!p0 [hbm:s0], s1  }
0x117: {  	s0 =	simm.s32 @!p0 $0x11  }
0x118: {  	_ =	swait.ge @!p0 [sflag:s0], s1  }
0x119: {  	s1 =	ssub.s32 @!p0 $0x0, s1;
	[sflag:s0] =	ssyncset.done @!p0 $0x0  }
0x11a: {  	[sflag:s0] =	ssyncadd.s32 @!p0 s1  }
0x11b: {  	[bflag:$0x3] =	sbarrier.arrive $0xFFFF  }
0x11c: {  	_ =	shalt  }

</sc_bundles>
